<compile_context>
chip_gen: v7x
topology: tpu7x:2x2x1
jax: 0.10.2.dev20260603
libtpu: 0.0.44.dev20260713+nightly
codegen_flags: <defaults>
</compile_context>

<pallas_src>
import functools

import jax
import jax.numpy as jnp
import numpy as np
from jax import lax
from jax.experimental import pallas as pl
from jax.experimental.pallas import tpu as pltpu
from jax.experimental.pallas import tpu_sc as plsc

N = 10000
L = 16
NC = 2
NS = 16
NW = NC * NS
NP2 = 10240
SL = NP2 // NS
NBIN = 20
INVW = np.float32(20.0)
NG = 256
R2 = np.float32(0.2 * 0.2)


def _sc_body(big_hbm, b_hbm, out_hbm, big_v, b_v, gl_v, lofs_v, cnt_v,
             allcnt_v, totals_v, endarr_v, mybase_v, t2_v,
             dc0, dc1, dc2, dc3, dc4, acc_v,
             shc_v, shx_v, shy_v, shz_v, shf_v, shg_v, dma_sem):
    cid = lax.axis_index("c")
    sid = lax.axis_index("s")
    wid = sid * NC + cid

    sbase = sid * SL
    slice_cps = [
        pltpu.async_copy(big_hbm.at[pl.ds(a * NP2 + sbase, SL)],
                         big_v.at[pl.ds(a * NP2 + sbase, SL)], dma_sem)
        for a in range(4)
    ]
    pltpu.sync_copy(b_hbm.at[pl.ds(sbase, SL)], b_v.at[pl.ds(sbase, SL)])

    lane = lax.iota(jnp.int32, L)
    zero16i = jnp.zeros((L,), jnp.int32)
    for cp in slice_cps:
        cp.wait()

    def g_body(v, _):
        off = sid * SL + (v << 4)
        xv = big_v[pl.ds(off, L)]
        bv = b_v[pl.ds(off, L)]
        xbin = jnp.minimum((xv * INVW).astype(jnp.int32), NBIN - 1)
        gl_v[pl.ds(v << 4, L)] = (bv << 5) + xbin
        return 0

    lax.fori_loop(0, SL // L, g_body, 0)

    def z_body(v, _):
        cnt_v[pl.ds(v << 4, L)] = zero16i
        return 0

    lax.fori_loop(0, NG // L, z_body, 0)

    lane0 = lane == 0

    def h_body(v, _):
        gv = gl_v[pl.ds(v << 4, L)]
        off_vec = zero16i
        for k in range(L):
            idx = jnp.full((L,), gv[k], jnp.int32)
            c = plsc.load_gather(cnt_v, [idx])[0]
            plsc.store_scatter(cnt_v, [idx],
                               jnp.full((L,), c + 1, jnp.int32), mask=lane0)
            off_vec = jnp.where(lane == k, c, off_vec)
        lofs_v[pl.ds(v << 4, L)] = off_vec
        return 0

    lax.fori_loop(0, SL // L, h_body, 0)

    pltpu.sync_copy(cnt_v, shc_v.at[pl.ds(sid * NG, NG)])
    plsc.subcore_barrier()
    pltpu.sync_copy(shc_v, allcnt_v)

    def tot_body(v, _):
        s = zero16i
        for t in range(NS):
            s = s + allcnt_v[pl.ds(t * NG + (v << 4), L)]
        totals_v[pl.ds(v << 4, L)] = s
        return 0

    lax.fori_loop(0, NG // L, tot_body, 0)

    def pfx_body(v, carry):
        tv = totals_v[pl.ds(v << 4, L)]
        incl = plsc.cumsum(tv) + carry
        endarr_v[pl.ds(v << 4, L)] = incl
        mybase_v[pl.ds(v << 4, L)] = incl - tv
        return incl[15]

    lax.fori_loop(0, NG // L, pfx_body, jnp.int32(0))

    def base_body(v, _):
        def row_add(t, b):
            return b + allcnt_v[pl.ds(t * NG + (v << 4), L)]
        b = lax.fori_loop(0, sid, row_add, mybase_v[pl.ds(v << 4, L)])
        mybase_v[pl.ds(v << 4, L)] = b
        return 0

    lax.fori_loop(0, NG // L, base_body, 0)

    def t2_body(v, _):
        gvec = lane + (v << 4)
        xbin = gvec & 31
        gwin = (gvec & -32) | jnp.minimum(xbin + 4, NBIN - 1)
        t2_v[pl.ds(v << 4, L)] = plsc.load_gather(endarr_v, [gwin])
        return 0

    lax.fori_loop(0, NG // L, t2_body, 0)

    dcs = [dc0, dc1, dc2, dc3, dc4]
    for c in range(5):
        for u in range(8):
            off = (c * 8 + u) << 4
            gv = gl_v[pl.ds(off, L)]
            base = plsc.load_gather(mybase_v, [gv])
            dcs[c][pl.ds(u << 4, L)] = base + lofs_v[pl.ds(off, L)]

    copies = []
    for c in range(5):
        srcoff = sid * SL + c * 128
        for aoff, dst in ((0, shx_v), (NP2, shy_v), (2 * NP2, shz_v),
                          (3 * NP2, shf_v)):
            copies.append(pltpu.async_copy(
                big_v.at[pl.ds(aoff + srcoff, 128)], dst.at[dcs[c]], dma_sem))
        copies.append(pltpu.async_copy(
            gl_v.at[pl.ds(c * 128, 128)], shg_v.at[dcs[c]], dma_sem))
    for cp in copies:
        cp.wait()
    plsc.subcore_barrier()

    back = [
        pltpu.async_copy(shx_v, big_v.at[pl.ds(0, NP2)], dma_sem),
        pltpu.async_copy(shy_v, big_v.at[pl.ds(NP2, NP2)], dma_sem),
        pltpu.async_copy(shz_v, big_v.at[pl.ds(2 * NP2, NP2)], dma_sem),
        pltpu.async_copy(shf_v, big_v.at[pl.ds(3 * NP2, NP2)], dma_sem),
        pltpu.async_copy(shg_v, b_v.at[pl.ds(0, NP2)], dma_sem),
    ]
    for cp in back:
        cp.wait()

    def body_t(t, acc):
        i = wid + t * NW
        xi = big_v[pl.ds(i, L)][0]
        yi = big_v[pl.ds(NP2 + i, L)][0]
        zi = big_v[pl.ds(2 * NP2 + i, L)][0]
        fi = big_v[pl.ds(3 * NP2 + i, L)][0]
        gi = b_v[pl.ds(i, L)][0]
        e0 = plsc.load_gather(t2_v, [jnp.full((L,), gi, jnp.int32)])[0]

        def edge_j(jv, a, extra_ok):
            base = jv << 4
            jvec = lane + base
            dx = big_v[pl.ds(base, L)] - xi
            dy = big_v[pl.ds(NP2 + base, L)] - yi
            dz = big_v[pl.ds(2 * NP2 + base, L)] - zi
            d2 = dx * dx + dy * dy + dz * dz
            df = big_v[pl.ds(3 * NP2 + base, L)] - fi
            m = (d2 <= R2) & (jvec > i) & (jvec < e0) & extra_ok
            return jnp.where(m, a + df * df, a)

        def edge_hi(jv, a, extra_ok):
            base = jv << 4
            jvec = lane + base
            dx = big_v[pl.ds(base, L)] - xi
            dy = big_v[pl.ds(NP2 + base, L)] - yi
            dz = big_v[pl.ds(2 * NP2 + base, L)] - zi
            d2 = dx * dx + dy * dy + dz * dz
            df = big_v[pl.ds(3 * NP2 + base, L)] - fi
            m = (d2 <= R2) & (jvec < e0) & extra_ok
            return jnp.where(m, a + df * df, a)

        def body_j(jv, a):
            base = jv << 4
            dx = big_v[pl.ds(base, L)] - xi
            dy = big_v[pl.ds(NP2 + base, L)] - yi
            dz = big_v[pl.ds(2 * NP2 + base, L)] - zi
            d2 = dx * dx + dy * dy + dz * dz
            df = big_v[pl.ds(3 * NP2 + base, L)] - fi
            return jnp.where(d2 <= R2, a + df * df, a)

        va = (i + 1) >> 4
        vb = e0 >> 4
        acc = edge_j(va, acc, True)
        acc = plsc.parallel_loop(va + 1, vb, carry=acc, unroll=4)(body_j)
        return edge_hi(vb, acc, vb > va)

    nvals = ((NP2 - 1 - wid) >> 5) + 1
    acc = lax.fori_loop(0, nvals, body_t, jnp.zeros((L,), jnp.float32))
    acc_v[...] = acc
    pltpu.sync_copy(acc_v, out_hbm.at[wid])


_dirichlet_sc = functools.partial(
    pl.kernel,
    out_type=jax.ShapeDtypeStruct((NW, L), jnp.float32),
    mesh=plsc.VectorSubcoreMesh(core_axis_name="c", subcore_axis_name="s"),
    compiler_params=pltpu.CompilerParams(needs_layout_passes=False),
    scratch_types=[
        pltpu.VMEM((4 * NP2 + L,), jnp.float32),
        pltpu.VMEM((NP2 + L,), jnp.int32),
        pltpu.VMEM((SL,), jnp.int32),
        pltpu.VMEM((SL,), jnp.int32),
        pltpu.VMEM((NG,), jnp.int32),
        pltpu.VMEM((NS * NG,), jnp.int32),
        pltpu.VMEM((NG,), jnp.int32),
        pltpu.VMEM((NG,), jnp.int32),
        pltpu.VMEM((NG,), jnp.int32),
        pltpu.VMEM((NG,), jnp.int32),
        pltpu.VMEM((128,), jnp.int32),
        pltpu.VMEM((128,), jnp.int32),
        pltpu.VMEM((128,), jnp.int32),
        pltpu.VMEM((128,), jnp.int32),
        pltpu.VMEM((128,), jnp.int32),
        pltpu.VMEM((L,), jnp.float32),
        pltpu.VMEM_SHARED((NS * NG,), jnp.int32),
        pltpu.VMEM_SHARED((NP2,), jnp.float32),
        pltpu.VMEM_SHARED((NP2,), jnp.float32),
        pltpu.VMEM_SHARED((NP2,), jnp.float32),
        pltpu.VMEM_SHARED((NP2,), jnp.float32),
        pltpu.VMEM_SHARED((NP2,), jnp.int32),
        pltpu.SemaphoreType.DMA,
    ],
)(_sc_body)


def kernel(pos, f, batch_idx):
    padn = NP2 - N
    pt = jnp.pad(pos.astype(jnp.float32).T, ((0, 0), (0, padn)),
                 constant_values=7.0)
    fp = jnp.pad(f.astype(jnp.float32), ((0, padn),))
    big = jnp.concatenate([pt, fp[None, :]], axis=0).reshape(4 * NP2)
    bp = jnp.pad(batch_idx.astype(jnp.int32), ((0, padn),),
                 constant_values=7)
    out = _dirichlet_sc(big, bp)
    return jnp.sum(out) / pos.shape[0]

# --- scband reference (transcript-rebuilt; emitter-appended) ---
"""Pipeline reference for scband-dirichlet-loss-87368224735836 (READ-ONLY COPY).

The authoritative reference and input builder live on the scoring server;
editing this copy changes nothing except your own understanding.
"""

import jax, jax.numpy as jnp
import numpy as np

R = 0.2

def setup_inputs(seed: int = 0) -> dict:
    key = jax.random.key(seed)
    k1, k2, k3 = jax.random.split(key, 3)
    N = 10000
    pos = jax.random.uniform(k1, (N, 3), dtype=jnp.float32)
    f = jax.random.normal(k2, (N,), dtype=jnp.float32)
    batch_idx = jnp.sort(jax.random.randint(k3, (N,), 0, 8)).astype(jnp.int64)
    return {"pos": pos, "f": f, "batch_idx": batch_idx}

def reference(pos, f, batch_idx):
    # Sparse-format Dirichlet loss: radius graph (all pairs within R, same batch),
    # grad_f = (f[x]-f[y])**2 computed under no_grad in torch -> stop_gradient here,
    # scatter_add over destination node, then 0.5 * mean.
    N = pos.shape[0]
    chunk = 1000
    C = N // chunk
    pos_c = pos.reshape(C, chunk, 3)
    f_c = f.reshape(C, chunk)
    b_c = batch_idx.reshape(C, chunk)
    r2 = R * R

    def _chunk(args):
        pc, fc, bc = args
        d2 = ((pc[:, None, :] - pos[None, :, :]) ** 2).sum(-1)
        mask = (d2 <= r2) & (bc[:, None] == batch_idx[None, :])
        gf = (fc[:, None] - f[None, :]) ** 2
        gf = jax.lax.stop_gradient(gf)
        # masked sum over neighbors == scatter_add(grad_f, y_idx, dim_size=N)
        return jnp.where(mask, gf, 0.0).sum(axis=1)

    variances = jax.lax.map(_chunk, (pos_c, f_c, b_c)).reshape(N)
    return 0.5 * jnp.mean(variances)

if __name__ == "__main__":
    import jax
    _d = setup_inputs()
    print(jax.jit(kernel)(*tuple(_d.values())))

</pallas_src>

<mosaic_0001>
#map = affine_map<(d0, d1) -> (0)>
#map1 = affine_map<(d0, d1) -> (0, 0)>
module attributes {stable_mosaic.version = 14 : i64} {
  func.func @_sc_body(%arg0: i32, %arg1: i32, %arg2: memref<40960xf32, #tpu.memory_space<hbm>>, %arg3: memref<10240xi32, #tpu.memory_space<hbm>>, %arg4: memref<32x16xf32, #tpu.memory_space<hbm>>, %arg5: memref<40976xf32, #tpu.memory_space<vmem>>, %arg6: memref<10256xi32, #tpu.memory_space<vmem>>, %arg7: memref<640xi32, #tpu.memory_space<vmem>>, %arg8: memref<640xi32, #tpu.memory_space<vmem>>, %arg9: memref<256xi32, #tpu.memory_space<vmem>>, %arg10: memref<4096xi32, #tpu.memory_space<vmem>>, %arg11: memref<256xi32, #tpu.memory_space<vmem>>, %arg12: memref<256xi32, #tpu.memory_space<vmem>>, %arg13: memref<256xi32, #tpu.memory_space<vmem>>, %arg14: memref<256xi32, #tpu.memory_space<vmem>>, %arg15: memref<128xi32, #tpu.memory_space<vmem>>, %arg16: memref<128xi32, #tpu.memory_space<vmem>>, %arg17: memref<128xi32, #tpu.memory_space<vmem>>, %arg18: memref<128xi32, #tpu.memory_space<vmem>>, %arg19: memref<128xi32, #tpu.memory_space<vmem>>, %arg20: memref<16xf32, #tpu.memory_space<vmem>>, %arg21: memref<4096xi32, #tpu.memory_space<vmem_shared>>, %arg22: memref<10240xf32, #tpu.memory_space<vmem_shared>>, %arg23: memref<10240xf32, #tpu.memory_space<vmem_shared>>, %arg24: memref<10240xf32, #tpu.memory_space<vmem_shared>>, %arg25: memref<10240xf32, #tpu.memory_space<vmem_shared>>, %arg26: memref<10240xi32, #tpu.memory_space<vmem_shared>>, %arg27: memref<!tpu.dma_semaphore, #tpu.memory_space<semaphore_mem>>) attributes {dimension_semantics = [#tpu.dimension_semantics<core_parallel>, #tpu.dimension_semantics<subcore_parallel>], iteration_bounds = array<i64: 2, 16>, scalar_prefetch = 0 : i64, scratch_operands = 23 : i64, tpu.core_type = #tpu.core_type<sc_vector_subcore>, window_params = [{transform_indices = #map}, {transform_indices = #map}, {transform_indices = #map1}]} {
    %mul3A = arith.constant 2 : i32
    %mul3A_0 = arith.muli %arg1, %mul3A : i32
    %add3A = arith.addi %mul3A_0, %arg0 : i32
    %mul3A_1 = arith.constant 640 : i32
    %mul3A_2 = arith.muli %arg1, %mul3A_1 : i32
    %add3A_3 = arith.constant 0 : i32
    %add3A_4 = arith.addi %add3A_3, %mul3A_2 : i32
    %add3A_5 = arith.constant 0 : i32
    %add3A_6 = arith.addi %add3A_5, %mul3A_2 : i32
    %dma_start3A = tpu.memref_slice %arg5[%add3A_6] : memref<40976xf32, #tpu.memory_space<vmem>> -> memref<640xf32, #tpu.memory_space<vmem>>
    %dma_start3A_7 = tpu.memref_slice %arg2[%add3A_4] : memref<40960xf32, #tpu.memory_space<hbm>> -> memref<640xf32, #tpu.memory_space<hbm>>
    %dma_start3A_8 = tpu.memref_slice %arg5[%add3A_6] : memref<40976xf32, #tpu.memory_space<vmem>> -> memref<640xf32, #tpu.memory_space<vmem>>
    %dma_start3A_9 = tpu.memref_slice %arg2[%add3A_4] : memref<40960xf32, #tpu.memory_space<hbm>> -> memref<640xf32, #tpu.memory_space<hbm>>
    tpu.enqueue_dma source(%dma_start3A_9 : memref<640xf32, #tpu.memory_space<hbm>>) target(%dma_start3A_8 : memref<640xf32, #tpu.memory_space<vmem>>) target_semaphore(%arg27 : memref<!tpu.dma_semaphore, #tpu.memory_space<semaphore_mem>>)
    %add3A_10 = arith.constant 10240 : i32
    %add3A_11 = arith.addi %add3A_10, %mul3A_2 : i32
    %add3A_12 = arith.constant 10240 : i32
    %add3A_13 = arith.addi %add3A_12, %mul3A_2 : i32
    %dma_start3A_14 = tpu.memref_slice %arg5[%add3A_13] : memref<40976xf32, #tpu.memory_space<vmem>> -> memref<640xf32, #tpu.memory_space<vmem>>
    %dma_start3A_15 = tpu.memref_slice %arg2[%add3A_11] : memref<40960xf32, #tpu.memory_space<hbm>> -> memref<640xf32, #tpu.memory_space<hbm>>
    %dma_start3A_16 = tpu.memref_slice %arg5[%add3A_13] : memref<40976xf32, #tpu.memory_space<vmem>> -> memref<640xf32, #tpu.memory_space<vmem>>
    %dma_start3A_17 = tpu.memref_slice %arg2[%add3A_11] : memref<40960xf32, #tpu.memory_space<hbm>> -> memref<640xf32, #tpu.memory_space<hbm>>
    tpu.enqueue_dma source(%dma_start3A_17 : memref<640xf32, #tpu.memory_space<hbm>>) target(%dma_start3A_16 : memref<640xf32, #tpu.memory_space<vmem>>) target_semaphore(%arg27 : memref<!tpu.dma_semaphore, #tpu.memory_space<semaphore_mem>>)
    %add3A_18 = arith.constant 20480 : i32
    %add3A_19 = arith.addi %add3A_18, %mul3A_2 : i32
    %add3A_20 = arith.constant 20480 : i32
    %add3A_21 = arith.addi %add3A_20, %mul3A_2 : i32
    %dma_start3A_22 = tpu.memref_slice %arg5[%add3A_21] : memref<40976xf32, #tpu.memory_space<vmem>> -> memref<640xf32, #tpu.memory_space<vmem>>
    %dma_start3A_23 = tpu.memref_slice %arg2[%add3A_19] : memref<40960xf32, #tpu.memory_space<hbm>> -> memref<640xf32, #tpu.memory_space<hbm>>
    %dma_start3A_24 = tpu.memref_slice %arg5[%add3A_21] : memref<40976xf32, #tpu.memory_space<vmem>> -> memref<640xf32, #tpu.memory_space<vmem>>
    %dma_start3A_25 = tpu.memref_slice %arg2[%add3A_19] : memref<40960xf32, #tpu.memory_space<hbm>> -> memref<640xf32, #tpu.memory_space<hbm>>
    tpu.enqueue_dma source(%dma_start3A_25 : memref<640xf32, #tpu.memory_space<hbm>>) target(%dma_start3A_24 : memref<640xf32, #tpu.memory_space<vmem>>) target_semaphore(%arg27 : memref<!tpu.dma_semaphore, #tpu.memory_space<semaphore_mem>>)
    %add3A_26 = arith.constant 30720 : i32
    %add3A_27 = arith.addi %add3A_26, %mul3A_2 : i32
    %add3A_28 = arith.constant 30720 : i32
    %add3A_29 = arith.addi %add3A_28, %mul3A_2 : i32
    %dma_start3A_30 = tpu.memref_slice %arg5[%add3A_29] : memref<40976xf32, #tpu.memory_space<vmem>> -> memref<640xf32, #tpu.memory_space<vmem>>
    %dma_start3A_31 = tpu.memref_slice %arg2[%add3A_27] : memref<40960xf32, #tpu.memory_space<hbm>> -> memref<640xf32, #tpu.memory_space<hbm>>
    %dma_start3A_32 = tpu.memref_slice %arg5[%add3A_29] : memref<40976xf32, #tpu.memory_space<vmem>> -> memref<640xf32, #tpu.memory_space<vmem>>
    %dma_start3A_33 = tpu.memref_slice %arg2[%add3A_27] : memref<40960xf32, #tpu.memory_space<hbm>> -> memref<640xf32, #tpu.memory_space<hbm>>
    tpu.enqueue_dma source(%dma_start3A_33 : memref<640xf32, #tpu.memory_space<hbm>>) target(%dma_start3A_32 : memref<640xf32, #tpu.memory_space<vmem>>) target_semaphore(%arg27 : memref<!tpu.dma_semaphore, #tpu.memory_space<semaphore_mem>>)
    "tpu.region"() ({
      %run_scoped3A = tpu.sem_alloc : memref<!tpu.dma_semaphore, #tpu.memory_space<semaphore_mem>>
      %dma_start3A_698 = tpu.memref_slice %arg6[%mul3A_2] : memref<10256xi32, #tpu.memory_space<vmem>> -> memref<640xi32, #tpu.memory_space<vmem>>
      %dma_start3A_699 = tpu.memref_slice %arg3[%mul3A_2] : memref<10240xi32, #tpu.memory_space<hbm>> -> memref<640xi32, #tpu.memory_space<hbm>>
      %dma_start3A_700 = tpu.memref_slice %arg6[%mul3A_2] : memref<10256xi32, #tpu.memory_space<vmem>> -> memref<640xi32, #tpu.memory_space<vmem>>
      %dma_start3A_701 = tpu.memref_slice %arg3[%mul3A_2] : memref<10240xi32, #tpu.memory_space<hbm>> -> memref<640xi32, #tpu.memory_space<hbm>>
      tpu.enqueue_dma source(%dma_start3A_701 : memref<640xi32, #tpu.memory_space<hbm>>) target(%dma_start3A_700 : memref<640xi32, #tpu.memory_space<vmem>>) target_semaphore(%run_scoped3A : memref<!tpu.dma_semaphore, #tpu.memory_space<semaphore_mem>>)
      %dma_wait3A_702 = tpu.memref_slice %arg6[%mul3A_2] : memref<10256xi32, #tpu.memory_space<vmem>> -> memref<640xi32, #tpu.memory_space<vmem>>
      %dma_wait3A_703 = tpu.memref_slice %arg3[%mul3A_2] : memref<10240xi32, #tpu.memory_space<hbm>> -> memref<640xi32, #tpu.memory_space<hbm>>
      %dma_wait3A_704 = tpu.memref_slice %arg6[%mul3A_2] : memref<10256xi32, #tpu.memory_space<vmem>> -> memref<640xi32, #tpu.memory_space<vmem>>
      %dma_wait3A_705 = tpu.memref_slice %arg3[%mul3A_2] : memref<10240xi32, #tpu.memory_space<hbm>> -> memref<640xi32, #tpu.memory_space<hbm>>
      tpu.wait_dma2 semaphore(%run_scoped3A : memref<!tpu.dma_semaphore, #tpu.memory_space<semaphore_mem>>) src(%dma_wait3A_705 : memref<640xi32, #tpu.memory_space<hbm>>) dst(%dma_wait3A_704 : memref<640xi32, #tpu.memory_space<vmem>>)
      tpu.yield
    }) : () -> ()
    %iota3A = tpu.iota {dimensions = array<i32: 0>} : vector<16xi32>
    %broadcast_in_dim3A = arith.constant 0 : i32
    %broadcast_in_dim3A_34 = vector.broadcast %broadcast_in_dim3A : i32 to vector<16xi32>
    %dma_wait3A = tpu.memref_slice %arg5[%add3A_6] : memref<40976xf32, #tpu.memory_space<vmem>> -> memref<640xf32, #tpu.memory_space<vmem>>
    %dma_wait3A_35 = tpu.memref_slice %arg2[%add3A_4] : memref<40960xf32, #tpu.memory_space<hbm>> -> memref<640xf32, #tpu.memory_space<hbm>>
    %dma_wait3A_36 = tpu.memref_slice %arg5[%add3A_6] : memref<40976xf32, #tpu.memory_space<vmem>> -> memref<640xf32, #tpu.memory_space<vmem>>
    %dma_wait3A_37 = tpu.memref_slice %arg2[%add3A_4] : memref<40960xf32, #tpu.memory_space<hbm>> -> memref<640xf32, #tpu.memory_space<hbm>>
    tpu.wait_dma2 semaphore(%arg27 : memref<!tpu.dma_semaphore, #tpu.memory_space<semaphore_mem>>) src(%dma_wait3A_37 : memref<640xf32, #tpu.memory_space<hbm>>) dst(%dma_wait3A_36 : memref<640xf32, #tpu.memory_space<vmem>>)
    %dma_wait3A_38 = tpu.memref_slice %arg5[%add3A_13] : memref<40976xf32, #tpu.memory_space<vmem>> -> memref<640xf32, #tpu.memory_space<vmem>>
    %dma_wait3A_39 = tpu.memref_slice %arg2[%add3A_11] : memref<40960xf32, #tpu.memory_space<hbm>> -> memref<640xf32, #tpu.memory_space<hbm>>
    %dma_wait3A_40 = tpu.memref_slice %arg5[%add3A_13] : memref<40976xf32, #tpu.memory_space<vmem>> -> memref<640xf32, #tpu.memory_space<vmem>>
    %dma_wait3A_41 = tpu.memref_slice %arg2[%add3A_11] : memref<40960xf32, #tpu.memory_space<hbm>> -> memref<640xf32, #tpu.memory_space<hbm>>
    tpu.wait_dma2 semaphore(%arg27 : memref<!tpu.dma_semaphore, #tpu.memory_space<semaphore_mem>>) src(%dma_wait3A_41 : memref<640xf32, #tpu.memory_space<hbm>>) dst(%dma_wait3A_40 : memref<640xf32, #tpu.memory_space<vmem>>)
    %dma_wait3A_42 = tpu.memref_slice %arg5[%add3A_21] : memref<40976xf32, #tpu.memory_space<vmem>> -> memref<640xf32, #tpu.memory_space<vmem>>
    %dma_wait3A_43 = tpu.memref_slice %arg2[%add3A_19] : memref<40960xf32, #tpu.memory_space<hbm>> -> memref<640xf32, #tpu.memory_space<hbm>>
    %dma_wait3A_44 = tpu.memref_slice %arg5[%add3A_21] : memref<40976xf32, #tpu.memory_space<vmem>> -> memref<640xf32, #tpu.memory_space<vmem>>
    %dma_wait3A_45 = tpu.memref_slice %arg2[%add3A_19] : memref<40960xf32, #tpu.memory_space<hbm>> -> memref<640xf32, #tpu.memory_space<hbm>>
    tpu.wait_dma2 semaphore(%arg27 : memref<!tpu.dma_semaphore, #tpu.memory_space<semaphore_mem>>) src(%dma_wait3A_45 : memref<640xf32, #tpu.memory_space<hbm>>) dst(%dma_wait3A_44 : memref<640xf32, #tpu.memory_space<vmem>>)
    %dma_wait3A_46 = tpu.memref_slice %arg5[%add3A_29] : memref<40976xf32, #tpu.memory_space<vmem>> -> memref<640xf32, #tpu.memory_space<vmem>>
    %dma_wait3A_47 = tpu.memref_slice %arg2[%add3A_27] : memref<40960xf32, #tpu.memory_space<hbm>> -> memref<640xf32, #tpu.memory_space<hbm>>
    %dma_wait3A_48 = tpu.memref_slice %arg5[%add3A_29] : memref<40976xf32, #tpu.memory_space<vmem>> -> memref<640xf32, #tpu.memory_space<vmem>>
    %dma_wait3A_49 = tpu.memref_slice %arg2[%add3A_27] : memref<40960xf32, #tpu.memory_space<hbm>> -> memref<640xf32, #tpu.memory_space<hbm>>
    tpu.wait_dma2 semaphore(%arg27 : memref<!tpu.dma_semaphore, #tpu.memory_space<semaphore_mem>>) src(%dma_wait3A_49 : memref<640xf32, #tpu.memory_space<hbm>>) dst(%dma_wait3A_48 : memref<640xf32, #tpu.memory_space<vmem>>)
    %scan3A = arith.constant 0 : i32
    %scan3A_50 = arith.constant 0 : i32
    %scan3A_51 = arith.constant 40 : i32
    %scan3A_52 = arith.addi %scan3A_50, %scan3A_51 : i32
    %scan3A_53 = arith.constant 1 : i32
    %scan3A_54 = scf.for %scan3A_698 = %scan3A_50 to %scan3A_52 step %scan3A_53 iter_args(%scan3A_699 = %scan3A) -> (i32)  : i32 {
      %mul3A_700 = arith.constant 640 : i32
      %mul3A_701 = arith.muli %arg1, %mul3A_700 : i32
      %shift_left3A = arith.constant 4 : i32
      %shift_left3A_702 = arith.shli %scan3A_698, %shift_left3A : i32
      %add3A_703 = arith.addi %mul3A_701, %shift_left3A_702 : i32
      %get3A_704 = arith.index_cast %add3A_703 : i32 to index
      %get3A_705 = tpu.vector_load %arg5[%get3A_704] {strides = array<i32>} : memref<40976xf32, #tpu.memory_space<vmem>>, vector<16xf32>,
      %get3A_706 = arith.index_cast %add3A_703 : i32 to index
      %get3A_707 = tpu.vector_load %arg6[%get3A_706] {strides = array<i32>} : memref<10256xi32, #tpu.memory_space<vmem>>, vector<16xi32>,
      %mul3A_708 = arith.constant 2.000000e+01 : f32
      %mul3A_709 = vector.broadcast %mul3A_708 : f32 to vector<16xf32>
      %mul3A_710 = arith.mulf %get3A_705, %mul3A_709 : vector<16xf32>
      %convert_element_type3A = arith.fptosi %mul3A_710 : vector<16xf32> to vector<16xi32>
      %min3A = arith.constant 19 : i32
      %min3A_711 = vector.broadcast %min3A : i32 to vector<16xi32>
      %min3A_712 = arith.minsi %convert_element_type3A, %min3A_711 : vector<16xi32>
      %shift_left3A_713 = arith.constant 5 : i32
      %shift_left3A_714 = vector.broadcast %shift_left3A_713 : i32 to vector<16xi32>
      %shift_left3A_715 = arith.shli %get3A_707, %shift_left3A_714 : vector<16xi32>
      %add3A_716 = arith.addi %shift_left3A_715, %min3A_712 : vector<16xi32>
      %shift_left3A_717 = arith.constant 4 : i32
      %shift_left3A_718 = arith.shli %scan3A_698, %shift_left3A_717 : i32
      %swap3A_719 = arith.index_cast %shift_left3A_718 : i32 to index
      %swap3A_720 = tpu.vector_load %arg7[%swap3A_719] {strides = array<i32>} : memref<640xi32, #tpu.memory_space<vmem>>, vector<16xi32>,
      tpu.vector_store %arg7[%swap3A_719], %add3A_716 {strides = array<i32>} : memref<640xi32, #tpu.memory_space<vmem>>, vector<16xi32>,
      %scan3A_721 = arith.constant 0 : i32
      scf.yield %scan3A_721 : i32
    }
    %scan3A_55 = arith.constant 40 : i32
    %scan3A_56 = arith.constant 0 : i32
    %scan3A_57 = arith.constant 0 : i32
    %scan3A_58 = arith.constant 16 : i32
    %scan3A_59 = arith.addi %scan3A_57, %scan3A_58 : i32
    %scan3A_60 = arith.constant 1 : i32
    %scan3A_61 = scf.for %scan3A_698 = %scan3A_57 to %scan3A_59 step %scan3A_60 iter_args(%scan3A_699 = %scan3A_56) -> (i32)  : i32 {
      %shift_left3A = arith.constant 4 : i32
      %shift_left3A_700 = arith.shli %scan3A_698, %shift_left3A : i32
      %swap3A_701 = arith.index_cast %shift_left3A_700 : i32 to index
      %swap3A_702 = tpu.vector_load %arg9[%swap3A_701] {strides = array<i32>} : memref<256xi32, #tpu.memory_space<vmem>>, vector<16xi32>,
      tpu.vector_store %arg9[%swap3A_701], %broadcast_in_dim3A_34 {strides = array<i32>} : memref<256xi32, #tpu.memory_space<vmem>>, vector<16xi32>,
      %scan3A_703 = arith.constant 0 : i32
      scf.yield %scan3A_703 : i32
    }
    %scan3A_62 = arith.constant 16 : i32
    %eq3A = arith.constant 0 : i32
    %eq3A_63 = vector.broadcast %eq3A : i32 to vector<16xi32>
    %eq3A_64 = arith.cmpi eq, %iota3A, %eq3A_63 : vector<16xi32>
    %scan3A_65 = arith.constant 0 : i32
    %scan3A_66 = arith.constant 0 : i32
    %scan3A_67 = arith.constant 40 : i32
    %scan3A_68 = arith.addi %scan3A_66, %scan3A_67 : i32
    %scan3A_69 = arith.constant 1 : i32
    %scan3A_70 = scf.for %scan3A_698 = %scan3A_66 to %scan3A_68 step %scan3A_69 iter_args(%scan3A_699 = %scan3A_65) -> (i32)  : i32 {
      %shift_left3A = arith.constant 4 : i32
      %shift_left3A_700 = arith.shli %scan3A_698, %shift_left3A : i32
      %get3A_701 = arith.index_cast %shift_left3A_700 : i32 to index
      %get3A_702 = tpu.vector_load %arg7[%get3A_701] {strides = array<i32>} : memref<640xi32, #tpu.memory_space<vmem>>, vector<16xi32>,
      %slice3A = vector.extract_strided_slice %get3A_702 {offsets = [0], sizes = [1], strides = [1]} : vector<16xi32> to vector<1xi32>
      %squeeze3A = vector.extract %slice3A[0] : i32 from vector<1xi32>
      %broadcast_in_dim3A_703 = vector.broadcast %squeeze3A : i32 to vector<16xi32>
      %gather3A_704 = tpu.vector_load_idx %arg9[%broadcast_in_dim3A_703] : memref<256xi32, #tpu.memory_space<vmem>>[vector<16xi32>], vector<16xi32>,
      %slice3A_705 = vector.extract_strided_slice %gather3A_704 {offsets = [0], sizes = [1], strides = [1]} : vector<16xi32> to vector<1xi32>
      %squeeze3A_706 = vector.extract %slice3A_705[0] : i32 from vector<1xi32>
      %add3A_707 = arith.constant 1 : i32
      %add3A_708 = arith.addi %squeeze3A_706, %add3A_707 : i32
      %broadcast_in_dim3A_709 = vector.broadcast %add3A_708 : i32 to vector<16xi32>
      tpu.vector_store_idx %arg9[%broadcast_in_dim3A_703], %broadcast_in_dim3A_709 masked %eq3A_64 : memref<256xi32, #tpu.memory_space<vmem>>[vector<16xi32>], vector<16xi32>, vector<16xi1>
      %eq3A_710 = arith.constant 0 : i32
      %eq3A_711 = vector.broadcast %eq3A_710 : i32 to vector<16xi32>
      %eq3A_712 = arith.cmpi eq, %iota3A, %eq3A_711 : vector<16xi32>
      %broadcast_in_dim3A_713 = vector.broadcast %squeeze3A_706 : i32 to vector<16xi32>
      %select_n3A = arith.select %eq3A_712, %broadcast_in_dim3A_713, %broadcast_in_dim3A_34 : vector<16xi1>, vector<16xi32>
      %slice3A_714 = vector.extract_strided_slice %get3A_702 {offsets = [1], sizes = [1], strides = [1]} : vector<16xi32> to vector<1xi32>
      %squeeze3A_715 = vector.extract %slice3A_714[0] : i32 from vector<1xi32>
      %broadcast_in_dim3A_716 = vector.broadcast %squeeze3A_715 : i32 to vector<16xi32>
      %gather3A_717 = tpu.vector_load_idx %arg9[%broadcast_in_dim3A_716] : memref<256xi32, #tpu.memory_space<vmem>>[vector<16xi32>], vector<16xi32>,
      %slice3A_718 = vector.extract_strided_slice %gather3A_717 {offsets = [0], sizes = [1], strides = [1]} : vector<16xi32> to vector<1xi32>
      %squeeze3A_719 = vector.extract %slice3A_718[0] : i32 from vector<1xi32>
      %add3A_720 = arith.constant 1 : i32
      %add3A_721 = arith.addi %squeeze3A_719, %add3A_720 : i32
      %broadcast_in_dim3A_722 = vector.broadcast %add3A_721 : i32 to vector<16xi32>
      tpu.vector_store_idx %arg9[%broadcast_in_dim3A_716], %broadcast_in_dim3A_722 masked %eq3A_64 : memref<256xi32, #tpu.memory_space<vmem>>[vector<16xi32>], vector<16xi32>, vector<16xi1>
      %eq3A_723 = arith.constant 1 : i32
      %eq3A_724 = vector.broadcast %eq3A_723 : i32 to vector<16xi32>
      %eq3A_725 = arith.cmpi eq, %iota3A, %eq3A_724 : vector<16xi32>
      %broadcast_in_dim3A_726 = vector.broadcast %squeeze3A_719 : i32 to vector<16xi32>
      %select_n3A_727 = arith.select %eq3A_725, %broadcast_in_dim3A_726, %select_n3A : vector<16xi1>, vector<16xi32>
      %slice3A_728 = vector.extract_strided_slice %get3A_702 {offsets = [2], sizes = [1], strides = [1]} : vector<16xi32> to vector<1xi32>
      %squeeze3A_729 = vector.extract %slice3A_728[0] : i32 from vector<1xi32>
      %broadcast_in_dim3A_730 = vector.broadcast %squeeze3A_729 : i32 to vector<16xi32>
      %gather3A_731 = tpu.vector_load_idx %arg9[%broadcast_in_dim3A_730] : memref<256xi32, #tpu.memory_space<vmem>>[vector<16xi32>], vector<16xi32>,
      %slice3A_732 = vector.extract_strided_slice %gather3A_731 {offsets = [0], sizes = [1], strides = [1]} : vector<16xi32> to vector<1xi32>
      %squeeze3A_733 = vector.extract %slice3A_732[0] : i32 from vector<1xi32>
      %add3A_734 = arith.constant 1 : i32
      %add3A_735 = arith.addi %squeeze3A_733, %add3A_734 : i32
      %broadcast_in_dim3A_736 = vector.broadcast %add3A_735 : i32 to vector<16xi32>
      tpu.vector_store_idx %arg9[%broadcast_in_dim3A_730], %broadcast_in_dim3A_736 masked %eq3A_64 : memref<256xi32, #tpu.memory_space<vmem>>[vector<16xi32>], vector<16xi32>, vector<16xi1>
      %eq3A_737 = arith.constant 2 : i32
      %eq3A_738 = vector.broadcast %eq3A_737 : i32 to vector<16xi32>
      %eq3A_739 = arith.cmpi eq, %iota3A, %eq3A_738 : vector<16xi32>
      %broadcast_in_dim3A_740 = vector.broadcast %squeeze3A_733 : i32 to vector<16xi32>
      %select_n3A_741 = arith.select %eq3A_739, %broadcast_in_dim3A_740, %select_n3A_727 : vector<16xi1>, vector<16xi32>
      %slice3A_742 = vector.extract_strided_slice %get3A_702 {offsets = [3], sizes = [1], strides = [1]} : vector<16xi32> to vector<1xi32>
      %squeeze3A_743 = vector.extract %slice3A_742[0] : i32 from vector<1xi32>
      %broadcast_in_dim3A_744 = vector.broadcast %squeeze3A_743 : i32 to vector<16xi32>
      %gather3A_745 = tpu.vector_load_idx %arg9[%broadcast_in_dim3A_744] : memref<256xi32, #tpu.memory_space<vmem>>[vector<16xi32>], vector<16xi32>,
      %slice3A_746 = vector.extract_strided_slice %gather3A_745 {offsets = [0], sizes = [1], strides = [1]} : vector<16xi32> to vector<1xi32>
      %squeeze3A_747 = vector.extract %slice3A_746[0] : i32 from vector<1xi32>
      %add3A_748 = arith.constant 1 : i32
      %add3A_749 = arith.addi %squeeze3A_747, %add3A_748 : i32
      %broadcast_in_dim3A_750 = vector.broadcast %add3A_749 : i32 to vector<16xi32>
      tpu.vector_store_idx %arg9[%broadcast_in_dim3A_744], %broadcast_in_dim3A_750 masked %eq3A_64 : memref<256xi32, #tpu.memory_space<vmem>>[vector<16xi32>], vector<16xi32>, vector<16xi1>
      %eq3A_751 = arith.constant 3 : i32
      %eq3A_752 = vector.broadcast %eq3A_751 : i32 to vector<16xi32>
      %eq3A_753 = arith.cmpi eq, %iota3A, %eq3A_752 : vector<16xi32>
      %broadcast_in_dim3A_754 = vector.broadcast %squeeze3A_747 : i32 to vector<16xi32>
      %select_n3A_755 = arith.select %eq3A_753, %broadcast_in_dim3A_754, %select_n3A_741 : vector<16xi1>, vector<16xi32>
      %slice3A_756 = vector.extract_strided_slice %get3A_702 {offsets = [4], sizes = [1], strides = [1]} : vector<16xi32> to vector<1xi32>
      %squeeze3A_757 = vector.extract %slice3A_756[0] : i32 from vector<1xi32>
      %broadcast_in_dim3A_758 = vector.broadcast %squeeze3A_757 : i32 to vector<16xi32>
      %gather3A_759 = tpu.vector_load_idx %arg9[%broadcast_in_dim3A_758] : memref<256xi32, #tpu.memory_space<vmem>>[vector<16xi32>], vector<16xi32>,
      %slice3A_760 = vector.extract_strided_slice %gather3A_759 {offsets = [0], sizes = [1], strides = [1]} : vector<16xi32> to vector<1xi32>
      %squeeze3A_761 = vector.extract %slice3A_760[0] : i32 from vector<1xi32>
      %add3A_762 = arith.constant 1 : i32
      %add3A_763 = arith.addi %squeeze3A_761, %add3A_762 : i32
      %broadcast_in_dim3A_764 = vector.broadcast %add3A_763 : i32 to vector<16xi32>
      tpu.vector_store_idx %arg9[%broadcast_in_dim3A_758], %broadcast_in_dim3A_764 masked %eq3A_64 : memref<256xi32, #tpu.memory_space<vmem>>[vector<16xi32>], vector<16xi32>, vector<16xi1>
      %eq3A_765 = arith.constant 4 : i32
      %eq3A_766 = vector.broadcast %eq3A_765 : i32 to vector<16xi32>
      %eq3A_767 = arith.cmpi eq, %iota3A, %eq3A_766 : vector<16xi32>
      %broadcast_in_dim3A_768 = vector.broadcast %squeeze3A_761 : i32 to vector<16xi32>
      %select_n3A_769 = arith.select %eq3A_767, %broadcast_in_dim3A_768, %select_n3A_755 : vector<16xi1>, vector<16xi32>
      %slice3A_770 = vector.extract_strided_slice %get3A_702 {offsets = [5], sizes = [1], strides = [1]} : vector<16xi32> to vector<1xi32>
      %squeeze3A_771 = vector.extract %slice3A_770[0] : i32 from vector<1xi32>
      %broadcast_in_dim3A_772 = vector.broadcast %squeeze3A_771 : i32 to vector<16xi32>
      %gather3A_773 = tpu.vector_load_idx %arg9[%broadcast_in_dim3A_772] : memref<256xi32, #tpu.memory_space<vmem>>[vector<16xi32>], vector<16xi32>,
      %slice3A_774 = vector.extract_strided_slice %gather3A_773 {offsets = [0], sizes = [1], strides = [1]} : vector<16xi32> to vector<1xi32>
      %squeeze3A_775 = vector.extract %slice3A_774[0] : i32 from vector<1xi32>
      %add3A_776 = arith.constant 1 : i32
      %add3A_777 = arith.addi %squeeze3A_775, %add3A_776 : i32
      %broadcast_in_dim3A_778 = vector.broadcast %add3A_777 : i32 to vector<16xi32>
      tpu.vector_store_idx %arg9[%broadcast_in_dim3A_772], %broadcast_in_dim3A_778 masked %eq3A_64 : memref<256xi32, #tpu.memory_space<vmem>>[vector<16xi32>], vector<16xi32>, vector<16xi1>
      %eq3A_779 = arith.constant 5 : i32
      %eq3A_780 = vector.broadcast %eq3A_779 : i32 to vector<16xi32>
      %eq3A_781 = arith.cmpi eq, %iota3A, %eq3A_780 : vector<16xi32>
      %broadcast_in_dim3A_782 = vector.broadcast %squeeze3A_775 : i32 to vector<16xi32>
      %select_n3A_783 = arith.select %eq3A_781, %broadcast_in_dim3A_782, %select_n3A_769 : vector<16xi1>, vector<16xi32>
      %slice3A_784 = vector.extract_strided_slice %get3A_702 {offsets = [6], sizes = [1], strides = [1]} : vector<16xi32> to vector<1xi32>
      %squeeze3A_785 = vector.extract %slice3A_784[0] : i32 from vector<1xi32>
      %broadcast_in_dim3A_786 = vector.broadcast %squeeze3A_785 : i32 to vector<16xi32>
      %gather3A_787 = tpu.vector_load_idx %arg9[%broadcast_in_dim3A_786] : memref<256xi32, #tpu.memory_space<vmem>>[vector<16xi32>], vector<16xi32>,
      %slice3A_788 = vector.extract_strided_slice %gather3A_787 {offsets = [0], sizes = [1], strides = [1]} : vector<16xi32> to vector<1xi32>
      %squeeze3A_789 = vector.extract %slice3A_788[0] : i32 from vector<1xi32>
      %add3A_790 = arith.constant 1 : i32
      %add3A_791 = arith.addi %squeeze3A_789, %add3A_790 : i32
      %broadcast_in_dim3A_792 = vector.broadcast %add3A_791 : i32 to vector<16xi32>
      tpu.vector_store_idx %arg9[%broadcast_in_dim3A_786], %broadcast_in_dim3A_792 masked %eq3A_64 : memref<256xi32, #tpu.memory_space<vmem>>[vector<16xi32>], vector<16xi32>, vector<16xi1>
      %eq3A_793 = arith.constant 6 : i32
      %eq3A_794 = vector.broadcast %eq3A_793 : i32 to vector<16xi32>
      %eq3A_795 = arith.cmpi eq, %iota3A, %eq3A_794 : vector<16xi32>
      %broadcast_in_dim3A_796 = vector.broadcast %squeeze3A_789 : i32 to vector<16xi32>
      %select_n3A_797 = arith.select %eq3A_795, %broadcast_in_dim3A_796, %select_n3A_783 : vector<16xi1>, vector<16xi32>
      %slice3A_798 = vector.extract_strided_slice %get3A_702 {offsets = [7], sizes = [1], strides = [1]} : vector<16xi32> to vector<1xi32>
      %squeeze3A_799 = vector.extract %slice3A_798[0] : i32 from vector<1xi32>
      %broadcast_in_dim3A_800 = vector.broadcast %squeeze3A_799 : i32 to vector<16xi32>
      %gather3A_801 = tpu.vector_load_idx %arg9[%broadcast_in_dim3A_800] : memref<256xi32, #tpu.memory_space<vmem>>[vector<16xi32>], vector<16xi32>,
      %slice3A_802 = vector.extract_strided_slice %gather3A_801 {offsets = [0], sizes = [1], strides = [1]} : vector<16xi32> to vector<1xi32>
      %squeeze3A_803 = vector.extract %slice3A_802[0] : i32 from vector<1xi32>
      %add3A_804 = arith.constant 1 : i32
      %add3A_805 = arith.addi %squeeze3A_803, %add3A_804 : i32
      %broadcast_in_dim3A_806 = vector.broadcast %add3A_805 : i32 to vector<16xi32>
      tpu.vector_store_idx %arg9[%broadcast_in_dim3A_800], %broadcast_in_dim3A_806 masked %eq3A_64 : memref<256xi32, #tpu.memory_space<vmem>>[vector<16xi32>], vector<16xi32>, vector<16xi1>
      %eq3A_807 = arith.constant 7 : i32
      %eq3A_808 = vector.broadcast %eq3A_807 : i32 to vector<16xi32>
      %eq3A_809 = arith.cmpi eq, %iota3A, %eq3A_808 : vector<16xi32>
      %broadcast_in_dim3A_810 = vector.broadcast %squeeze3A_803 : i32 to vector<16xi32>
      %select_n3A_811 = arith.select %eq3A_809, %broadcast_in_dim3A_810, %select_n3A_797 : vector<16xi1>, vector<16xi32>
      %slice3A_812 = vector.extract_strided_slice %get3A_702 {offsets = [8], sizes = [1], strides = [1]} : vector<16xi32> to vector<1xi32>
      %squeeze3A_813 = vector.extract %slice3A_812[0] : i32 from vector<1xi32>
      %broadcast_in_dim3A_814 = vector.broadcast %squeeze3A_813 : i32 to vector<16xi32>
      %gather3A_815 = tpu.vector_load_idx %arg9[%broadcast_in_dim3A_814] : memref<256xi32, #tpu.memory_space<vmem>>[vector<16xi32>], vector<16xi32>,
      %slice3A_816 = vector.extract_strided_slice %gather3A_815 {offsets = [0], sizes = [1], strides = [1]} : vector<16xi32> to vector<1xi32>
      %squeeze3A_817 = vector.extract %slice3A_816[0] : i32 from vector<1xi32>
      %add3A_818 = arith.constant 1 : i32
      %add3A_819 = arith.addi %squeeze3A_817, %add3A_818 : i32
      %broadcast_in_dim3A_820 = vector.broadcast %add3A_819 : i32 to vector<16xi32>
      tpu.vector_store_idx %arg9[%broadcast_in_dim3A_814], %broadcast_in_dim3A_820 masked %eq3A_64 : memref<256xi32, #tpu.memory_space<vmem>>[vector<16xi32>], vector<16xi32>, vector<16xi1>
      %eq3A_821 = arith.constant 8 : i32
      %eq3A_822 = vector.broadcast %eq3A_821 : i32 to vector<16xi32>
      %eq3A_823 = arith.cmpi eq, %iota3A, %eq3A_822 : vector<16xi32>
      %broadcast_in_dim3A_824 = vector.broadcast %squeeze3A_817 : i32 to vector<16xi32>
      %select_n3A_825 = arith.select %eq3A_823, %broadcast_in_dim3A_824, %select_n3A_811 : vector<16xi1>, vector<16xi32>
      %slice3A_826 = vector.extract_strided_slice %get3A_702 {offsets = [9], sizes = [1], strides = [1]} : vector<16xi32> to vector<1xi32>
      %squeeze3A_827 = vector.extract %slice3A_826[0] : i32 from vector<1xi32>
      %broadcast_in_dim3A_828 = vector.broadcast %squeeze3A_827 : i32 to vector<16xi32>
      %gather3A_829 = tpu.vector_load_idx %arg9[%broadcast_in_dim3A_828] : memref<256xi32, #tpu.memory_space<vmem>>[vector<16xi32>], vector<16xi32>,
      %slice3A_830 = vector.extract_strided_slice %gather3A_829 {offsets = [0], sizes = [1], strides = [1]} : vector<16xi32> to vector<1xi32>
      %squeeze3A_831 = vector.extract %slice3A_830[0] : i32 from vector<1xi32>
      %add3A_832 = arith.constant 1 : i32
      %add3A_833 = arith.addi %squeeze3A_831, %add3A_832 : i32
      %broadcast_in_dim3A_834 = vector.broadcast %add3A_833 : i32 to vector<16xi32>
      tpu.vector_store_idx %arg9[%broadcast_in_dim3A_828], %broadcast_in_dim3A_834 masked %eq3A_64 : memref<256xi32, #tpu.memory_space<vmem>>[vector<16xi32>], vector<16xi32>, vector<16xi1>
      %eq3A_835 = arith.constant 9 : i32
      %eq3A_836 = vector.broadcast %eq3A_835 : i32 to vector<16xi32>
      %eq3A_837 = arith.cmpi eq, %iota3A, %eq3A_836 : vector<16xi32>
      %broadcast_in_dim3A_838 = vector.broadcast %squeeze3A_831 : i32 to vector<16xi32>
      %select_n3A_839 = arith.select %eq3A_837, %broadcast_in_dim3A_838, %select_n3A_825 : vector<16xi1>, vector<16xi32>
      %slice3A_840 = vector.extract_strided_slice %get3A_702 {offsets = [10], sizes = [1], strides = [1]} : vector<16xi32> to vector<1xi32>
      %squeeze3A_841 = vector.extract %slice3A_840[0] : i32 from vector<1xi32>
      %broadcast_in_dim3A_842 = vector.broadcast %squeeze3A_841 : i32 to vector<16xi32>
      %gather3A_843 = tpu.vector_load_idx %arg9[%broadcast_in_dim3A_842] : memref<256xi32, #tpu.memory_space<vmem>>[vector<16xi32>], vector<16xi32>,
      %slice3A_844 = vector.extract_strided_slice %gather3A_843 {offsets = [0], sizes = [1], strides = [1]} : vector<16xi32> to vector<1xi32>
      %squeeze3A_845 = vector.extract %slice3A_844[0] : i32 from vector<1xi32>
      %add3A_846 = arith.constant 1 : i32
      %add3A_847 = arith.addi %squeeze3A_845, %add3A_846 : i32
      %broadcast_in_dim3A_848 = vector.broadcast %add3A_847 : i32 to vector<16xi32>
      tpu.vector_store_idx %arg9[%broadcast_in_dim3A_842], %broadcast_in_dim3A_848 masked %eq3A_64 : memref<256xi32, #tpu.memory_space<vmem>>[vector<16xi32>], vector<16xi32>, vector<16xi1>
      %eq3A_849 = arith.constant 10 : i32
      %eq3A_850 = vector.broadcast %eq3A_849 : i32 to vector<16xi32>
      %eq3A_851 = arith.cmpi eq, %iota3A, %eq3A_850 : vector<16xi32>
      %broadcast_in_dim3A_852 = vector.broadcast %squeeze3A_845 : i32 to vector<16xi32>
      %select_n3A_853 = arith.select %eq3A_851, %broadcast_in_dim3A_852, %select_n3A_839 : vector<16xi1>, vector<16xi32>
      %slice3A_854 = vector.extract_strided_slice %get3A_702 {offsets = [11], sizes = [1], strides = [1]} : vector<16xi32> to vector<1xi32>
      %squeeze3A_855 = vector.extract %slice3A_854[0] : i32 from vector<1xi32>
      %broadcast_in_dim3A_856 = vector.broadcast %squeeze3A_855 : i32 to vector<16xi32>
      %gather3A_857 = tpu.vector_load_idx %arg9[%broadcast_in_dim3A_856] : memref<256xi32, #tpu.memory_space<vmem>>[vector<16xi32>], vector<16xi32>,
      %slice3A_858 = vector.extract_strided_slice %gather3A_857 {offsets = [0], sizes = [1], strides = [1]} : vector<16xi32> to vector<1xi32>
      %squeeze3A_859 = vector.extract %slice3A_858[0] : i32 from vector<1xi32>
      %add3A_860 = arith.constant 1 : i32
      %add3A_861 = arith.addi %squeeze3A_859, %add3A_860 : i32
      %broadcast_in_dim3A_862 = vector.broadcast %add3A_861 : i32 to vector<16xi32>
      tpu.vector_store_idx %arg9[%broadcast_in_dim3A_856], %broadcast_in_dim3A_862 masked %eq3A_64 : memref<256xi32, #tpu.memory_space<vmem>>[vector<16xi32>], vector<16xi32>, vector<16xi1>
      %eq3A_863 = arith.constant 11 : i32
      %eq3A_864 = vector.broadcast %eq3A_863 : i32 to vector<16xi32>
      %eq3A_865 = arith.cmpi eq, %iota3A, %eq3A_864 : vector<16xi32>
      %broadcast_in_dim3A_866 = vector.broadcast %squeeze3A_859 : i32 to vector<16xi32>
      %select_n3A_867 = arith.select %eq3A_865, %broadcast_in_dim3A_866, %select_n3A_853 : vector<16xi1>, vector<16xi32>
      %slice3A_868 = vector.extract_strided_slice %get3A_702 {offsets = [12], sizes = [1], strides = [1]} : vector<16xi32> to vector<1xi32>
      %squeeze3A_869 = vector.extract %slice3A_868[0] : i32 from vector<1xi32>
      %broadcast_in_dim3A_870 = vector.broadcast %squeeze3A_869 : i32 to vector<16xi32>
      %gather3A_871 = tpu.vector_load_idx %arg9[%broadcast_in_dim3A_870] : memref<256xi32, #tpu.memory_space<vmem>>[vector<16xi32>], vector<16xi32>,
      %slice3A_872 = vector.extract_strided_slice %gather3A_871 {offsets = [0], sizes = [1], strides = [1]} : vector<16xi32> to vector<1xi32>
      %squeeze3A_873 = vector.extract %slice3A_872[0] : i32 from vector<1xi32>
      %add3A_874 = arith.constant 1 : i32
      %add3A_875 = arith.addi %squeeze3A_873, %add3A_874 : i32
      %broadcast_in_dim3A_876 = vector.broadcast %add3A_875 : i32 to vector<16xi32>
      tpu.vector_store_idx %arg9[%broadcast_in_dim3A_870], %broadcast_in_dim3A_876 masked %eq3A_64 : memref<256xi32, #tpu.memory_space<vmem>>[vector<16xi32>], vector<16xi32>, vector<16xi1>
      %eq3A_877 = arith.constant 12 : i32
      %eq3A_878 = vector.broadcast %eq3A_877 : i32 to vector<16xi32>
      %eq3A_879 = arith.cmpi eq, %iota3A, %eq3A_878 : vector<16xi32>
      %broadcast_in_dim3A_880 = vector.broadcast %squeeze3A_873 : i32 to vector<16xi32>
      %select_n3A_881 = arith.select %eq3A_879, %broadcast_in_dim3A_880, %select_n3A_867 : vector<16xi1>, vector<16xi32>
      %slice3A_882 = vector.extract_strided_slice %get3A_702 {offsets = [13], sizes = [1], strides = [1]} : vector<16xi32> to vector<1xi32>
      %squeeze3A_883 = vector.extract %slice3A_882[0] : i32 from vector<1xi32>
      %broadcast_in_dim3A_884 = vector.broadcast %squeeze3A_883 : i32 to vector<16xi32>
      %gather3A_885 = tpu.vector_load_idx %arg9[%broadcast_in_dim3A_884] : memref<256xi32, #tpu.memory_space<vmem>>[vector<16xi32>], vector<16xi32>,
      %slice3A_886 = vector.extract_strided_slice %gather3A_885 {offsets = [0], sizes = [1], strides = [1]} : vector<16xi32> to vector<1xi32>
      %squeeze3A_887 = vector.extract %slice3A_886[0] : i32 from vector<1xi32>
      %add3A_888 = arith.constant 1 : i32
      %add3A_889 = arith.addi %squeeze3A_887, %add3A_888 : i32
      %broadcast_in_dim3A_890 = vector.broadcast %add3A_889 : i32 to vector<16xi32>
      tpu.vector_store_idx %arg9[%broadcast_in_dim3A_884], %broadcast_in_dim3A_890 masked %eq3A_64 : memref<256xi32, #tpu.memory_space<vmem>>[vector<16xi32>], vector<16xi32>, vector<16xi1>
      %eq3A_891 = arith.constant 13 : i32
      %eq3A_892 = vector.broadcast %eq3A_891 : i32 to vector<16xi32>
      %eq3A_893 = arith.cmpi eq, %iota3A, %eq3A_892 : vector<16xi32>
      %broadcast_in_dim3A_894 = vector.broadcast %squeeze3A_887 : i32 to vector<16xi32>
      %select_n3A_895 = arith.select %eq3A_893, %broadcast_in_dim3A_894, %select_n3A_881 : vector<16xi1>, vector<16xi32>
      %slice3A_896 = vector.extract_strided_slice %get3A_702 {offsets = [14], sizes = [1], strides = [1]} : vector<16xi32> to vector<1xi32>
      %squeeze3A_897 = vector.extract %slice3A_896[0] : i32 from vector<1xi32>
      %broadcast_in_dim3A_898 = vector.broadcast %squeeze3A_897 : i32 to vector<16xi32>
      %gather3A_899 = tpu.vector_load_idx %arg9[%broadcast_in_dim3A_898] : memref<256xi32, #tpu.memory_space<vmem>>[vector<16xi32>], vector<16xi32>,
      %slice3A_900 = vector.extract_strided_slice %gather3A_899 {offsets = [0], sizes = [1], strides = [1]} : vector<16xi32> to vector<1xi32>
      %squeeze3A_901 = vector.extract %slice3A_900[0] : i32 from vector<1xi32>
      %add3A_902 = arith.constant 1 : i32
      %add3A_903 = arith.addi %squeeze3A_901, %add3A_902 : i32
      %broadcast_in_dim3A_904 = vector.broadcast %add3A_903 : i32 to vector<16xi32>
      tpu.vector_store_idx %arg9[%broadcast_in_dim3A_898], %broadcast_in_dim3A_904 masked %eq3A_64 : memref<256xi32, #tpu.memory_space<vmem>>[vector<16xi32>], vector<16xi32>, vector<16xi1>
      %eq3A_905 = arith.constant 14 : i32
      %eq3A_906 = vector.broadcast %eq3A_905 : i32 to vector<16xi32>
      %eq3A_907 = arith.cmpi eq, %iota3A, %eq3A_906 : vector<16xi32>
      %broadcast_in_dim3A_908 = vector.broadcast %squeeze3A_901 : i32 to vector<16xi32>
      %select_n3A_909 = arith.select %eq3A_907, %broadcast_in_dim3A_908, %select_n3A_895 : vector<16xi1>, vector<16xi32>
      %slice3A_910 = vector.extract_strided_slice %get3A_702 {offsets = [15], sizes = [1], strides = [1]} : vector<16xi32> to vector<1xi32>
      %squeeze3A_911 = vector.extract %slice3A_910[0] : i32 from vector<1xi32>
      %broadcast_in_dim3A_912 = vector.broadcast %squeeze3A_911 : i32 to vector<16xi32>
      %gather3A_913 = tpu.vector_load_idx %arg9[%broadcast_in_dim3A_912] : memref<256xi32, #tpu.memory_space<vmem>>[vector<16xi32>], vector<16xi32>,
      %slice3A_914 = vector.extract_strided_slice %gather3A_913 {offsets = [0], sizes = [1], strides = [1]} : vector<16xi32> to vector<1xi32>
      %squeeze3A_915 = vector.extract %slice3A_914[0] : i32 from vector<1xi32>
      %add3A_916 = arith.constant 1 : i32
      %add3A_917 = arith.addi %squeeze3A_915, %add3A_916 : i32
      %broadcast_in_dim3A_918 = vector.broadcast %add3A_917 : i32 to vector<16xi32>
      tpu.vector_store_idx %arg9[%broadcast_in_dim3A_912], %broadcast_in_dim3A_918 masked %eq3A_64 : memref<256xi32, #tpu.memory_space<vmem>>[vector<16xi32>], vector<16xi32>, vector<16xi1>
      %eq3A_919 = arith.constant 15 : i32
      %eq3A_920 = vector.broadcast %eq3A_919 : i32 to vector<16xi32>
      %eq3A_921 = arith.cmpi eq, %iota3A, %eq3A_920 : vector<16xi32>
      %broadcast_in_dim3A_922 = vector.broadcast %squeeze3A_915 : i32 to vector<16xi32>
      %select_n3A_923 = arith.select %eq3A_921, %broadcast_in_dim3A_922, %select_n3A_909 : vector<16xi1>, vector<16xi32>
      %shift_left3A_924 = arith.constant 4 : i32
      %shift_left3A_925 = arith.shli %scan3A_698, %shift_left3A_924 : i32
      %swap3A_926 = arith.index_cast %shift_left3A_925 : i32 to index
      %swap3A_927 = tpu.vector_load %arg8[%swap3A_926] {strides = array<i32>} : memref<640xi32, #tpu.memory_space<vmem>>, vector<16xi32>,
      tpu.vector_store %arg8[%swap3A_926], %select_n3A_923 {strides = array<i32>} : memref<640xi32, #tpu.memory_space<vmem>>, vector<16xi32>,
      %scan3A_928 = arith.constant 0 : i32
      scf.yield %scan3A_928 : i32
    }
    %scan3A_71 = arith.constant 40 : i32
    %mul3A_72 = arith.constant 256 : i32
    %mul3A_73 = arith.muli %arg1, %mul3A_72 : i32
    "tpu.region"() ({
      %run_scoped3A = tpu.sem_alloc : memref<!tpu.dma_semaphore, #tpu.memory_space<semaphore_mem>>
      %dma_start3A_698 = tpu.memref_slice %arg21[%mul3A_73] : memref<4096xi32, #tpu.memory_space<vmem_shared>> -> memref<256xi32, #tpu.memory_space<vmem_shared>>
      %dma_start3A_699 = tpu.memref_slice %arg21[%mul3A_73] : memref<4096xi32, #tpu.memory_space<vmem_shared>> -> memref<256xi32, #tpu.memory_space<vmem_shared>>
      tpu.enqueue_dma source(%arg9 : memref<256xi32, #tpu.memory_space<vmem>>) target(%dma_start3A_699 : memref<256xi32, #tpu.memory_space<vmem_shared>>) target_semaphore(%run_scoped3A : memref<!tpu.dma_semaphore, #tpu.memory_space<semaphore_mem>>)
      %dma_wait3A_700 = tpu.memref_slice %arg21[%mul3A_73] : memref<4096xi32, #tpu.memory_space<vmem_shared>> -> memref<256xi32, #tpu.memory_space<vmem_shared>>
      %dma_wait3A_701 = tpu.memref_slice %arg21[%mul3A_73] : memref<4096xi32, #tpu.memory_space<vmem_shared>> -> memref<256xi32, #tpu.memory_space<vmem_shared>>
      tpu.wait_dma2 semaphore(%run_scoped3A : memref<!tpu.dma_semaphore, #tpu.memory_space<semaphore_mem>>) src(%arg9 : memref<256xi32, #tpu.memory_space<vmem>>) dst(%dma_wait3A_701 : memref<256xi32, #tpu.memory_space<vmem_shared>>)
      tpu.yield
    }) : () -> ()
    %barrier3A = arith.constant 0 : index
    tpu.barrier barrier_id(%barrier3A)
    "tpu.region"() ({
      %run_scoped3A = tpu.sem_alloc : memref<!tpu.dma_semaphore, #tpu.memory_space<semaphore_mem>>
      tpu.enqueue_dma source(%arg21 : memref<4096xi32, #tpu.memory_space<vmem_shared>>) target(%arg10 : memref<4096xi32, #tpu.memory_space<vmem>>) target_semaphore(%run_scoped3A : memref<!tpu.dma_semaphore, #tpu.memory_space<semaphore_mem>>)
      tpu.wait_dma2 semaphore(%run_scoped3A : memref<!tpu.dma_semaphore, #tpu.memory_space<semaphore_mem>>) src(%arg21 : memref<4096xi32, #tpu.memory_space<vmem_shared>>) dst(%arg10 : memref<4096xi32, #tpu.memory_space<vmem>>)
      tpu.yield
    }) : () -> ()
    %scan3A_74 = arith.constant 0 : i32
    %scan3A_75 = arith.constant 0 : i32
    %scan3A_76 = arith.constant 16 : i32
    %scan3A_77 = arith.addi %scan3A_75, %scan3A_76 : i32
    %scan3A_78 = arith.constant 1 : i32
    %scan3A_79 = scf.for %scan3A_698 = %scan3A_75 to %scan3A_77 step %scan3A_78 iter_args(%scan3A_699 = %scan3A_74) -> (i32)  : i32 {
      %shift_left3A = arith.constant 4 : i32
      %shift_left3A_700 = arith.shli %scan3A_698, %shift_left3A : i32
      %add3A_701 = arith.constant 0 : i32
      %add3A_702 = arith.addi %add3A_701, %shift_left3A_700 : i32
      %get3A_703 = arith.index_cast %add3A_702 : i32 to index
      %get3A_704 = tpu.vector_load %arg10[%get3A_703] {strides = array<i32>} : memref<4096xi32, #tpu.memory_space<vmem>>, vector<16xi32>,
      %add3A_705 = arith.addi %broadcast_in_dim3A_34, %get3A_704 : vector<16xi32>
      %shift_left3A_706 = arith.constant 4 : i32
      %shift_left3A_707 = arith.shli %scan3A_698, %shift_left3A_706 : i32
      %add3A_708 = arith.constant 256 : i32
      %add3A_709 = arith.addi %add3A_708, %shift_left3A_707 : i32
      %get3A_710 = arith.index_cast %add3A_709 : i32 to index
      %get3A_711 = tpu.vector_load %arg10[%get3A_710] {strides = array<i32>} : memref<4096xi32, #tpu.memory_space<vmem>>, vector<16xi32>,
      %add3A_712 = arith.addi %add3A_705, %get3A_711 : vector<16xi32>
      %shift_left3A_713 = arith.constant 4 : i32
      %shift_left3A_714 = arith.shli %scan3A_698, %shift_left3A_713 : i32
      %add3A_715 = arith.constant 512 : i32
      %add3A_716 = arith.addi %add3A_715, %shift_left3A_714 : i32
      %get3A_717 = arith.index_cast %add3A_716 : i32 to index
      %get3A_718 = tpu.vector_load %arg10[%get3A_717] {strides = array<i32>} : memref<4096xi32, #tpu.memory_space<vmem>>, vector<16xi32>,
      %add3A_719 = arith.addi %add3A_712, %get3A_718 : vector<16xi32>
      %shift_left3A_720 = arith.constant 4 : i32
      %shift_left3A_721 = arith.shli %scan3A_698, %shift_left3A_720 : i32
      %add3A_722 = arith.constant 768 : i32
      %add3A_723 = arith.addi %add3A_722, %shift_left3A_721 : i32
      %get3A_724 = arith.index_cast %add3A_723 : i32 to index
      %get3A_725 = tpu.vector_load %arg10[%get3A_724] {strides = array<i32>} : memref<4096xi32, #tpu.memory_space<vmem>>, vector<16xi32>,
      %add3A_726 = arith.addi %add3A_719, %get3A_725 : vector<16xi32>
      %shift_left3A_727 = arith.constant 4 : i32
      %shift_left3A_728 = arith.shli %scan3A_698, %shift_left3A_727 : i32
      %add3A_729 = arith.constant 1024 : i32
      %add3A_730 = arith.addi %add3A_729, %shift_left3A_728 : i32
      %get3A_731 = arith.index_cast %add3A_730 : i32 to index
      %get3A_732 = tpu.vector_load %arg10[%get3A_731] {strides = array<i32>} : memref<4096xi32, #tpu.memory_space<vmem>>, vector<16xi32>,
      %add3A_733 = arith.addi %add3A_726, %get3A_732 : vector<16xi32>
      %shift_left3A_734 = arith.constant 4 : i32
      %shift_left3A_735 = arith.shli %scan3A_698, %shift_left3A_734 : i32
      %add3A_736 = arith.constant 1280 : i32
      %add3A_737 = arith.addi %add3A_736, %shift_left3A_735 : i32
      %get3A_738 = arith.index_cast %add3A_737 : i32 to index
      %get3A_739 = tpu.vector_load %arg10[%get3A_738] {strides = array<i32>} : memref<4096xi32, #tpu.memory_space<vmem>>, vector<16xi32>,
      %add3A_740 = arith.addi %add3A_733, %get3A_739 : vector<16xi32>
      %shift_left3A_741 = arith.constant 4 : i32
      %shift_left3A_742 = arith.shli %scan3A_698, %shift_left3A_741 : i32
      %add3A_743 = arith.constant 1536 : i32
      %add3A_744 = arith.addi %add3A_743, %shift_left3A_742 : i32
      %get3A_745 = arith.index_cast %add3A_744 : i32 to index
      %get3A_746 = tpu.vector_load %arg10[%get3A_745] {strides = array<i32>} : memref<4096xi32, #tpu.memory_space<vmem>>, vector<16xi32>,
      %add3A_747 = arith.addi %add3A_740, %get3A_746 : vector<16xi32>
      %shift_left3A_748 = arith.constant 4 : i32
      %shift_left3A_749 = arith.shli %scan3A_698, %shift_left3A_748 : i32
      %add3A_750 = arith.constant 1792 : i32
      %add3A_751 = arith.addi %add3A_750, %shift_left3A_749 : i32
      %get3A_752 = arith.index_cast %add3A_751 : i32 to index
      %get3A_753 = tpu.vector_load %arg10[%get3A_752] {strides = array<i32>} : memref<4096xi32, #tpu.memory_space<vmem>>, vector<16xi32>,
      %add3A_754 = arith.addi %add3A_747, %get3A_753 : vector<16xi32>
      %shift_left3A_755 = arith.constant 4 : i32
      %shift_left3A_756 = arith.shli %scan3A_698, %shift_left3A_755 : i32
      %add3A_757 = arith.constant 2048 : i32
      %add3A_758 = arith.addi %add3A_757, %shift_left3A_756 : i32
      %get3A_759 = arith.index_cast %add3A_758 : i32 to index
      %get3A_760 = tpu.vector_load %arg10[%get3A_759] {strides = array<i32>} : memref<4096xi32, #tpu.memory_space<vmem>>, vector<16xi32>,
      %add3A_761 = arith.addi %add3A_754, %get3A_760 : vector<16xi32>
      %shift_left3A_762 = arith.constant 4 : i32
      %shift_left3A_763 = arith.shli %scan3A_698, %shift_left3A_762 : i32
      %add3A_764 = arith.constant 2304 : i32
      %add3A_765 = arith.addi %add3A_764, %shift_left3A_763 : i32
      %get3A_766 = arith.index_cast %add3A_765 : i32 to index
      %get3A_767 = tpu.vector_load %arg10[%get3A_766] {strides = array<i32>} : memref<4096xi32, #tpu.memory_space<vmem>>, vector<16xi32>,
      %add3A_768 = arith.addi %add3A_761, %get3A_767 : vector<16xi32>
      %shift_left3A_769 = arith.constant 4 : i32
      %shift_left3A_770 = arith.shli %scan3A_698, %shift_left3A_769 : i32
      %add3A_771 = arith.constant 2560 : i32
      %add3A_772 = arith.addi %add3A_771, %shift_left3A_770 : i32
      %get3A_773 = arith.index_cast %add3A_772 : i32 to index
      %get3A_774 = tpu.vector_load %arg10[%get3A_773] {strides = array<i32>} : memref<4096xi32, #tpu.memory_space<vmem>>, vector<16xi32>,
      %add3A_775 = arith.addi %add3A_768, %get3A_774 : vector<16xi32>
      %shift_left3A_776 = arith.constant 4 : i32
      %shift_left3A_777 = arith.shli %scan3A_698, %shift_left3A_776 : i32
      %add3A_778 = arith.constant 2816 : i32
      %add3A_779 = arith.addi %add3A_778, %shift_left3A_777 : i32
      %get3A_780 = arith.index_cast %add3A_779 : i32 to index
      %get3A_781 = tpu.vector_load %arg10[%get3A_780] {strides = array<i32>} : memref<4096xi32, #tpu.memory_space<vmem>>, vector<16xi32>,
      %add3A_782 = arith.addi %add3A_775, %get3A_781 : vector<16xi32>
      %shift_left3A_783 = arith.constant 4 : i32
      %shift_left3A_784 = arith.shli %scan3A_698, %shift_left3A_783 : i32
      %add3A_785 = arith.constant 3072 : i32
      %add3A_786 = arith.addi %add3A_785, %shift_left3A_784 : i32
      %get3A_787 = arith.index_cast %add3A_786 : i32 to index
      %get3A_788 = tpu.vector_load %arg10[%get3A_787] {strides = array<i32>} : memref<4096xi32, #tpu.memory_space<vmem>>, vector<16xi32>,
      %add3A_789 = arith.addi %add3A_782, %get3A_788 : vector<16xi32>
      %shift_left3A_790 = arith.constant 4 : i32
      %shift_left3A_791 = arith.shli %scan3A_698, %shift_left3A_790 : i32
      %add3A_792 = arith.constant 3328 : i32
      %add3A_793 = arith.addi %add3A_792, %shift_left3A_791 : i32
      %get3A_794 = arith.index_cast %add3A_793 : i32 to index
      %get3A_795 = tpu.vector_load %arg10[%get3A_794] {strides = array<i32>} : memref<4096xi32, #tpu.memory_space<vmem>>, vector<16xi32>,
      %add3A_796 = arith.addi %add3A_789, %get3A_795 : vector<16xi32>
      %shift_left3A_797 = arith.constant 4 : i32
      %shift_left3A_798 = arith.shli %scan3A_698, %shift_left3A_797 : i32
      %add3A_799 = arith.constant 3584 : i32
      %add3A_800 = arith.addi %add3A_799, %shift_left3A_798 : i32
      %get3A_801 = arith.index_cast %add3A_800 : i32 to index
      %get3A_802 = tpu.vector_load %arg10[%get3A_801] {strides = array<i32>} : memref<4096xi32, #tpu.memory_space<vmem>>, vector<16xi32>,
      %add3A_803 = arith.addi %add3A_796, %get3A_802 : vector<16xi32>
      %shift_left3A_804 = arith.constant 4 : i32
      %shift_left3A_805 = arith.shli %scan3A_698, %shift_left3A_804 : i32
      %add3A_806 = arith.constant 3840 : i32
      %add3A_807 = arith.addi %add3A_806, %shift_left3A_805 : i32
      %get3A_808 = arith.index_cast %add3A_807 : i32 to index
      %get3A_809 = tpu.vector_load %arg10[%get3A_808] {strides = array<i32>} : memref<4096xi32, #tpu.memory_space<vmem>>, vector<16xi32>,
      %add3A_810 = arith.addi %add3A_803, %get3A_809 : vector<16xi32>
      %shift_left3A_811 = arith.constant 4 : i32
      %shift_left3A_812 = arith.shli %scan3A_698, %shift_left3A_811 : i32
      %swap3A_813 = arith.index_cast %shift_left3A_812 : i32 to index
      %swap3A_814 = tpu.vector_load %arg11[%swap3A_813] {strides = array<i32>} : memref<256xi32, #tpu.memory_space<vmem>>, vector<16xi32>,
      tpu.vector_store %arg11[%swap3A_813], %add3A_810 {strides = array<i32>} : memref<256xi32, #tpu.memory_space<vmem>>, vector<16xi32>,
      %scan3A_815 = arith.constant 0 : i32
      scf.yield %scan3A_815 : i32
    }
    %scan3A_80 = arith.constant 16 : i32
    %scan3A_81 = arith.constant 0 : i32
    %scan3A_82 = arith.constant 0 : i32
    %scan3A_83 = arith.constant 16 : i32
    %scan3A_84 = arith.addi %scan3A_82, %scan3A_83 : i32
    %scan3A_85 = arith.constant 1 : i32
    %scan3A_86 = scf.for %scan3A_698 = %scan3A_82 to %scan3A_84 step %scan3A_85 iter_args(%scan3A_699 = %scan3A_81) -> (i32)  : i32 {
      %shift_left3A = arith.constant 4 : i32
      %shift_left3A_700 = arith.shli %scan3A_698, %shift_left3A : i32
      %get3A_701 = arith.index_cast %shift_left3A_700 : i32 to index
      %get3A_702 = tpu.vector_load %arg11[%get3A_701] {strides = array<i32>} : memref<256xi32, #tpu.memory_space<vmem>>, vector<16xi32>,
      %broadcast_in_dim3A_703 = arith.constant true
      %broadcast_in_dim3A_704 = vector.broadcast %broadcast_in_dim3A_703 : i1 to vector<16xi1>
      %masked_cumsum3A = tpu.scan <sum>, %get3A_702 masked %broadcast_in_dim3A_704 : vector<16xi32>, vector<16xi1> -> vector<16xi32>
      %add3A_705 = vector.broadcast %scan3A_699 : i32 to vector<16xi32>
      %add3A_706 = arith.addi %masked_cumsum3A, %add3A_705 : vector<16xi32>
      %shift_left3A_707 = arith.constant 4 : i32
      %shift_left3A_708 = arith.shli %scan3A_698, %shift_left3A_707 : i32
      %swap3A_709 = arith.index_cast %shift_left3A_708 : i32 to index
      %swap3A_710 = tpu.vector_load %arg12[%swap3A_709] {strides = array<i32>} : memref<256xi32, #tpu.memory_space<vmem>>, vector<16xi32>,
      tpu.vector_store %arg12[%swap3A_709], %add3A_706 {strides = array<i32>} : memref<256xi32, #tpu.memory_space<vmem>>, vector<16xi32>,
      %sub3A_711 = arith.subi %add3A_706, %get3A_702 : vector<16xi32>
      %shift_left3A_712 = arith.constant 4 : i32
      %shift_left3A_713 = arith.shli %scan3A_698, %shift_left3A_712 : i32
      %swap3A_714 = arith.index_cast %shift_left3A_713 : i32 to index
      %swap3A_715 = tpu.vector_load %arg13[%swap3A_714] {strides = array<i32>} : memref<256xi32, #tpu.memory_space<vmem>>, vector<16xi32>,
      tpu.vector_store %arg13[%swap3A_714], %sub3A_711 {strides = array<i32>} : memref<256xi32, #tpu.memory_space<vmem>>, vector<16xi32>,
      %slice3A = vector.extract_strided_slice %add3A_706 {offsets = [15], sizes = [1], strides = [1]} : vector<16xi32> to vector<1xi32>
      %squeeze3A = vector.extract %slice3A[0] : i32 from vector<1xi32>
      scf.yield %squeeze3A : i32
    }
    %scan3A_87 = arith.constant 16 : i32
    %scan3A_88 = arith.constant 0 : i32
    %scan3A_89 = arith.constant 0 : i32
    %scan3A_90 = arith.constant 16 : i32
    %scan3A_91 = arith.addi %scan3A_89, %scan3A_90 : i32
    %scan3A_92 = arith.constant 1 : i32
    %scan3A_93 = scf.for %scan3A_698 = %scan3A_89 to %scan3A_91 step %scan3A_92 iter_args(%scan3A_699 = %scan3A_88) -> (i32)  : i32 {
      %shift_left3A = arith.constant 4 : i32
      %shift_left3A_700 = arith.shli %scan3A_698, %shift_left3A : i32
      %get3A_701 = arith.index_cast %shift_left3A_700 : i32 to index
      %get3A_702 = tpu.vector_load %arg13[%get3A_701] {strides = array<i32>} : memref<256xi32, #tpu.memory_space<vmem>>, vector<16xi32>,
      %while3A_703 = arith.constant 0 : i32
      %while3A_704 = arith.subi %arg1, %while3A_703 : i32
      %while3A_705 = arith.addi %while3A_703, %while3A_704 : i32
      %while3A_706 = arith.constant 1 : i32
      %while3A_707 = arith.divsi %while3A_704, %while3A_706 : i32
      %while3A_708 = arith.muli %while3A_707, %while3A_706 : i32
      %while3A_709 = arith.addi %while3A_703, %while3A_708 : i32
      %while3A_710 = arith.constant 1 : i32
      %while3A_711 = scf.for %while3A_719 = %while3A_703 to %while3A_709 step %while3A_710 iter_args(%while3A_720 = %get3A_702) -> (vector<16xi32>)  : i32 {
        %mul3A_721 = arith.constant 256 : i32
        %mul3A_722 = arith.muli %while3A_719, %mul3A_721 : i32
        %shift_left3A_723 = arith.constant 4 : i32
        %shift_left3A_724 = arith.shli %scan3A_698, %shift_left3A_723 : i32
        %add3A_725 = arith.addi %mul3A_722, %shift_left3A_724 : i32
        %get3A_726 = arith.index_cast %add3A_725 : i32 to index
        %get3A_727 = tpu.vector_load %arg10[%get3A_726] {strides = array<i32>} : memref<4096xi32, #tpu.memory_space<vmem>>, vector<16xi32>,
        %add3A_728 = arith.addi %while3A_720, %get3A_727 : vector<16xi32>
        scf.yield %add3A_728 : vector<16xi32>
      }
      %while3A_712 = arith.constant 1 : i32
      %while3A_713 = scf.for %while3A_719 = %while3A_709 to %while3A_705 step %while3A_712 iter_args(%while3A_720 = %while3A_711) -> (vector<16xi32>)  : i32 {
        %mul3A_721 = arith.constant 256 : i32
        %mul3A_722 = arith.muli %while3A_719, %mul3A_721 : i32
        %shift_left3A_723 = arith.constant 4 : i32
        %shift_left3A_724 = arith.shli %scan3A_698, %shift_left3A_723 : i32
        %add3A_725 = arith.addi %mul3A_722, %shift_left3A_724 : i32
        %get3A_726 = arith.index_cast %add3A_725 : i32 to index
        %get3A_727 = tpu.vector_load %arg10[%get3A_726] {strides = array<i32>} : memref<4096xi32, #tpu.memory_space<vmem>>, vector<16xi32>,
        %add3A_728 = arith.addi %while3A_720, %get3A_727 : vector<16xi32>
        scf.yield %add3A_728 : vector<16xi32>
      }
      %shift_left3A_714 = arith.constant 4 : i32
      %shift_left3A_715 = arith.shli %scan3A_698, %shift_left3A_714 : i32
      %swap3A_716 = arith.index_cast %shift_left3A_715 : i32 to index
      %swap3A_717 = tpu.vector_load %arg13[%swap3A_716] {strides = array<i32>} : memref<256xi32, #tpu.memory_space<vmem>>, vector<16xi32>,
      tpu.vector_store %arg13[%swap3A_716], %while3A_713 {strides = array<i32>} : memref<256xi32, #tpu.memory_space<vmem>>, vector<16xi32>,
      %scan3A_718 = arith.constant 0 : i32
      scf.yield %scan3A_718 : i32
    }
    %scan3A_94 = arith.constant 16 : i32
    %scan3A_95 = arith.constant 0 : i32
    %scan3A_96 = arith.constant 0 : i32
    %scan3A_97 = arith.constant 16 : i32
    %scan3A_98 = arith.addi %scan3A_96, %scan3A_97 : i32
    %scan3A_99 = arith.constant 1 : i32
    %scan3A_100 = scf.for %scan3A_698 = %scan3A_96 to %scan3A_98 step %scan3A_99 iter_args(%scan3A_699 = %scan3A_95) -> (i32)  : i32 {
      %shift_left3A = arith.constant 4 : i32
      %shift_left3A_700 = arith.shli %scan3A_698, %shift_left3A : i32
      %add3A_701 = vector.broadcast %shift_left3A_700 : i32 to vector<16xi32>
      %add3A_702 = arith.addi %iota3A, %add3A_701 : vector<16xi32>
      %and3A = arith.constant 31 : i32
      %and3A_703 = vector.broadcast %and3A : i32 to vector<16xi32>
      %and3A_704 = arith.andi %add3A_702, %and3A_703 : vector<16xi32>
      %and3A_705 = arith.constant -32 : i32
      %and3A_706 = vector.broadcast %and3A_705 : i32 to vector<16xi32>
      %and3A_707 = arith.andi %add3A_702, %and3A_706 : vector<16xi32>
      %add3A_708 = arith.constant 4 : i32
      %add3A_709 = vector.broadcast %add3A_708 : i32 to vector<16xi32>
      %add3A_710 = arith.addi %and3A_704, %add3A_709 : vector<16xi32>
      %min3A = arith.constant 19 : i32
      %min3A_711 = vector.broadcast %min3A : i32 to vector<16xi32>
      %min3A_712 = arith.minsi %add3A_710, %min3A_711 : vector<16xi32>
      %or3A = arith.ori %and3A_707, %min3A_712 : vector<16xi32>
      %gather3A_713 = tpu.vector_load_idx %arg12[%or3A] : memref<256xi32, #tpu.memory_space<vmem>>[vector<16xi32>], vector<16xi32>,
      %shift_left3A_714 = arith.constant 4 : i32
      %shift_left3A_715 = arith.shli %scan3A_698, %shift_left3A_714 : i32
      %swap3A_716 = arith.index_cast %shift_left3A_715 : i32 to index
      %swap3A_717 = tpu.vector_load %arg14[%swap3A_716] {strides = array<i32>} : memref<256xi32, #tpu.memory_space<vmem>>, vector<16xi32>,
      tpu.vector_store %arg14[%swap3A_716], %gather3A_713 {strides = array<i32>} : memref<256xi32, #tpu.memory_space<vmem>>, vector<16xi32>,
      %scan3A_718 = arith.constant 0 : i32
      scf.yield %scan3A_718 : i32
    }
    %scan3A_101 = arith.constant 16 : i32
    %get3A = arith.constant 0 : index
    %get3A_102 = tpu.vector_load %arg7[%get3A] {strides = array<i32>} : memref<640xi32, #tpu.memory_space<vmem>>, vector<16xi32>,
    %gather3A = tpu.vector_load_idx %arg13[%get3A_102] : memref<256xi32, #tpu.memory_space<vmem>>[vector<16xi32>], vector<16xi32>,
    %get3A_103 = arith.constant 0 : index
    %get3A_104 = tpu.vector_load %arg8[%get3A_103] {strides = array<i32>} : memref<640xi32, #tpu.memory_space<vmem>>, vector<16xi32>,
    %add3A_105 = arith.addi %gather3A, %get3A_104 : vector<16xi32>
    %swap3A = arith.constant 0 : index
    %swap3A_106 = tpu.vector_load %arg15[%swap3A] {strides = array<i32>} : memref<128xi32, #tpu.memory_space<vmem>>, vector<16xi32>,
    tpu.vector_store %arg15[%swap3A], %add3A_105 {strides = array<i32>} : memref<128xi32, #tpu.memory_space<vmem>>, vector<16xi32>,
    %get3A_107 = arith.constant 16 : index
    %get3A_108 = tpu.vector_load %arg7[%get3A_107] {strides = array<i32>} : memref<640xi32, #tpu.memory_space<vmem>>, vector<16xi32>,
    %gather3A_109 = tpu.vector_load_idx %arg13[%get3A_108] : memref<256xi32, #tpu.memory_space<vmem>>[vector<16xi32>], vector<16xi32>,
    %get3A_110 = arith.constant 16 : index
    %get3A_111 = tpu.vector_load %arg8[%get3A_110] {strides = array<i32>} : memref<640xi32, #tpu.memory_space<vmem>>, vector<16xi32>,
    %add3A_112 = arith.addi %gather3A_109, %get3A_111 : vector<16xi32>
    %swap3A_113 = arith.constant 16 : index
    %swap3A_114 = tpu.vector_load %arg15[%swap3A_113] {strides = array<i32>} : memref<128xi32, #tpu.memory_space<vmem>>, vector<16xi32>,
    tpu.vector_store %arg15[%swap3A_113], %add3A_112 {strides = array<i32>} : memref<128xi32, #tpu.memory_space<vmem>>, vector<16xi32>,
    %get3A_115 = arith.constant 32 : index
    %get3A_116 = tpu.vector_load %arg7[%get3A_115] {strides = array<i32>} : memref<640xi32, #tpu.memory_space<vmem>>, vector<16xi32>,
    %gather3A_117 = tpu.vector_load_idx %arg13[%get3A_116] : memref<256xi32, #tpu.memory_space<vmem>>[vector<16xi32>], vector<16xi32>,
    %get3A_118 = arith.constant 32 : index
    %get3A_119 = tpu.vector_load %arg8[%get3A_118] {strides = array<i32>} : memref<640xi32, #tpu.memory_space<vmem>>, vector<16xi32>,
    %add3A_120 = arith.addi %gather3A_117, %get3A_119 : vector<16xi32>
    %swap3A_121 = arith.constant 32 : index
    %swap3A_122 = tpu.vector_load %arg15[%swap3A_121] {strides = array<i32>} : memref<128xi32, #tpu.memory_space<vmem>>, vector<16xi32>,
    tpu.vector_store %arg15[%swap3A_121], %add3A_120 {strides = array<i32>} : memref<128xi32, #tpu.memory_space<vmem>>, vector<16xi32>,
    %get3A_123 = arith.constant 48 : index
    %get3A_124 = tpu.vector_load %arg7[%get3A_123] {strides = array<i32>} : memref<640xi32, #tpu.memory_space<vmem>>, vector<16xi32>,
    %gather3A_125 = tpu.vector_load_idx %arg13[%get3A_124] : memref<256xi32, #tpu.memory_space<vmem>>[vector<16xi32>], vector<16xi32>,
    %get3A_126 = arith.constant 48 : index
    %get3A_127 = tpu.vector_load %arg8[%get3A_126] {strides = array<i32>} : memref<640xi32, #tpu.memory_space<vmem>>, vector<16xi32>,
    %add3A_128 = arith.addi %gather3A_125, %get3A_127 : vector<16xi32>
    %swap3A_129 = arith.constant 48 : index
    %swap3A_130 = tpu.vector_load %arg15[%swap3A_129] {strides = array<i32>} : memref<128xi32, #tpu.memory_space<vmem>>, vector<16xi32>,
    tpu.vector_store %arg15[%swap3A_129], %add3A_128 {strides = array<i32>} : memref<128xi32, #tpu.memory_space<vmem>>, vector<16xi32>,
    %get3A_131 = arith.constant 64 : index
    %get3A_132 = tpu.vector_load %arg7[%get3A_131] {strides = array<i32>} : memref<640xi32, #tpu.memory_space<vmem>>, vector<16xi32>,
    %gather3A_133 = tpu.vector_load_idx %arg13[%get3A_132] : memref<256xi32, #tpu.memory_space<vmem>>[vector<16xi32>], vector<16xi32>,
    %get3A_134 = arith.constant 64 : index
    %get3A_135 = tpu.vector_load %arg8[%get3A_134] {strides = array<i32>} : memref<640xi32, #tpu.memory_space<vmem>>, vector<16xi32>,
    %add3A_136 = arith.addi %gather3A_133, %get3A_135 : vector<16xi32>
    %swap3A_137 = arith.constant 64 : index
    %swap3A_138 = tpu.vector_load %arg15[%swap3A_137] {strides = array<i32>} : memref<128xi32, #tpu.memory_space<vmem>>, vector<16xi32>,
    tpu.vector_store %arg15[%swap3A_137], %add3A_136 {strides = array<i32>} : memref<128xi32, #tpu.memory_space<vmem>>, vector<16xi32>,
    %get3A_139 = arith.constant 80 : index
    %get3A_140 = tpu.vector_load %arg7[%get3A_139] {strides = array<i32>} : memref<640xi32, #tpu.memory_space<vmem>>, vector<16xi32>,
    %gather3A_141 = tpu.vector_load_idx %arg13[%get3A_140] : memref<256xi32, #tpu.memory_space<vmem>>[vector<16xi32>], vector<16xi32>,
    %get3A_142 = arith.constant 80 : index
    %get3A_143 = tpu.vector_load %arg8[%get3A_142] {strides = array<i32>} : memref<640xi32, #tpu.memory_space<vmem>>, vector<16xi32>,
    %add3A_144 = arith.addi %gather3A_141, %get3A_143 : vector<16xi32>
    %swap3A_145 = arith.constant 80 : index
    %swap3A_146 = tpu.vector_load %arg15[%swap3A_145] {strides = array<i32>} : memref<128xi32, #tpu.memory_space<vmem>>, vector<16xi32>,
    tpu.vector_store %arg15[%swap3A_145], %add3A_144 {strides = array<i32>} : memref<128xi32, #tpu.memory_space<vmem>>, vector<16xi32>,
    %get3A_147 = arith.constant 96 : index
    %get3A_148 = tpu.vector_load %arg7[%get3A_147] {strides = array<i32>} : memref<640xi32, #tpu.memory_space<vmem>>, vector<16xi32>,
    %gather3A_149 = tpu.vector_load_idx %arg13[%get3A_148] : memref<256xi32, #tpu.memory_space<vmem>>[vector<16xi32>], vector<16xi32>,
    %get3A_150 = arith.constant 96 : index
    %get3A_151 = tpu.vector_load %arg8[%get3A_150] {strides = array<i32>} : memref<640xi32, #tpu.memory_space<vmem>>, vector<16xi32>,
    %add3A_152 = arith.addi %gather3A_149, %get3A_151 : vector<16xi32>
    %swap3A_153 = arith.constant 96 : index
    %swap3A_154 = tpu.vector_load %arg15[%swap3A_153] {strides = array<i32>} : memref<128xi32, #tpu.memory_space<vmem>>, vector<16xi32>,
    tpu.vector_store %arg15[%swap3A_153], %add3A_152 {strides = array<i32>} : memref<128xi32, #tpu.memory_space<vmem>>, vector<16xi32>,
    %get3A_155 = arith.constant 112 : index
    %get3A_156 = tpu.vector_load %arg7[%get3A_155] {strides = array<i32>} : memref<640xi32, #tpu.memory_space<vmem>>, vector<16xi32>,
    %gather3A_157 = tpu.vector_load_idx %arg13[%get3A_156] : memref<256xi32, #tpu.memory_space<vmem>>[vector<16xi32>], vector<16xi32>,
    %get3A_158 = arith.constant 112 : index
    %get3A_159 = tpu.vector_load %arg8[%get3A_158] {strides = array<i32>} : memref<640xi32, #tpu.memory_space<vmem>>, vector<16xi32>,
    %add3A_160 = arith.addi %gather3A_157, %get3A_159 : vector<16xi32>
    %swap3A_161 = arith.constant 112 : index
    %swap3A_162 = tpu.vector_load %arg15[%swap3A_161] {strides = array<i32>} : memref<128xi32, #tpu.memory_space<vmem>>, vector<16xi32>,
    tpu.vector_store %arg15[%swap3A_161], %add3A_160 {strides = array<i32>} : memref<128xi32, #tpu.memory_space<vmem>>, vector<16xi32>,
    %get3A_163 = arith.constant 128 : index
    %get3A_164 = tpu.vector_load %arg7[%get3A_163] {strides = array<i32>} : memref<640xi32, #tpu.memory_space<vmem>>, vector<16xi32>,
    %gather3A_165 = tpu.vector_load_idx %arg13[%get3A_164] : memref<256xi32, #tpu.memory_space<vmem>>[vector<16xi32>], vector<16xi32>,
    %get3A_166 = arith.constant 128 : index
    %get3A_167 = tpu.vector_load %arg8[%get3A_166] {strides = array<i32>} : memref<640xi32, #tpu.memory_space<vmem>>, vector<16xi32>,
    %add3A_168 = arith.addi %gather3A_165, %get3A_167 : vector<16xi32>
    %swap3A_169 = arith.constant 0 : index
    %swap3A_170 = tpu.vector_load %arg16[%swap3A_169] {strides = array<i32>} : memref<128xi32, #tpu.memory_space<vmem>>, vector<16xi32>,
    tpu.vector_store %arg16[%swap3A_169], %add3A_168 {strides = array<i32>} : memref<128xi32, #tpu.memory_space<vmem>>, vector<16xi32>,
    %get3A_171 = arith.constant 144 : index
    %get3A_172 = tpu.vector_load %arg7[%get3A_171] {strides = array<i32>} : memref<640xi32, #tpu.memory_space<vmem>>, vector<16xi32>,
    %gather3A_173 = tpu.vector_load_idx %arg13[%get3A_172] : memref<256xi32, #tpu.memory_space<vmem>>[vector<16xi32>], vector<16xi32>,
    %get3A_174 = arith.constant 144 : index
    %get3A_175 = tpu.vector_load %arg8[%get3A_174] {strides = array<i32>} : memref<640xi32, #tpu.memory_space<vmem>>, vector<16xi32>,
    %add3A_176 = arith.addi %gather3A_173, %get3A_175 : vector<16xi32>
    %swap3A_177 = arith.constant 16 : index
    %swap3A_178 = tpu.vector_load %arg16[%swap3A_177] {strides = array<i32>} : memref<128xi32, #tpu.memory_space<vmem>>, vector<16xi32>,
    tpu.vector_store %arg16[%swap3A_177], %add3A_176 {strides = array<i32>} : memref<128xi32, #tpu.memory_space<vmem>>, vector<16xi32>,
    %get3A_179 = arith.constant 160 : index
    %get3A_180 = tpu.vector_load %arg7[%get3A_179] {strides = array<i32>} : memref<640xi32, #tpu.memory_space<vmem>>, vector<16xi32>,
    %gather3A_181 = tpu.vector_load_idx %arg13[%get3A_180] : memref<256xi32, #tpu.memory_space<vmem>>[vector<16xi32>], vector<16xi32>,
    %get3A_182 = arith.constant 160 : index
    %get3A_183 = tpu.vector_load %arg8[%get3A_182] {strides = array<i32>} : memref<640xi32, #tpu.memory_space<vmem>>, vector<16xi32>,
    %add3A_184 = arith.addi %gather3A_181, %get3A_183 : vector<16xi32>
    %swap3A_185 = arith.constant 32 : index
    %swap3A_186 = tpu.vector_load %arg16[%swap3A_185] {strides = array<i32>} : memref<128xi32, #tpu.memory_space<vmem>>, vector<16xi32>,
    tpu.vector_store %arg16[%swap3A_185], %add3A_184 {strides = array<i32>} : memref<128xi32, #tpu.memory_space<vmem>>, vector<16xi32>,
    %get3A_187 = arith.constant 176 : index
    %get3A_188 = tpu.vector_load %arg7[%get3A_187] {strides = array<i32>} : memref<640xi32, #tpu.memory_space<vmem>>, vector<16xi32>,
    %gather3A_189 = tpu.vector_load_idx %arg13[%get3A_188] : memref<256xi32, #tpu.memory_space<vmem>>[vector<16xi32>], vector<16xi32>,
    %get3A_190 = arith.constant 176 : index
    %get3A_191 = tpu.vector_load %arg8[%get3A_190] {strides = array<i32>} : memref<640xi32, #tpu.memory_space<vmem>>, vector<16xi32>,
    %add3A_192 = arith.addi %gather3A_189, %get3A_191 : vector<16xi32>
    %swap3A_193 = arith.constant 48 : index
    %swap3A_194 = tpu.vector_load %arg16[%swap3A_193] {strides = array<i32>} : memref<128xi32, #tpu.memory_space<vmem>>, vector<16xi32>,
    tpu.vector_store %arg16[%swap3A_193], %add3A_192 {strides = array<i32>} : memref<128xi32, #tpu.memory_space<vmem>>, vector<16xi32>,
    %get3A_195 = arith.constant 192 : index
    %get3A_196 = tpu.vector_load %arg7[%get3A_195] {strides = array<i32>} : memref<640xi32, #tpu.memory_space<vmem>>, vector<16xi32>,
    %gather3A_197 = tpu.vector_load_idx %arg13[%get3A_196] : memref<256xi32, #tpu.memory_space<vmem>>[vector<16xi32>], vector<16xi32>,
    %get3A_198 = arith.constant 192 : index
    %get3A_199 = tpu.vector_load %arg8[%get3A_198] {strides = array<i32>} : memref<640xi32, #tpu.memory_space<vmem>>, vector<16xi32>,
    %add3A_200 = arith.addi %gather3A_197, %get3A_199 : vector<16xi32>
    %swap3A_201 = arith.constant 64 : index
    %swap3A_202 = tpu.vector_load %arg16[%swap3A_201] {strides = array<i32>} : memref<128xi32, #tpu.memory_space<vmem>>, vector<16xi32>,
    tpu.vector_store %arg16[%swap3A_201], %add3A_200 {strides = array<i32>} : memref<128xi32, #tpu.memory_space<vmem>>, vector<16xi32>,
    %get3A_203 = arith.constant 208 : index
    %get3A_204 = tpu.vector_load %arg7[%get3A_203] {strides = array<i32>} : memref<640xi32, #tpu.memory_space<vmem>>, vector<16xi32>,
    %gather3A_205 = tpu.vector_load_idx %arg13[%get3A_204] : memref<256xi32, #tpu.memory_space<vmem>>[vector<16xi32>], vector<16xi32>,
    %get3A_206 = arith.constant 208 : index
    %get3A_207 = tpu.vector_load %arg8[%get3A_206] {strides = array<i32>} : memref<640xi32, #tpu.memory_space<vmem>>, vector<16xi32>,
    %add3A_208 = arith.addi %gather3A_205, %get3A_207 : vector<16xi32>
    %swap3A_209 = arith.constant 80 : index
    %swap3A_210 = tpu.vector_load %arg16[%swap3A_209] {strides = array<i32>} : memref<128xi32, #tpu.memory_space<vmem>>, vector<16xi32>,
    tpu.vector_store %arg16[%swap3A_209], %add3A_208 {strides = array<i32>} : memref<128xi32, #tpu.memory_space<vmem>>, vector<16xi32>,
    %get3A_211 = arith.constant 224 : index
    %get3A_212 = tpu.vector_load %arg7[%get3A_211] {strides = array<i32>} : memref<640xi32, #tpu.memory_space<vmem>>, vector<16xi32>,
    %gather3A_213 = tpu.vector_load_idx %arg13[%get3A_212] : memref<256xi32, #tpu.memory_space<vmem>>[vector<16xi32>], vector<16xi32>,
    %get3A_214 = arith.constant 224 : index
    %get3A_215 = tpu.vector_load %arg8[%get3A_214] {strides = array<i32>} : memref<640xi32, #tpu.memory_space<vmem>>, vector<16xi32>,
    %add3A_216 = arith.addi %gather3A_213, %get3A_215 : vector<16xi32>
    %swap3A_217 = arith.constant 96 : index
    %swap3A_218 = tpu.vector_load %arg16[%swap3A_217] {strides = array<i32>} : memref<128xi32, #tpu.memory_space<vmem>>, vector<16xi32>,
    tpu.vector_store %arg16[%swap3A_217], %add3A_216 {strides = array<i32>} : memref<128xi32, #tpu.memory_space<vmem>>, vector<16xi32>,
    %get3A_219 = arith.constant 240 : index
    %get3A_220 = tpu.vector_load %arg7[%get3A_219] {strides = array<i32>} : memref<640xi32, #tpu.memory_space<vmem>>, vector<16xi32>,
    %gather3A_221 = tpu.vector_load_idx %arg13[%get3A_220] : memref<256xi32, #tpu.memory_space<vmem>>[vector<16xi32>], vector<16xi32>,
    %get3A_222 = arith.constant 240 : index
    %get3A_223 = tpu.vector_load %arg8[%get3A_222] {strides = array<i32>} : memref<640xi32, #tpu.memory_space<vmem>>, vector<16xi32>,
    %add3A_224 = arith.addi %gather3A_221, %get3A_223 : vector<16xi32>
    %swap3A_225 = arith.constant 112 : index
    %swap3A_226 = tpu.vector_load %arg16[%swap3A_225] {strides = array<i32>} : memref<128xi32, #tpu.memory_space<vmem>>, vector<16xi32>,
    tpu.vector_store %arg16[%swap3A_225], %add3A_224 {strides = array<i32>} : memref<128xi32, #tpu.memory_space<vmem>>, vector<16xi32>,
    %get3A_227 = arith.constant 256 : index
    %get3A_228 = tpu.vector_load %arg7[%get3A_227] {strides = array<i32>} : memref<640xi32, #tpu.memory_space<vmem>>, vector<16xi32>,
    %gather3A_229 = tpu.vector_load_idx %arg13[%get3A_228] : memref<256xi32, #tpu.memory_space<vmem>>[vector<16xi32>], vector<16xi32>,
    %get3A_230 = arith.constant 256 : index
    %get3A_231 = tpu.vector_load %arg8[%get3A_230] {strides = array<i32>} : memref<640xi32, #tpu.memory_space<vmem>>, vector<16xi32>,
    %add3A_232 = arith.addi %gather3A_229, %get3A_231 : vector<16xi32>
    %swap3A_233 = arith.constant 0 : index
    %swap3A_234 = tpu.vector_load %arg17[%swap3A_233] {strides = array<i32>} : memref<128xi32, #tpu.memory_space<vmem>>, vector<16xi32>,
    tpu.vector_store %arg17[%swap3A_233], %add3A_232 {strides = array<i32>} : memref<128xi32, #tpu.memory_space<vmem>>, vector<16xi32>,
    %get3A_235 = arith.constant 272 : index
    %get3A_236 = tpu.vector_load %arg7[%get3A_235] {strides = array<i32>} : memref<640xi32, #tpu.memory_space<vmem>>, vector<16xi32>,
    %gather3A_237 = tpu.vector_load_idx %arg13[%get3A_236] : memref<256xi32, #tpu.memory_space<vmem>>[vector<16xi32>], vector<16xi32>,
    %get3A_238 = arith.constant 272 : index
    %get3A_239 = tpu.vector_load %arg8[%get3A_238] {strides = array<i32>} : memref<640xi32, #tpu.memory_space<vmem>>, vector<16xi32>,
    %add3A_240 = arith.addi %gather3A_237, %get3A_239 : vector<16xi32>
    %swap3A_241 = arith.constant 16 : index
    %swap3A_242 = tpu.vector_load %arg17[%swap3A_241] {strides = array<i32>} : memref<128xi32, #tpu.memory_space<vmem>>, vector<16xi32>,
    tpu.vector_store %arg17[%swap3A_241], %add3A_240 {strides = array<i32>} : memref<128xi32, #tpu.memory_space<vmem>>, vector<16xi32>,
    %get3A_243 = arith.constant 288 : index
    %get3A_244 = tpu.vector_load %arg7[%get3A_243] {strides = array<i32>} : memref<640xi32, #tpu.memory_space<vmem>>, vector<16xi32>,
    %gather3A_245 = tpu.vector_load_idx %arg13[%get3A_244] : memref<256xi32, #tpu.memory_space<vmem>>[vector<16xi32>], vector<16xi32>,
    %get3A_246 = arith.constant 288 : index
    %get3A_247 = tpu.vector_load %arg8[%get3A_246] {strides = array<i32>} : memref<640xi32, #tpu.memory_space<vmem>>, vector<16xi32>,
    %add3A_248 = arith.addi %gather3A_245, %get3A_247 : vector<16xi32>
    %swap3A_249 = arith.constant 32 : index
    %swap3A_250 = tpu.vector_load %arg17[%swap3A_249] {strides = array<i32>} : memref<128xi32, #tpu.memory_space<vmem>>, vector<16xi32>,
    tpu.vector_store %arg17[%swap3A_249], %add3A_248 {strides = array<i32>} : memref<128xi32, #tpu.memory_space<vmem>>, vector<16xi32>,
    %get3A_251 = arith.constant 304 : index
    %get3A_252 = tpu.vector_load %arg7[%get3A_251] {strides = array<i32>} : memref<640xi32, #tpu.memory_space<vmem>>, vector<16xi32>,
    %gather3A_253 = tpu.vector_load_idx %arg13[%get3A_252] : memref<256xi32, #tpu.memory_space<vmem>>[vector<16xi32>], vector<16xi32>,
    %get3A_254 = arith.constant 304 : index
    %get3A_255 = tpu.vector_load %arg8[%get3A_254] {strides = array<i32>} : memref<640xi32, #tpu.memory_space<vmem>>, vector<16xi32>,
    %add3A_256 = arith.addi %gather3A_253, %get3A_255 : vector<16xi32>
    %swap3A_257 = arith.constant 48 : index
    %swap3A_258 = tpu.vector_load %arg17[%swap3A_257] {strides = array<i32>} : memref<128xi32, #tpu.memory_space<vmem>>, vector<16xi32>,
    tpu.vector_store %arg17[%swap3A_257], %add3A_256 {strides = array<i32>} : memref<128xi32, #tpu.memory_space<vmem>>, vector<16xi32>,
    %get3A_259 = arith.constant 320 : index
    %get3A_260 = tpu.vector_load %arg7[%get3A_259] {strides = array<i32>} : memref<640xi32, #tpu.memory_space<vmem>>, vector<16xi32>,
    %gather3A_261 = tpu.vector_load_idx %arg13[%get3A_260] : memref<256xi32, #tpu.memory_space<vmem>>[vector<16xi32>], vector<16xi32>,
    %get3A_262 = arith.constant 320 : index
    %get3A_263 = tpu.vector_load %arg8[%get3A_262] {strides = array<i32>} : memref<640xi32, #tpu.memory_space<vmem>>, vector<16xi32>,
    %add3A_264 = arith.addi %gather3A_261, %get3A_263 : vector<16xi32>
    %swap3A_265 = arith.constant 64 : index
    %swap3A_266 = tpu.vector_load %arg17[%swap3A_265] {strides = array<i32>} : memref<128xi32, #tpu.memory_space<vmem>>, vector<16xi32>,
    tpu.vector_store %arg17[%swap3A_265], %add3A_264 {strides = array<i32>} : memref<128xi32, #tpu.memory_space<vmem>>, vector<16xi32>,
    %get3A_267 = arith.constant 336 : index
    %get3A_268 = tpu.vector_load %arg7[%get3A_267] {strides = array<i32>} : memref<640xi32, #tpu.memory_space<vmem>>, vector<16xi32>,
    %gather3A_269 = tpu.vector_load_idx %arg13[%get3A_268] : memref<256xi32, #tpu.memory_space<vmem>>[vector<16xi32>], vector<16xi32>,
    %get3A_270 = arith.constant 336 : index
    %get3A_271 = tpu.vector_load %arg8[%get3A_270] {strides = array<i32>} : memref<640xi32, #tpu.memory_space<vmem>>, vector<16xi32>,
    %add3A_272 = arith.addi %gather3A_269, %get3A_271 : vector<16xi32>
    %swap3A_273 = arith.constant 80 : index
    %swap3A_274 = tpu.vector_load %arg17[%swap3A_273] {strides = array<i32>} : memref<128xi32, #tpu.memory_space<vmem>>, vector<16xi32>,
    tpu.vector_store %arg17[%swap3A_273], %add3A_272 {strides = array<i32>} : memref<128xi32, #tpu.memory_space<vmem>>, vector<16xi32>,
    %get3A_275 = arith.constant 352 : index
    %get3A_276 = tpu.vector_load %arg7[%get3A_275] {strides = array<i32>} : memref<640xi32, #tpu.memory_space<vmem>>, vector<16xi32>,
    %gather3A_277 = tpu.vector_load_idx %arg13[%get3A_276] : memref<256xi32, #tpu.memory_space<vmem>>[vector<16xi32>], vector<16xi32>,
    %get3A_278 = arith.constant 352 : index
    %get3A_279 = tpu.vector_load %arg8[%get3A_278] {strides = array<i32>} : memref<640xi32, #tpu.memory_space<vmem>>, vector<16xi32>,
    %add3A_280 = arith.addi %gather3A_277, %get3A_279 : vector<16xi32>
    %swap3A_281 = arith.constant 96 : index
    %swap3A_282 = tpu.vector_load %arg17[%swap3A_281] {strides = array<i32>} : memref<128xi32, #tpu.memory_space<vmem>>, vector<16xi32>,
    tpu.vector_store %arg17[%swap3A_281], %add3A_280 {strides = array<i32>} : memref<128xi32, #tpu.memory_space<vmem>>, vector<16xi32>,
    %get3A_283 = arith.constant 368 : index
    %get3A_284 = tpu.vector_load %arg7[%get3A_283] {strides = array<i32>} : memref<640xi32, #tpu.memory_space<vmem>>, vector<16xi32>,
    %gather3A_285 = tpu.vector_load_idx %arg13[%get3A_284] : memref<256xi32, #tpu.memory_space<vmem>>[vector<16xi32>], vector<16xi32>,
    %get3A_286 = arith.constant 368 : index
    %get3A_287 = tpu.vector_load %arg8[%get3A_286] {strides = array<i32>} : memref<640xi32, #tpu.memory_space<vmem>>, vector<16xi32>,
    %add3A_288 = arith.addi %gather3A_285, %get3A_287 : vector<16xi32>
    %swap3A_289 = arith.constant 112 : index
    %swap3A_290 = tpu.vector_load %arg17[%swap3A_289] {strides = array<i32>} : memref<128xi32, #tpu.memory_space<vmem>>, vector<16xi32>,
    tpu.vector_store %arg17[%swap3A_289], %add3A_288 {strides = array<i32>} : memref<128xi32, #tpu.memory_space<vmem>>, vector<16xi32>,
    %get3A_291 = arith.constant 384 : index
    %get3A_292 = tpu.vector_load %arg7[%get3A_291] {strides = array<i32>} : memref<640xi32, #tpu.memory_space<vmem>>, vector<16xi32>,
    %gather3A_293 = tpu.vector_load_idx %arg13[%get3A_292] : memref<256xi32, #tpu.memory_space<vmem>>[vector<16xi32>], vector<16xi32>,
    %get3A_294 = arith.constant 384 : index
    %get3A_295 = tpu.vector_load %arg8[%get3A_294] {strides = array<i32>} : memref<640xi32, #tpu.memory_space<vmem>>, vector<16xi32>,
    %add3A_296 = arith.addi %gather3A_293, %get3A_295 : vector<16xi32>
    %swap3A_297 = arith.constant 0 : index
    %swap3A_298 = tpu.vector_load %arg18[%swap3A_297] {strides = array<i32>} : memref<128xi32, #tpu.memory_space<vmem>>, vector<16xi32>,
    tpu.vector_store %arg18[%swap3A_297], %add3A_296 {strides = array<i32>} : memref<128xi32, #tpu.memory_space<vmem>>, vector<16xi32>,
    %get3A_299 = arith.constant 400 : index
    %get3A_300 = tpu.vector_load %arg7[%get3A_299] {strides = array<i32>} : memref<640xi32, #tpu.memory_space<vmem>>, vector<16xi32>,
    %gather3A_301 = tpu.vector_load_idx %arg13[%get3A_300] : memref<256xi32, #tpu.memory_space<vmem>>[vector<16xi32>], vector<16xi32>,
    %get3A_302 = arith.constant 400 : index
    %get3A_303 = tpu.vector_load %arg8[%get3A_302] {strides = array<i32>} : memref<640xi32, #tpu.memory_space<vmem>>, vector<16xi32>,
    %add3A_304 = arith.addi %gather3A_301, %get3A_303 : vector<16xi32>
    %swap3A_305 = arith.constant 16 : index
    %swap3A_306 = tpu.vector_load %arg18[%swap3A_305] {strides = array<i32>} : memref<128xi32, #tpu.memory_space<vmem>>, vector<16xi32>,
    tpu.vector_store %arg18[%swap3A_305], %add3A_304 {strides = array<i32>} : memref<128xi32, #tpu.memory_space<vmem>>, vector<16xi32>,
    %get3A_307 = arith.constant 416 : index
    %get3A_308 = tpu.vector_load %arg7[%get3A_307] {strides = array<i32>} : memref<640xi32, #tpu.memory_space<vmem>>, vector<16xi32>,
    %gather3A_309 = tpu.vector_load_idx %arg13[%get3A_308] : memref<256xi32, #tpu.memory_space<vmem>>[vector<16xi32>], vector<16xi32>,
    %get3A_310 = arith.constant 416 : index
    %get3A_311 = tpu.vector_load %arg8[%get3A_310] {strides = array<i32>} : memref<640xi32, #tpu.memory_space<vmem>>, vector<16xi32>,
    %add3A_312 = arith.addi %gather3A_309, %get3A_311 : vector<16xi32>
    %swap3A_313 = arith.constant 32 : index
    %swap3A_314 = tpu.vector_load %arg18[%swap3A_313] {strides = array<i32>} : memref<128xi32, #tpu.memory_space<vmem>>, vector<16xi32>,
    tpu.vector_store %arg18[%swap3A_313], %add3A_312 {strides = array<i32>} : memref<128xi32, #tpu.memory_space<vmem>>, vector<16xi32>,
    %get3A_315 = arith.constant 432 : index
    %get3A_316 = tpu.vector_load %arg7[%get3A_315] {strides = array<i32>} : memref<640xi32, #tpu.memory_space<vmem>>, vector<16xi32>,
    %gather3A_317 = tpu.vector_load_idx %arg13[%get3A_316] : memref<256xi32, #tpu.memory_space<vmem>>[vector<16xi32>], vector<16xi32>,
    %get3A_318 = arith.constant 432 : index
    %get3A_319 = tpu.vector_load %arg8[%get3A_318] {strides = array<i32>} : memref<640xi32, #tpu.memory_space<vmem>>, vector<16xi32>,
    %add3A_320 = arith.addi %gather3A_317, %get3A_319 : vector<16xi32>
    %swap3A_321 = arith.constant 48 : index
    %swap3A_322 = tpu.vector_load %arg18[%swap3A_321] {strides = array<i32>} : memref<128xi32, #tpu.memory_space<vmem>>, vector<16xi32>,
    tpu.vector_store %arg18[%swap3A_321], %add3A_320 {strides = array<i32>} : memref<128xi32, #tpu.memory_space<vmem>>, vector<16xi32>,
    %get3A_323 = arith.constant 448 : index
    %get3A_324 = tpu.vector_load %arg7[%get3A_323] {strides = array<i32>} : memref<640xi32, #tpu.memory_space<vmem>>, vector<16xi32>,
    %gather3A_325 = tpu.vector_load_idx %arg13[%get3A_324] : memref<256xi32, #tpu.memory_space<vmem>>[vector<16xi32>], vector<16xi32>,
    %get3A_326 = arith.constant 448 : index
    %get3A_327 = tpu.vector_load %arg8[%get3A_326] {strides = array<i32>} : memref<640xi32, #tpu.memory_space<vmem>>, vector<16xi32>,
    %add3A_328 = arith.addi %gather3A_325, %get3A_327 : vector<16xi32>
    %swap3A_329 = arith.constant 64 : index
    %swap3A_330 = tpu.vector_load %arg18[%swap3A_329] {strides = array<i32>} : memref<128xi32, #tpu.memory_space<vmem>>, vector<16xi32>,
    tpu.vector_store %arg18[%swap3A_329], %add3A_328 {strides = array<i32>} : memref<128xi32, #tpu.memory_space<vmem>>, vector<16xi32>,
    %get3A_331 = arith.constant 464 : index
    %get3A_332 = tpu.vector_load %arg7[%get3A_331] {strides = array<i32>} : memref<640xi32, #tpu.memory_space<vmem>>, vector<16xi32>,
    %gather3A_333 = tpu.vector_load_idx %arg13[%get3A_332] : memref<256xi32, #tpu.memory_space<vmem>>[vector<16xi32>], vector<16xi32>,
    %get3A_334 = arith.constant 464 : index
    %get3A_335 = tpu.vector_load %arg8[%get3A_334] {strides = array<i32>} : memref<640xi32, #tpu.memory_space<vmem>>, vector<16xi32>,
    %add3A_336 = arith.addi %gather3A_333, %get3A_335 : vector<16xi32>
    %swap3A_337 = arith.constant 80 : index
    %swap3A_338 = tpu.vector_load %arg18[%swap3A_337] {strides = array<i32>} : memref<128xi32, #tpu.memory_space<vmem>>, vector<16xi32>,
    tpu.vector_store %arg18[%swap3A_337], %add3A_336 {strides = array<i32>} : memref<128xi32, #tpu.memory_space<vmem>>, vector<16xi32>,
    %get3A_339 = arith.constant 480 : index
    %get3A_340 = tpu.vector_load %arg7[%get3A_339] {strides = array<i32>} : memref<640xi32, #tpu.memory_space<vmem>>, vector<16xi32>,
    %gather3A_341 = tpu.vector_load_idx %arg13[%get3A_340] : memref<256xi32, #tpu.memory_space<vmem>>[vector<16xi32>], vector<16xi32>,
    %get3A_342 = arith.constant 480 : index
    %get3A_343 = tpu.vector_load %arg8[%get3A_342] {strides = array<i32>} : memref<640xi32, #tpu.memory_space<vmem>>, vector<16xi32>,
    %add3A_344 = arith.addi %gather3A_341, %get3A_343 : vector<16xi32>
    %swap3A_345 = arith.constant 96 : index
    %swap3A_346 = tpu.vector_load %arg18[%swap3A_345] {strides = array<i32>} : memref<128xi32, #tpu.memory_space<vmem>>, vector<16xi32>,
    tpu.vector_store %arg18[%swap3A_345], %add3A_344 {strides = array<i32>} : memref<128xi32, #tpu.memory_space<vmem>>, vector<16xi32>,
    %get3A_347 = arith.constant 496 : index
    %get3A_348 = tpu.vector_load %arg7[%get3A_347] {strides = array<i32>} : memref<640xi32, #tpu.memory_space<vmem>>, vector<16xi32>,
    %gather3A_349 = tpu.vector_load_idx %arg13[%get3A_348] : memref<256xi32, #tpu.memory_space<vmem>>[vector<16xi32>], vector<16xi32>,
    %get3A_350 = arith.constant 496 : index
    %get3A_351 = tpu.vector_load %arg8[%get3A_350] {strides = array<i32>} : memref<640xi32, #tpu.memory_space<vmem>>, vector<16xi32>,
    %add3A_352 = arith.addi %gather3A_349, %get3A_351 : vector<16xi32>
    %swap3A_353 = arith.constant 112 : index
    %swap3A_354 = tpu.vector_load %arg18[%swap3A_353] {strides = array<i32>} : memref<128xi32, #tpu.memory_space<vmem>>, vector<16xi32>,
    tpu.vector_store %arg18[%swap3A_353], %add3A_352 {strides = array<i32>} : memref<128xi32, #tpu.memory_space<vmem>>, vector<16xi32>,
    %get3A_355 = arith.constant 512 : index
    %get3A_356 = tpu.vector_load %arg7[%get3A_355] {strides = array<i32>} : memref<640xi32, #tpu.memory_space<vmem>>, vector<16xi32>,
    %gather3A_357 = tpu.vector_load_idx %arg13[%get3A_356] : memref<256xi32, #tpu.memory_space<vmem>>[vector<16xi32>], vector<16xi32>,
    %get3A_358 = arith.constant 512 : index
    %get3A_359 = tpu.vector_load %arg8[%get3A_358] {strides = array<i32>} : memref<640xi32, #tpu.memory_space<vmem>>, vector<16xi32>,
    %add3A_360 = arith.addi %gather3A_357, %get3A_359 : vector<16xi32>
    %swap3A_361 = arith.constant 0 : index
    %swap3A_362 = tpu.vector_load %arg19[%swap3A_361] {strides = array<i32>} : memref<128xi32, #tpu.memory_space<vmem>>, vector<16xi32>,
    tpu.vector_store %arg19[%swap3A_361], %add3A_360 {strides = array<i32>} : memref<128xi32, #tpu.memory_space<vmem>>, vector<16xi32>,
    %get3A_363 = arith.constant 528 : index
    %get3A_364 = tpu.vector_load %arg7[%get3A_363] {strides = array<i32>} : memref<640xi32, #tpu.memory_space<vmem>>, vector<16xi32>,
    %gather3A_365 = tpu.vector_load_idx %arg13[%get3A_364] : memref<256xi32, #tpu.memory_space<vmem>>[vector<16xi32>], vector<16xi32>,
    %get3A_366 = arith.constant 528 : index
    %get3A_367 = tpu.vector_load %arg8[%get3A_366] {strides = array<i32>} : memref<640xi32, #tpu.memory_space<vmem>>, vector<16xi32>,
    %add3A_368 = arith.addi %gather3A_365, %get3A_367 : vector<16xi32>
    %swap3A_369 = arith.constant 16 : index
    %swap3A_370 = tpu.vector_load %arg19[%swap3A_369] {strides = array<i32>} : memref<128xi32, #tpu.memory_space<vmem>>, vector<16xi32>,
    tpu.vector_store %arg19[%swap3A_369], %add3A_368 {strides = array<i32>} : memref<128xi32, #tpu.memory_space<vmem>>, vector<16xi32>,
    %get3A_371 = arith.constant 544 : index
    %get3A_372 = tpu.vector_load %arg7[%get3A_371] {strides = array<i32>} : memref<640xi32, #tpu.memory_space<vmem>>, vector<16xi32>,
    %gather3A_373 = tpu.vector_load_idx %arg13[%get3A_372] : memref<256xi32, #tpu.memory_space<vmem>>[vector<16xi32>], vector<16xi32>,
    %get3A_374 = arith.constant 544 : index
    %get3A_375 = tpu.vector_load %arg8[%get3A_374] {strides = array<i32>} : memref<640xi32, #tpu.memory_space<vmem>>, vector<16xi32>,
    %add3A_376 = arith.addi %gather3A_373, %get3A_375 : vector<16xi32>
    %swap3A_377 = arith.constant 32 : index
    %swap3A_378 = tpu.vector_load %arg19[%swap3A_377] {strides = array<i32>} : memref<128xi32, #tpu.memory_space<vmem>>, vector<16xi32>,
    tpu.vector_store %arg19[%swap3A_377], %add3A_376 {strides = array<i32>} : memref<128xi32, #tpu.memory_space<vmem>>, vector<16xi32>,
    %get3A_379 = arith.constant 560 : index
    %get3A_380 = tpu.vector_load %arg7[%get3A_379] {strides = array<i32>} : memref<640xi32, #tpu.memory_space<vmem>>, vector<16xi32>,
    %gather3A_381 = tpu.vector_load_idx %arg13[%get3A_380] : memref<256xi32, #tpu.memory_space<vmem>>[vector<16xi32>], vector<16xi32>,
    %get3A_382 = arith.constant 560 : index
    %get3A_383 = tpu.vector_load %arg8[%get3A_382] {strides = array<i32>} : memref<640xi32, #tpu.memory_space<vmem>>, vector<16xi32>,
    %add3A_384 = arith.addi %gather3A_381, %get3A_383 : vector<16xi32>
    %swap3A_385 = arith.constant 48 : index
    %swap3A_386 = tpu.vector_load %arg19[%swap3A_385] {strides = array<i32>} : memref<128xi32, #tpu.memory_space<vmem>>, vector<16xi32>,
    tpu.vector_store %arg19[%swap3A_385], %add3A_384 {strides = array<i32>} : memref<128xi32, #tpu.memory_space<vmem>>, vector<16xi32>,
    %get3A_387 = arith.constant 576 : index
    %get3A_388 = tpu.vector_load %arg7[%get3A_387] {strides = array<i32>} : memref<640xi32, #tpu.memory_space<vmem>>, vector<16xi32>,
    %gather3A_389 = tpu.vector_load_idx %arg13[%get3A_388] : memref<256xi32, #tpu.memory_space<vmem>>[vector<16xi32>], vector<16xi32>,
    %get3A_390 = arith.constant 576 : index
    %get3A_391 = tpu.vector_load %arg8[%get3A_390] {strides = array<i32>} : memref<640xi32, #tpu.memory_space<vmem>>, vector<16xi32>,
    %add3A_392 = arith.addi %gather3A_389, %get3A_391 : vector<16xi32>
    %swap3A_393 = arith.constant 64 : index
    %swap3A_394 = tpu.vector_load %arg19[%swap3A_393] {strides = array<i32>} : memref<128xi32, #tpu.memory_space<vmem>>, vector<16xi32>,
    tpu.vector_store %arg19[%swap3A_393], %add3A_392 {strides = array<i32>} : memref<128xi32, #tpu.memory_space<vmem>>, vector<16xi32>,
    %get3A_395 = arith.constant 592 : index
    %get3A_396 = tpu.vector_load %arg7[%get3A_395] {strides = array<i32>} : memref<640xi32, #tpu.memory_space<vmem>>, vector<16xi32>,
    %gather3A_397 = tpu.vector_load_idx %arg13[%get3A_396] : memref<256xi32, #tpu.memory_space<vmem>>[vector<16xi32>], vector<16xi32>,
    %get3A_398 = arith.constant 592 : index
    %get3A_399 = tpu.vector_load %arg8[%get3A_398] {strides = array<i32>} : memref<640xi32, #tpu.memory_space<vmem>>, vector<16xi32>,
    %add3A_400 = arith.addi %gather3A_397, %get3A_399 : vector<16xi32>
    %swap3A_401 = arith.constant 80 : index
    %swap3A_402 = tpu.vector_load %arg19[%swap3A_401] {strides = array<i32>} : memref<128xi32, #tpu.memory_space<vmem>>, vector<16xi32>,
    tpu.vector_store %arg19[%swap3A_401], %add3A_400 {strides = array<i32>} : memref<128xi32, #tpu.memory_space<vmem>>, vector<16xi32>,
    %get3A_403 = arith.constant 608 : index
    %get3A_404 = tpu.vector_load %arg7[%get3A_403] {strides = array<i32>} : memref<640xi32, #tpu.memory_space<vmem>>, vector<16xi32>,
    %gather3A_405 = tpu.vector_load_idx %arg13[%get3A_404] : memref<256xi32, #tpu.memory_space<vmem>>[vector<16xi32>], vector<16xi32>,
    %get3A_406 = arith.constant 608 : index
    %get3A_407 = tpu.vector_load %arg8[%get3A_406] {strides = array<i32>} : memref<640xi32, #tpu.memory_space<vmem>>, vector<16xi32>,
    %add3A_408 = arith.addi %gather3A_405, %get3A_407 : vector<16xi32>
    %swap3A_409 = arith.constant 96 : index
    %swap3A_410 = tpu.vector_load %arg19[%swap3A_409] {strides = array<i32>} : memref<128xi32, #tpu.memory_space<vmem>>, vector<16xi32>,
    tpu.vector_store %arg19[%swap3A_409], %add3A_408 {strides = array<i32>} : memref<128xi32, #tpu.memory_space<vmem>>, vector<16xi32>,
    %get3A_411 = arith.constant 624 : index
    %get3A_412 = tpu.vector_load %arg7[%get3A_411] {strides = array<i32>} : memref<640xi32, #tpu.memory_space<vmem>>, vector<16xi32>,
    %gather3A_413 = tpu.vector_load_idx %arg13[%get3A_412] : memref<256xi32, #tpu.memory_space<vmem>>[vector<16xi32>], vector<16xi32>,
    %get3A_414 = arith.constant 624 : index
    %get3A_415 = tpu.vector_load %arg8[%get3A_414] {strides = array<i32>} : memref<640xi32, #tpu.memory_space<vmem>>, vector<16xi32>,
    %add3A_416 = arith.addi %gather3A_413, %get3A_415 : vector<16xi32>
    %swap3A_417 = arith.constant 112 : index
    %swap3A_418 = tpu.vector_load %arg19[%swap3A_417] {strides = array<i32>} : memref<128xi32, #tpu.memory_space<vmem>>, vector<16xi32>,
    tpu.vector_store %arg19[%swap3A_417], %add3A_416 {strides = array<i32>} : memref<128xi32, #tpu.memory_space<vmem>>, vector<16xi32>,
    %mul3A_419 = arith.constant 640 : i32
    %mul3A_420 = arith.muli %arg1, %mul3A_419 : i32
    %add3A_421 = arith.constant 0 : i32
    %add3A_422 = arith.addi %mul3A_420, %add3A_421 : i32
    %add3A_423 = arith.constant 0 : i32
    %add3A_424 = arith.addi %add3A_423, %add3A_422 : i32
    %dma_start3A_425 = tpu.memref_slice %arg5[%add3A_424] : memref<40976xf32, #tpu.memory_space<vmem>> -> memref<128xf32, #tpu.memory_space<vmem>>
    %dma_start3A_426 = arith.constant 0 : i32
    %dma_start3A_427 = tpu.memref_slice %arg22[%dma_start3A_426] : memref<10240xf32, #tpu.memory_space<vmem_shared>> -> memref<10240xf32, #tpu.memory_space<vmem_shared>>
    tpu.enqueue_indirect_dma source(%dma_start3A_425 : memref<128xf32, #tpu.memory_space<vmem>>) target(%dma_start3A_427 : memref<10240xf32, #tpu.memory_space<vmem_shared>>) offsets(%arg15 : memref<128xi32, #tpu.memory_space<vmem>>) semaphore(%arg27 : memref<!tpu.dma_semaphore, #tpu.memory_space<semaphore_mem>>)
    %add3A_428 = arith.constant 10240 : i32
    %add3A_429 = arith.addi %add3A_428, %add3A_422 : i32
    %dma_start3A_430 = tpu.memref_slice %arg5[%add3A_429] : memref<40976xf32, #tpu.memory_space<vmem>> -> memref<128xf32, #tpu.memory_space<vmem>>
    %dma_start3A_431 = arith.constant 0 : i32
    %dma_start3A_432 = tpu.memref_slice %arg23[%dma_start3A_431] : memref<10240xf32, #tpu.memory_space<vmem_shared>> -> memref<10240xf32, #tpu.memory_space<vmem_shared>>
    tpu.enqueue_indirect_dma source(%dma_start3A_430 : memref<128xf32, #tpu.memory_space<vmem>>) target(%dma_start3A_432 : memref<10240xf32, #tpu.memory_space<vmem_shared>>) offsets(%arg15 : memref<128xi32, #tpu.memory_space<vmem>>) semaphore(%arg27 : memref<!tpu.dma_semaphore, #tpu.memory_space<semaphore_mem>>)
    %add3A_433 = arith.constant 20480 : i32
    %add3A_434 = arith.addi %add3A_433, %add3A_422 : i32
    %dma_start3A_435 = tpu.memref_slice %arg5[%add3A_434] : memref<40976xf32, #tpu.memory_space<vmem>> -> memref<128xf32, #tpu.memory_space<vmem>>
    %dma_start3A_436 = arith.constant 0 : i32
    %dma_start3A_437 = tpu.memref_slice %arg24[%dma_start3A_436] : memref<10240xf32, #tpu.memory_space<vmem_shared>> -> memref<10240xf32, #tpu.memory_space<vmem_shared>>
    tpu.enqueue_indirect_dma source(%dma_start3A_435 : memref<128xf32, #tpu.memory_space<vmem>>) target(%dma_start3A_437 : memref<10240xf32, #tpu.memory_space<vmem_shared>>) offsets(%arg15 : memref<128xi32, #tpu.memory_space<vmem>>) semaphore(%arg27 : memref<!tpu.dma_semaphore, #tpu.memory_space<semaphore_mem>>)
    %add3A_438 = arith.constant 30720 : i32
    %add3A_439 = arith.addi %add3A_438, %add3A_422 : i32
    %dma_start3A_440 = tpu.memref_slice %arg5[%add3A_439] : memref<40976xf32, #tpu.memory_space<vmem>> -> memref<128xf32, #tpu.memory_space<vmem>>
    %dma_start3A_441 = arith.constant 0 : i32
    %dma_start3A_442 = tpu.memref_slice %arg25[%dma_start3A_441] : memref<10240xf32, #tpu.memory_space<vmem_shared>> -> memref<10240xf32, #tpu.memory_space<vmem_shared>>
    tpu.enqueue_indirect_dma source(%dma_start3A_440 : memref<128xf32, #tpu.memory_space<vmem>>) target(%dma_start3A_442 : memref<10240xf32, #tpu.memory_space<vmem_shared>>) offsets(%arg15 : memref<128xi32, #tpu.memory_space<vmem>>) semaphore(%arg27 : memref<!tpu.dma_semaphore, #tpu.memory_space<semaphore_mem>>)
    %dma_start3A_443 = arith.constant 0 : i32
    %dma_start3A_444 = tpu.memref_slice %arg7[%dma_start3A_443] : memref<640xi32, #tpu.memory_space<vmem>> -> memref<128xi32, #tpu.memory_space<vmem>>
    %dma_start3A_445 = arith.constant 0 : i32
    %dma_start3A_446 = tpu.memref_slice %arg26[%dma_start3A_445] : memref<10240xi32, #tpu.memory_space<vmem_shared>> -> memref<10240xi32, #tpu.memory_space<vmem_shared>>
    tpu.enqueue_indirect_dma source(%dma_start3A_444 : memref<128xi32, #tpu.memory_space<vmem>>) target(%dma_start3A_446 : memref<10240xi32, #tpu.memory_space<vmem_shared>>) offsets(%arg15 : memref<128xi32, #tpu.memory_space<vmem>>) semaphore(%arg27 : memref<!tpu.dma_semaphore, #tpu.memory_space<semaphore_mem>>)
    %mul3A_447 = arith.constant 640 : i32
    %mul3A_448 = arith.muli %arg1, %mul3A_447 : i32
    %add3A_449 = arith.constant 128 : i32
    %add3A_450 = arith.addi %mul3A_448, %add3A_449 : i32
    %add3A_451 = arith.constant 0 : i32
    %add3A_452 = arith.addi %add3A_451, %add3A_450 : i32
    %dma_start3A_453 = tpu.memref_slice %arg5[%add3A_452] : memref<40976xf32, #tpu.memory_space<vmem>> -> memref<128xf32, #tpu.memory_space<vmem>>
    %dma_start3A_454 = arith.constant 0 : i32
    %dma_start3A_455 = tpu.memref_slice %arg22[%dma_start3A_454] : memref<10240xf32, #tpu.memory_space<vmem_shared>> -> memref<10240xf32, #tpu.memory_space<vmem_shared>>
    tpu.enqueue_indirect_dma source(%dma_start3A_453 : memref<128xf32, #tpu.memory_space<vmem>>) target(%dma_start3A_455 : memref<10240xf32, #tpu.memory_space<vmem_shared>>) offsets(%arg16 : memref<128xi32, #tpu.memory_space<vmem>>) semaphore(%arg27 : memref<!tpu.dma_semaphore, #tpu.memory_space<semaphore_mem>>)
    %add3A_456 = arith.constant 10240 : i32
    %add3A_457 = arith.addi %add3A_456, %add3A_450 : i32
    %dma_start3A_458 = tpu.memref_slice %arg5[%add3A_457] : memref<40976xf32, #tpu.memory_space<vmem>> -> memref<128xf32, #tpu.memory_space<vmem>>
    %dma_start3A_459 = arith.constant 0 : i32
    %dma_start3A_460 = tpu.memref_slice %arg23[%dma_start3A_459] : memref<10240xf32, #tpu.memory_space<vmem_shared>> -> memref<10240xf32, #tpu.memory_space<vmem_shared>>
    tpu.enqueue_indirect_dma source(%dma_start3A_458 : memref<128xf32, #tpu.memory_space<vmem>>) target(%dma_start3A_460 : memref<10240xf32, #tpu.memory_space<vmem_shared>>) offsets(%arg16 : memref<128xi32, #tpu.memory_space<vmem>>) semaphore(%arg27 : memref<!tpu.dma_semaphore, #tpu.memory_space<semaphore_mem>>)
    %add3A_461 = arith.constant 20480 : i32
    %add3A_462 = arith.addi %add3A_461, %add3A_450 : i32
    %dma_start3A_463 = tpu.memref_slice %arg5[%add3A_462] : memref<40976xf32, #tpu.memory_space<vmem>> -> memref<128xf32, #tpu.memory_space<vmem>>
    %dma_start3A_464 = arith.constant 0 : i32
    %dma_start3A_465 = tpu.memref_slice %arg24[%dma_start3A_464] : memref<10240xf32, #tpu.memory_space<vmem_shared>> -> memref<10240xf32, #tpu.memory_space<vmem_shared>>
    tpu.enqueue_indirect_dma source(%dma_start3A_463 : memref<128xf32, #tpu.memory_space<vmem>>) target(%dma_start3A_465 : memref<10240xf32, #tpu.memory_space<vmem_shared>>) offsets(%arg16 : memref<128xi32, #tpu.memory_space<vmem>>) semaphore(%arg27 : memref<!tpu.dma_semaphore, #tpu.memory_space<semaphore_mem>>)
    %add3A_466 = arith.constant 30720 : i32
    %add3A_467 = arith.addi %add3A_466, %add3A_450 : i32
    %dma_start3A_468 = tpu.memref_slice %arg5[%add3A_467] : memref<40976xf32, #tpu.memory_space<vmem>> -> memref<128xf32, #tpu.memory_space<vmem>>
    %dma_start3A_469 = arith.constant 0 : i32
    %dma_start3A_470 = tpu.memref_slice %arg25[%dma_start3A_469] : memref<10240xf32, #tpu.memory_space<vmem_shared>> -> memref<10240xf32, #tpu.memory_space<vmem_shared>>
    tpu.enqueue_indirect_dma source(%dma_start3A_468 : memref<128xf32, #tpu.memory_space<vmem>>) target(%dma_start3A_470 : memref<10240xf32, #tpu.memory_space<vmem_shared>>) offsets(%arg16 : memref<128xi32, #tpu.memory_space<vmem>>) semaphore(%arg27 : memref<!tpu.dma_semaphore, #tpu.memory_space<semaphore_mem>>)
    %dma_start3A_471 = arith.constant 128 : i32
    %dma_start3A_472 = tpu.memref_slice %arg7[%dma_start3A_471] : memref<640xi32, #tpu.memory_space<vmem>> -> memref<128xi32, #tpu.memory_space<vmem>>
    %dma_start3A_473 = arith.constant 0 : i32
    %dma_start3A_474 = tpu.memref_slice %arg26[%dma_start3A_473] : memref<10240xi32, #tpu.memory_space<vmem_shared>> -> memref<10240xi32, #tpu.memory_space<vmem_shared>>
    tpu.enqueue_indirect_dma source(%dma_start3A_472 : memref<128xi32, #tpu.memory_space<vmem>>) target(%dma_start3A_474 : memref<10240xi32, #tpu.memory_space<vmem_shared>>) offsets(%arg16 : memref<128xi32, #tpu.memory_space<vmem>>) semaphore(%arg27 : memref<!tpu.dma_semaphore, #tpu.memory_space<semaphore_mem>>)
    %mul3A_475 = arith.constant 640 : i32
    %mul3A_476 = arith.muli %arg1, %mul3A_475 : i32
    %add3A_477 = arith.constant 256 : i32
    %add3A_478 = arith.addi %mul3A_476, %add3A_477 : i32
    %add3A_479 = arith.constant 0 : i32
    %add3A_480 = arith.addi %add3A_479, %add3A_478 : i32
    %dma_start3A_481 = tpu.memref_slice %arg5[%add3A_480] : memref<40976xf32, #tpu.memory_space<vmem>> -> memref<128xf32, #tpu.memory_space<vmem>>
    %dma_start3A_482 = arith.constant 0 : i32
    %dma_start3A_483 = tpu.memref_slice %arg22[%dma_start3A_482] : memref<10240xf32, #tpu.memory_space<vmem_shared>> -> memref<10240xf32, #tpu.memory_space<vmem_shared>>
    tpu.enqueue_indirect_dma source(%dma_start3A_481 : memref<128xf32, #tpu.memory_space<vmem>>) target(%dma_start3A_483 : memref<10240xf32, #tpu.memory_space<vmem_shared>>) offsets(%arg17 : memref<128xi32, #tpu.memory_space<vmem>>) semaphore(%arg27 : memref<!tpu.dma_semaphore, #tpu.memory_space<semaphore_mem>>)
    %add3A_484 = arith.constant 10240 : i32
    %add3A_485 = arith.addi %add3A_484, %add3A_478 : i32
    %dma_start3A_486 = tpu.memref_slice %arg5[%add3A_485] : memref<40976xf32, #tpu.memory_space<vmem>> -> memref<128xf32, #tpu.memory_space<vmem>>
    %dma_start3A_487 = arith.constant 0 : i32
    %dma_start3A_488 = tpu.memref_slice %arg23[%dma_start3A_487] : memref<10240xf32, #tpu.memory_space<vmem_shared>> -> memref<10240xf32, #tpu.memory_space<vmem_shared>>
    tpu.enqueue_indirect_dma source(%dma_start3A_486 : memref<128xf32, #tpu.memory_space<vmem>>) target(%dma_start3A_488 : memref<10240xf32, #tpu.memory_space<vmem_shared>>) offsets(%arg17 : memref<128xi32, #tpu.memory_space<vmem>>) semaphore(%arg27 : memref<!tpu.dma_semaphore, #tpu.memory_space<semaphore_mem>>)
    %add3A_489 = arith.constant 20480 : i32
    %add3A_490 = arith.addi %add3A_489, %add3A_478 : i32
    %dma_start3A_491 = tpu.memref_slice %arg5[%add3A_490] : memref<40976xf32, #tpu.memory_space<vmem>> -> memref<128xf32, #tpu.memory_space<vmem>>
    %dma_start3A_492 = arith.constant 0 : i32
    %dma_start3A_493 = tpu.memref_slice %arg24[%dma_start3A_492] : memref<10240xf32, #tpu.memory_space<vmem_shared>> -> memref<10240xf32, #tpu.memory_space<vmem_shared>>
    tpu.enqueue_indirect_dma source(%dma_start3A_491 : memref<128xf32, #tpu.memory_space<vmem>>) target(%dma_start3A_493 : memref<10240xf32, #tpu.memory_space<vmem_shared>>) offsets(%arg17 : memref<128xi32, #tpu.memory_space<vmem>>) semaphore(%arg27 : memref<!tpu.dma_semaphore, #tpu.memory_space<semaphore_mem>>)
    %add3A_494 = arith.constant 30720 : i32
    %add3A_495 = arith.addi %add3A_494, %add3A_478 : i32
    %dma_start3A_496 = tpu.memref_slice %arg5[%add3A_495] : memref<40976xf32, #tpu.memory_space<vmem>> -> memref<128xf32, #tpu.memory_space<vmem>>
    %dma_start3A_497 = arith.constant 0 : i32
    %dma_start3A_498 = tpu.memref_slice %arg25[%dma_start3A_497] : memref<10240xf32, #tpu.memory_space<vmem_shared>> -> memref<10240xf32, #tpu.memory_space<vmem_shared>>
    tpu.enqueue_indirect_dma source(%dma_start3A_496 : memref<128xf32, #tpu.memory_space<vmem>>) target(%dma_start3A_498 : memref<10240xf32, #tpu.memory_space<vmem_shared>>) offsets(%arg17 : memref<128xi32, #tpu.memory_space<vmem>>) semaphore(%arg27 : memref<!tpu.dma_semaphore, #tpu.memory_space<semaphore_mem>>)
    %dma_start3A_499 = arith.constant 256 : i32
    %dma_start3A_500 = tpu.memref_slice %arg7[%dma_start3A_499] : memref<640xi32, #tpu.memory_space<vmem>> -> memref<128xi32, #tpu.memory_space<vmem>>
    %dma_start3A_501 = arith.constant 0 : i32
    %dma_start3A_502 = tpu.memref_slice %arg26[%dma_start3A_501] : memref<10240xi32, #tpu.memory_space<vmem_shared>> -> memref<10240xi32, #tpu.memory_space<vmem_shared>>
    tpu.enqueue_indirect_dma source(%dma_start3A_500 : memref<128xi32, #tpu.memory_space<vmem>>) target(%dma_start3A_502 : memref<10240xi32, #tpu.memory_space<vmem_shared>>) offsets(%arg17 : memref<128xi32, #tpu.memory_space<vmem>>) semaphore(%arg27 : memref<!tpu.dma_semaphore, #tpu.memory_space<semaphore_mem>>)
    %mul3A_503 = arith.constant 640 : i32
    %mul3A_504 = arith.muli %arg1, %mul3A_503 : i32
    %add3A_505 = arith.constant 384 : i32
    %add3A_506 = arith.addi %mul3A_504, %add3A_505 : i32
    %add3A_507 = arith.constant 0 : i32
    %add3A_508 = arith.addi %add3A_507, %add3A_506 : i32
    %dma_start3A_509 = tpu.memref_slice %arg5[%add3A_508] : memref<40976xf32, #tpu.memory_space<vmem>> -> memref<128xf32, #tpu.memory_space<vmem>>
    %dma_start3A_510 = arith.constant 0 : i32
    %dma_start3A_511 = tpu.memref_slice %arg22[%dma_start3A_510] : memref<10240xf32, #tpu.memory_space<vmem_shared>> -> memref<10240xf32, #tpu.memory_space<vmem_shared>>
    tpu.enqueue_indirect_dma source(%dma_start3A_509 : memref<128xf32, #tpu.memory_space<vmem>>) target(%dma_start3A_511 : memref<10240xf32, #tpu.memory_space<vmem_shared>>) offsets(%arg18 : memref<128xi32, #tpu.memory_space<vmem>>) semaphore(%arg27 : memref<!tpu.dma_semaphore, #tpu.memory_space<semaphore_mem>>)
    %add3A_512 = arith.constant 10240 : i32
    %add3A_513 = arith.addi %add3A_512, %add3A_506 : i32
    %dma_start3A_514 = tpu.memref_slice %arg5[%add3A_513] : memref<40976xf32, #tpu.memory_space<vmem>> -> memref<128xf32, #tpu.memory_space<vmem>>
    %dma_start3A_515 = arith.constant 0 : i32
    %dma_start3A_516 = tpu.memref_slice %arg23[%dma_start3A_515] : memref<10240xf32, #tpu.memory_space<vmem_shared>> -> memref<10240xf32, #tpu.memory_space<vmem_shared>>
    tpu.enqueue_indirect_dma source(%dma_start3A_514 : memref<128xf32, #tpu.memory_space<vmem>>) target(%dma_start3A_516 : memref<10240xf32, #tpu.memory_space<vmem_shared>>) offsets(%arg18 : memref<128xi32, #tpu.memory_space<vmem>>) semaphore(%arg27 : memref<!tpu.dma_semaphore, #tpu.memory_space<semaphore_mem>>)
    %add3A_517 = arith.constant 20480 : i32
    %add3A_518 = arith.addi %add3A_517, %add3A_506 : i32
    %dma_start3A_519 = tpu.memref_slice %arg5[%add3A_518] : memref<40976xf32, #tpu.memory_space<vmem>> -> memref<128xf32, #tpu.memory_space<vmem>>
    %dma_start3A_520 = arith.constant 0 : i32
    %dma_start3A_521 = tpu.memref_slice %arg24[%dma_start3A_520] : memref<10240xf32, #tpu.memory_space<vmem_shared>> -> memref<10240xf32, #tpu.memory_space<vmem_shared>>
    tpu.enqueue_indirect_dma source(%dma_start3A_519 : memref<128xf32, #tpu.memory_space<vmem>>) target(%dma_start3A_521 : memref<10240xf32, #tpu.memory_space<vmem_shared>>) offsets(%arg18 : memref<128xi32, #tpu.memory_space<vmem>>) semaphore(%arg27 : memref<!tpu.dma_semaphore, #tpu.memory_space<semaphore_mem>>)
    %add3A_522 = arith.constant 30720 : i32
    %add3A_523 = arith.addi %add3A_522, %add3A_506 : i32
    %dma_start3A_524 = tpu.memref_slice %arg5[%add3A_523] : memref<40976xf32, #tpu.memory_space<vmem>> -> memref<128xf32, #tpu.memory_space<vmem>>
    %dma_start3A_525 = arith.constant 0 : i32
    %dma_start3A_526 = tpu.memref_slice %arg25[%dma_start3A_525] : memref<10240xf32, #tpu.memory_space<vmem_shared>> -> memref<10240xf32, #tpu.memory_space<vmem_shared>>
    tpu.enqueue_indirect_dma source(%dma_start3A_524 : memref<128xf32, #tpu.memory_space<vmem>>) target(%dma_start3A_526 : memref<10240xf32, #tpu.memory_space<vmem_shared>>) offsets(%arg18 : memref<128xi32, #tpu.memory_space<vmem>>) semaphore(%arg27 : memref<!tpu.dma_semaphore, #tpu.memory_space<semaphore_mem>>)
    %dma_start3A_527 = arith.constant 384 : i32
    %dma_start3A_528 = tpu.memref_slice %arg7[%dma_start3A_527] : memref<640xi32, #tpu.memory_space<vmem>> -> memref<128xi32, #tpu.memory_space<vmem>>
    %dma_start3A_529 = arith.constant 0 : i32
    %dma_start3A_530 = tpu.memref_slice %arg26[%dma_start3A_529] : memref<10240xi32, #tpu.memory_space<vmem_shared>> -> memref<10240xi32, #tpu.memory_space<vmem_shared>>
    tpu.enqueue_indirect_dma source(%dma_start3A_528 : memref<128xi32, #tpu.memory_space<vmem>>) target(%dma_start3A_530 : memref<10240xi32, #tpu.memory_space<vmem_shared>>) offsets(%arg18 : memref<128xi32, #tpu.memory_space<vmem>>) semaphore(%arg27 : memref<!tpu.dma_semaphore, #tpu.memory_space<semaphore_mem>>)
    %mul3A_531 = arith.constant 640 : i32
    %mul3A_532 = arith.muli %arg1, %mul3A_531 : i32
    %add3A_533 = arith.constant 512 : i32
    %add3A_534 = arith.addi %mul3A_532, %add3A_533 : i32
    %add3A_535 = arith.constant 0 : i32
    %add3A_536 = arith.addi %add3A_535, %add3A_534 : i32
    %dma_start3A_537 = tpu.memref_slice %arg5[%add3A_536] : memref<40976xf32, #tpu.memory_space<vmem>> -> memref<128xf32, #tpu.memory_space<vmem>>
    %dma_start3A_538 = arith.constant 0 : i32
    %dma_start3A_539 = tpu.memref_slice %arg22[%dma_start3A_538] : memref<10240xf32, #tpu.memory_space<vmem_shared>> -> memref<10240xf32, #tpu.memory_space<vmem_shared>>
    tpu.enqueue_indirect_dma source(%dma_start3A_537 : memref<128xf32, #tpu.memory_space<vmem>>) target(%dma_start3A_539 : memref<10240xf32, #tpu.memory_space<vmem_shared>>) offsets(%arg19 : memref<128xi32, #tpu.memory_space<vmem>>) semaphore(%arg27 : memref<!tpu.dma_semaphore, #tpu.memory_space<semaphore_mem>>)
    %add3A_540 = arith.constant 10240 : i32
    %add3A_541 = arith.addi %add3A_540, %add3A_534 : i32
    %dma_start3A_542 = tpu.memref_slice %arg5[%add3A_541] : memref<40976xf32, #tpu.memory_space<vmem>> -> memref<128xf32, #tpu.memory_space<vmem>>
    %dma_start3A_543 = arith.constant 0 : i32
    %dma_start3A_544 = tpu.memref_slice %arg23[%dma_start3A_543] : memref<10240xf32, #tpu.memory_space<vmem_shared>> -> memref<10240xf32, #tpu.memory_space<vmem_shared>>
    tpu.enqueue_indirect_dma source(%dma_start3A_542 : memref<128xf32, #tpu.memory_space<vmem>>) target(%dma_start3A_544 : memref<10240xf32, #tpu.memory_space<vmem_shared>>) offsets(%arg19 : memref<128xi32, #tpu.memory_space<vmem>>) semaphore(%arg27 : memref<!tpu.dma_semaphore, #tpu.memory_space<semaphore_mem>>)
    %add3A_545 = arith.constant 20480 : i32
    %add3A_546 = arith.addi %add3A_545, %add3A_534 : i32
    %dma_start3A_547 = tpu.memref_slice %arg5[%add3A_546] : memref<40976xf32, #tpu.memory_space<vmem>> -> memref<128xf32, #tpu.memory_space<vmem>>
    %dma_start3A_548 = arith.constant 0 : i32
    %dma_start3A_549 = tpu.memref_slice %arg24[%dma_start3A_548] : memref<10240xf32, #tpu.memory_space<vmem_shared>> -> memref<10240xf32, #tpu.memory_space<vmem_shared>>
    tpu.enqueue_indirect_dma source(%dma_start3A_547 : memref<128xf32, #tpu.memory_space<vmem>>) target(%dma_start3A_549 : memref<10240xf32, #tpu.memory_space<vmem_shared>>) offsets(%arg19 : memref<128xi32, #tpu.memory_space<vmem>>) semaphore(%arg27 : memref<!tpu.dma_semaphore, #tpu.memory_space<semaphore_mem>>)
    %add3A_550 = arith.constant 30720 : i32
    %add3A_551 = arith.addi %add3A_550, %add3A_534 : i32
    %dma_start3A_552 = tpu.memref_slice %arg5[%add3A_551] : memref<40976xf32, #tpu.memory_space<vmem>> -> memref<128xf32, #tpu.memory_space<vmem>>
    %dma_start3A_553 = arith.constant 0 : i32
    %dma_start3A_554 = tpu.memref_slice %arg25[%dma_start3A_553] : memref<10240xf32, #tpu.memory_space<vmem_shared>> -> memref<10240xf32, #tpu.memory_space<vmem_shared>>
    tpu.enqueue_indirect_dma source(%dma_start3A_552 : memref<128xf32, #tpu.memory_space<vmem>>) target(%dma_start3A_554 : memref<10240xf32, #tpu.memory_space<vmem_shared>>) offsets(%arg19 : memref<128xi32, #tpu.memory_space<vmem>>) semaphore(%arg27 : memref<!tpu.dma_semaphore, #tpu.memory_space<semaphore_mem>>)
    %dma_start3A_555 = arith.constant 512 : i32
    %dma_start3A_556 = tpu.memref_slice %arg7[%dma_start3A_555] : memref<640xi32, #tpu.memory_space<vmem>> -> memref<128xi32, #tpu.memory_space<vmem>>
    %dma_start3A_557 = arith.constant 0 : i32
    %dma_start3A_558 = tpu.memref_slice %arg26[%dma_start3A_557] : memref<10240xi32, #tpu.memory_space<vmem_shared>> -> memref<10240xi32, #tpu.memory_space<vmem_shared>>
    tpu.enqueue_indirect_dma source(%dma_start3A_556 : memref<128xi32, #tpu.memory_space<vmem>>) target(%dma_start3A_558 : memref<10240xi32, #tpu.memory_space<vmem_shared>>) offsets(%arg19 : memref<128xi32, #tpu.memory_space<vmem>>) semaphore(%arg27 : memref<!tpu.dma_semaphore, #tpu.memory_space<semaphore_mem>>)
    %dma_wait3A_559 = tpu.memref_slice %arg5[%add3A_424] : memref<40976xf32, #tpu.memory_space<vmem>> -> memref<128xf32, #tpu.memory_space<vmem>>
    %dma_wait3A_560 = arith.constant 0 : i32
    %dma_wait3A_561 = tpu.memref_slice %arg22[%dma_wait3A_560] : memref<10240xf32, #tpu.memory_space<vmem_shared>> -> memref<10240xf32, #tpu.memory_space<vmem_shared>>
    tpu.wait_indirect_dma semaphore(%arg27 : memref<!tpu.dma_semaphore, #tpu.memory_space<semaphore_mem>>) src(%dma_wait3A_559 : memref<128xf32, #tpu.memory_space<vmem>>) dst(%dma_wait3A_561 : memref<10240xf32, #tpu.memory_space<vmem_shared>>)
    %dma_wait3A_562 = tpu.memref_slice %arg5[%add3A_429] : memref<40976xf32, #tpu.memory_space<vmem>> -> memref<128xf32, #tpu.memory_space<vmem>>
    %dma_wait3A_563 = arith.constant 0 : i32
    %dma_wait3A_564 = tpu.memref_slice %arg23[%dma_wait3A_563] : memref<10240xf32, #tpu.memory_space<vmem_shared>> -> memref<10240xf32, #tpu.memory_space<vmem_shared>>
    tpu.wait_indirect_dma semaphore(%arg27 : memref<!tpu.dma_semaphore, #tpu.memory_space<semaphore_mem>>) src(%dma_wait3A_562 : memref<128xf32, #tpu.memory_space<vmem>>) dst(%dma_wait3A_564 : memref<10240xf32, #tpu.memory_space<vmem_shared>>)
    %dma_wait3A_565 = tpu.memref_slice %arg5[%add3A_434] : memref<40976xf32, #tpu.memory_space<vmem>> -> memref<128xf32, #tpu.memory_space<vmem>>
    %dma_wait3A_566 = arith.constant 0 : i32
    %dma_wait3A_567 = tpu.memref_slice %arg24[%dma_wait3A_566] : memref<10240xf32, #tpu.memory_space<vmem_shared>> -> memref<10240xf32, #tpu.memory_space<vmem_shared>>
    tpu.wait_indirect_dma semaphore(%arg27 : memref<!tpu.dma_semaphore, #tpu.memory_space<semaphore_mem>>) src(%dma_wait3A_565 : memref<128xf32, #tpu.memory_space<vmem>>) dst(%dma_wait3A_567 : memref<10240xf32, #tpu.memory_space<vmem_shared>>)
    %dma_wait3A_568 = tpu.memref_slice %arg5[%add3A_439] : memref<40976xf32, #tpu.memory_space<vmem>> -> memref<128xf32, #tpu.memory_space<vmem>>
    %dma_wait3A_569 = arith.constant 0 : i32
    %dma_wait3A_570 = tpu.memref_slice %arg25[%dma_wait3A_569] : memref<10240xf32, #tpu.memory_space<vmem_shared>> -> memref<10240xf32, #tpu.memory_space<vmem_shared>>
    tpu.wait_indirect_dma semaphore(%arg27 : memref<!tpu.dma_semaphore, #tpu.memory_space<semaphore_mem>>) src(%dma_wait3A_568 : memref<128xf32, #tpu.memory_space<vmem>>) dst(%dma_wait3A_570 : memref<10240xf32, #tpu.memory_space<vmem_shared>>)
    %dma_wait3A_571 = arith.constant 0 : i32
    %dma_wait3A_572 = tpu.memref_slice %arg7[%dma_wait3A_571] : memref<640xi32, #tpu.memory_space<vmem>> -> memref<128xi32, #tpu.memory_space<vmem>>
    %dma_wait3A_573 = arith.constant 0 : i32
    %dma_wait3A_574 = tpu.memref_slice %arg26[%dma_wait3A_573] : memref<10240xi32, #tpu.memory_space<vmem_shared>> -> memref<10240xi32, #tpu.memory_space<vmem_shared>>
    tpu.wait_indirect_dma semaphore(%arg27 : memref<!tpu.dma_semaphore, #tpu.memory_space<semaphore_mem>>) src(%dma_wait3A_572 : memref<128xi32, #tpu.memory_space<vmem>>) dst(%dma_wait3A_574 : memref<10240xi32, #tpu.memory_space<vmem_shared>>)
    %dma_wait3A_575 = tpu.memref_slice %arg5[%add3A_452] : memref<40976xf32, #tpu.memory_space<vmem>> -> memref<128xf32, #tpu.memory_space<vmem>>
    %dma_wait3A_576 = arith.constant 0 : i32
    %dma_wait3A_577 = tpu.memref_slice %arg22[%dma_wait3A_576] : memref<10240xf32, #tpu.memory_space<vmem_shared>> -> memref<10240xf32, #tpu.memory_space<vmem_shared>>
    tpu.wait_indirect_dma semaphore(%arg27 : memref<!tpu.dma_semaphore, #tpu.memory_space<semaphore_mem>>) src(%dma_wait3A_575 : memref<128xf32, #tpu.memory_space<vmem>>) dst(%dma_wait3A_577 : memref<10240xf32, #tpu.memory_space<vmem_shared>>)
    %dma_wait3A_578 = tpu.memref_slice %arg5[%add3A_457] : memref<40976xf32, #tpu.memory_space<vmem>> -> memref<128xf32, #tpu.memory_space<vmem>>
    %dma_wait3A_579 = arith.constant 0 : i32
    %dma_wait3A_580 = tpu.memref_slice %arg23[%dma_wait3A_579] : memref<10240xf32, #tpu.memory_space<vmem_shared>> -> memref<10240xf32, #tpu.memory_space<vmem_shared>>
    tpu.wait_indirect_dma semaphore(%arg27 : memref<!tpu.dma_semaphore, #tpu.memory_space<semaphore_mem>>) src(%dma_wait3A_578 : memref<128xf32, #tpu.memory_space<vmem>>) dst(%dma_wait3A_580 : memref<10240xf32, #tpu.memory_space<vmem_shared>>)
    %dma_wait3A_581 = tpu.memref_slice %arg5[%add3A_462] : memref<40976xf32, #tpu.memory_space<vmem>> -> memref<128xf32, #tpu.memory_space<vmem>>
    %dma_wait3A_582 = arith.constant 0 : i32
    %dma_wait3A_583 = tpu.memref_slice %arg24[%dma_wait3A_582] : memref<10240xf32, #tpu.memory_space<vmem_shared>> -> memref<10240xf32, #tpu.memory_space<vmem_shared>>
    tpu.wait_indirect_dma semaphore(%arg27 : memref<!tpu.dma_semaphore, #tpu.memory_space<semaphore_mem>>) src(%dma_wait3A_581 : memref<128xf32, #tpu.memory_space<vmem>>) dst(%dma_wait3A_583 : memref<10240xf32, #tpu.memory_space<vmem_shared>>)
    %dma_wait3A_584 = tpu.memref_slice %arg5[%add3A_467] : memref<40976xf32, #tpu.memory_space<vmem>> -> memref<128xf32, #tpu.memory_space<vmem>>
    %dma_wait3A_585 = arith.constant 0 : i32
    %dma_wait3A_586 = tpu.memref_slice %arg25[%dma_wait3A_585] : memref<10240xf32, #tpu.memory_space<vmem_shared>> -> memref<10240xf32, #tpu.memory_space<vmem_shared>>
    tpu.wait_indirect_dma semaphore(%arg27 : memref<!tpu.dma_semaphore, #tpu.memory_space<semaphore_mem>>) src(%dma_wait3A_584 : memref<128xf32, #tpu.memory_space<vmem>>) dst(%dma_wait3A_586 : memref<10240xf32, #tpu.memory_space<vmem_shared>>)
    %dma_wait3A_587 = arith.constant 128 : i32
    %dma_wait3A_588 = tpu.memref_slice %arg7[%dma_wait3A_587] : memref<640xi32, #tpu.memory_space<vmem>> -> memref<128xi32, #tpu.memory_space<vmem>>
    %dma_wait3A_589 = arith.constant 0 : i32
    %dma_wait3A_590 = tpu.memref_slice %arg26[%dma_wait3A_589] : memref<10240xi32, #tpu.memory_space<vmem_shared>> -> memref<10240xi32, #tpu.memory_space<vmem_shared>>
    tpu.wait_indirect_dma semaphore(%arg27 : memref<!tpu.dma_semaphore, #tpu.memory_space<semaphore_mem>>) src(%dma_wait3A_588 : memref<128xi32, #tpu.memory_space<vmem>>) dst(%dma_wait3A_590 : memref<10240xi32, #tpu.memory_space<vmem_shared>>)
    %dma_wait3A_591 = tpu.memref_slice %arg5[%add3A_480] : memref<40976xf32, #tpu.memory_space<vmem>> -> memref<128xf32, #tpu.memory_space<vmem>>
    %dma_wait3A_592 = arith.constant 0 : i32
    %dma_wait3A_593 = tpu.memref_slice %arg22[%dma_wait3A_592] : memref<10240xf32, #tpu.memory_space<vmem_shared>> -> memref<10240xf32, #tpu.memory_space<vmem_shared>>
    tpu.wait_indirect_dma semaphore(%arg27 : memref<!tpu.dma_semaphore, #tpu.memory_space<semaphore_mem>>) src(%dma_wait3A_591 : memref<128xf32, #tpu.memory_space<vmem>>) dst(%dma_wait3A_593 : memref<10240xf32, #tpu.memory_space<vmem_shared>>)
    %dma_wait3A_594 = tpu.memref_slice %arg5[%add3A_485] : memref<40976xf32, #tpu.memory_space<vmem>> -> memref<128xf32, #tpu.memory_space<vmem>>
    %dma_wait3A_595 = arith.constant 0 : i32
    %dma_wait3A_596 = tpu.memref_slice %arg23[%dma_wait3A_595] : memref<10240xf32, #tpu.memory_space<vmem_shared>> -> memref<10240xf32, #tpu.memory_space<vmem_shared>>
    tpu.wait_indirect_dma semaphore(%arg27 : memref<!tpu.dma_semaphore, #tpu.memory_space<semaphore_mem>>) src(%dma_wait3A_594 : memref<128xf32, #tpu.memory_space<vmem>>) dst(%dma_wait3A_596 : memref<10240xf32, #tpu.memory_space<vmem_shared>>)
    %dma_wait3A_597 = tpu.memref_slice %arg5[%add3A_490] : memref<40976xf32, #tpu.memory_space<vmem>> -> memref<128xf32, #tpu.memory_space<vmem>>
    %dma_wait3A_598 = arith.constant 0 : i32
    %dma_wait3A_599 = tpu.memref_slice %arg24[%dma_wait3A_598] : memref<10240xf32, #tpu.memory_space<vmem_shared>> -> memref<10240xf32, #tpu.memory_space<vmem_shared>>
    tpu.wait_indirect_dma semaphore(%arg27 : memref<!tpu.dma_semaphore, #tpu.memory_space<semaphore_mem>>) src(%dma_wait3A_597 : memref<128xf32, #tpu.memory_space<vmem>>) dst(%dma_wait3A_599 : memref<10240xf32, #tpu.memory_space<vmem_shared>>)
    %dma_wait3A_600 = tpu.memref_slice %arg5[%add3A_495] : memref<40976xf32, #tpu.memory_space<vmem>> -> memref<128xf32, #tpu.memory_space<vmem>>
    %dma_wait3A_601 = arith.constant 0 : i32
    %dma_wait3A_602 = tpu.memref_slice %arg25[%dma_wait3A_601] : memref<10240xf32, #tpu.memory_space<vmem_shared>> -> memref<10240xf32, #tpu.memory_space<vmem_shared>>
    tpu.wait_indirect_dma semaphore(%arg27 : memref<!tpu.dma_semaphore, #tpu.memory_space<semaphore_mem>>) src(%dma_wait3A_600 : memref<128xf32, #tpu.memory_space<vmem>>) dst(%dma_wait3A_602 : memref<10240xf32, #tpu.memory_space<vmem_shared>>)
    %dma_wait3A_603 = arith.constant 256 : i32
    %dma_wait3A_604 = tpu.memref_slice %arg7[%dma_wait3A_603] : memref<640xi32, #tpu.memory_space<vmem>> -> memref<128xi32, #tpu.memory_space<vmem>>
    %dma_wait3A_605 = arith.constant 0 : i32
    %dma_wait3A_606 = tpu.memref_slice %arg26[%dma_wait3A_605] : memref<10240xi32, #tpu.memory_space<vmem_shared>> -> memref<10240xi32, #tpu.memory_space<vmem_shared>>
    tpu.wait_indirect_dma semaphore(%arg27 : memref<!tpu.dma_semaphore, #tpu.memory_space<semaphore_mem>>) src(%dma_wait3A_604 : memref<128xi32, #tpu.memory_space<vmem>>) dst(%dma_wait3A_606 : memref<10240xi32, #tpu.memory_space<vmem_shared>>)
    %dma_wait3A_607 = tpu.memref_slice %arg5[%add3A_508] : memref<40976xf32, #tpu.memory_space<vmem>> -> memref<128xf32, #tpu.memory_space<vmem>>
    %dma_wait3A_608 = arith.constant 0 : i32
    %dma_wait3A_609 = tpu.memref_slice %arg22[%dma_wait3A_608] : memref<10240xf32, #tpu.memory_space<vmem_shared>> -> memref<10240xf32, #tpu.memory_space<vmem_shared>>
    tpu.wait_indirect_dma semaphore(%arg27 : memref<!tpu.dma_semaphore, #tpu.memory_space<semaphore_mem>>) src(%dma_wait3A_607 : memref<128xf32, #tpu.memory_space<vmem>>) dst(%dma_wait3A_609 : memref<10240xf32, #tpu.memory_space<vmem_shared>>)
    %dma_wait3A_610 = tpu.memref_slice %arg5[%add3A_513] : memref<40976xf32, #tpu.memory_space<vmem>> -> memref<128xf32, #tpu.memory_space<vmem>>
    %dma_wait3A_611 = arith.constant 0 : i32
    %dma_wait3A_612 = tpu.memref_slice %arg23[%dma_wait3A_611] : memref<10240xf32, #tpu.memory_space<vmem_shared>> -> memref<10240xf32, #tpu.memory_space<vmem_shared>>
    tpu.wait_indirect_dma semaphore(%arg27 : memref<!tpu.dma_semaphore, #tpu.memory_space<semaphore_mem>>) src(%dma_wait3A_610 : memref<128xf32, #tpu.memory_space<vmem>>) dst(%dma_wait3A_612 : memref<10240xf32, #tpu.memory_space<vmem_shared>>)
    %dma_wait3A_613 = tpu.memref_slice %arg5[%add3A_518] : memref<40976xf32, #tpu.memory_space<vmem>> -> memref<128xf32, #tpu.memory_space<vmem>>
    %dma_wait3A_614 = arith.constant 0 : i32
    %dma_wait3A_615 = tpu.memref_slice %arg24[%dma_wait3A_614] : memref<10240xf32, #tpu.memory_space<vmem_shared>> -> memref<10240xf32, #tpu.memory_space<vmem_shared>>
    tpu.wait_indirect_dma semaphore(%arg27 : memref<!tpu.dma_semaphore, #tpu.memory_space<semaphore_mem>>) src(%dma_wait3A_613 : memref<128xf32, #tpu.memory_space<vmem>>) dst(%dma_wait3A_615 : memref<10240xf32, #tpu.memory_space<vmem_shared>>)
    %dma_wait3A_616 = tpu.memref_slice %arg5[%add3A_523] : memref<40976xf32, #tpu.memory_space<vmem>> -> memref<128xf32, #tpu.memory_space<vmem>>
    %dma_wait3A_617 = arith.constant 0 : i32
    %dma_wait3A_618 = tpu.memref_slice %arg25[%dma_wait3A_617] : memref<10240xf32, #tpu.memory_space<vmem_shared>> -> memref<10240xf32, #tpu.memory_space<vmem_shared>>
    tpu.wait_indirect_dma semaphore(%arg27 : memref<!tpu.dma_semaphore, #tpu.memory_space<semaphore_mem>>) src(%dma_wait3A_616 : memref<128xf32, #tpu.memory_space<vmem>>) dst(%dma_wait3A_618 : memref<10240xf32, #tpu.memory_space<vmem_shared>>)
    %dma_wait3A_619 = arith.constant 384 : i32
    %dma_wait3A_620 = tpu.memref_slice %arg7[%dma_wait3A_619] : memref<640xi32, #tpu.memory_space<vmem>> -> memref<128xi32, #tpu.memory_space<vmem>>
    %dma_wait3A_621 = arith.constant 0 : i32
    %dma_wait3A_622 = tpu.memref_slice %arg26[%dma_wait3A_621] : memref<10240xi32, #tpu.memory_space<vmem_shared>> -> memref<10240xi32, #tpu.memory_space<vmem_shared>>
    tpu.wait_indirect_dma semaphore(%arg27 : memref<!tpu.dma_semaphore, #tpu.memory_space<semaphore_mem>>) src(%dma_wait3A_620 : memref<128xi32, #tpu.memory_space<vmem>>) dst(%dma_wait3A_622 : memref<10240xi32, #tpu.memory_space<vmem_shared>>)
    %dma_wait3A_623 = tpu.memref_slice %arg5[%add3A_536] : memref<40976xf32, #tpu.memory_space<vmem>> -> memref<128xf32, #tpu.memory_space<vmem>>
    %dma_wait3A_624 = arith.constant 0 : i32
    %dma_wait3A_625 = tpu.memref_slice %arg22[%dma_wait3A_624] : memref<10240xf32, #tpu.memory_space<vmem_shared>> -> memref<10240xf32, #tpu.memory_space<vmem_shared>>
    tpu.wait_indirect_dma semaphore(%arg27 : memref<!tpu.dma_semaphore, #tpu.memory_space<semaphore_mem>>) src(%dma_wait3A_623 : memref<128xf32, #tpu.memory_space<vmem>>) dst(%dma_wait3A_625 : memref<10240xf32, #tpu.memory_space<vmem_shared>>)
    %dma_wait3A_626 = tpu.memref_slice %arg5[%add3A_541] : memref<40976xf32, #tpu.memory_space<vmem>> -> memref<128xf32, #tpu.memory_space<vmem>>
    %dma_wait3A_627 = arith.constant 0 : i32
    %dma_wait3A_628 = tpu.memref_slice %arg23[%dma_wait3A_627] : memref<10240xf32, #tpu.memory_space<vmem_shared>> -> memref<10240xf32, #tpu.memory_space<vmem_shared>>
    tpu.wait_indirect_dma semaphore(%arg27 : memref<!tpu.dma_semaphore, #tpu.memory_space<semaphore_mem>>) src(%dma_wait3A_626 : memref<128xf32, #tpu.memory_space<vmem>>) dst(%dma_wait3A_628 : memref<10240xf32, #tpu.memory_space<vmem_shared>>)
    %dma_wait3A_629 = tpu.memref_slice %arg5[%add3A_546] : memref<40976xf32, #tpu.memory_space<vmem>> -> memref<128xf32, #tpu.memory_space<vmem>>
    %dma_wait3A_630 = arith.constant 0 : i32
    %dma_wait3A_631 = tpu.memref_slice %arg24[%dma_wait3A_630] : memref<10240xf32, #tpu.memory_space<vmem_shared>> -> memref<10240xf32, #tpu.memory_space<vmem_shared>>
    tpu.wait_indirect_dma semaphore(%arg27 : memref<!tpu.dma_semaphore, #tpu.memory_space<semaphore_mem>>) src(%dma_wait3A_629 : memref<128xf32, #tpu.memory_space<vmem>>) dst(%dma_wait3A_631 : memref<10240xf32, #tpu.memory_space<vmem_shared>>)
    %dma_wait3A_632 = tpu.memref_slice %arg5[%add3A_551] : memref<40976xf32, #tpu.memory_space<vmem>> -> memref<128xf32, #tpu.memory_space<vmem>>
    %dma_wait3A_633 = arith.constant 0 : i32
    %dma_wait3A_634 = tpu.memref_slice %arg25[%dma_wait3A_633] : memref<10240xf32, #tpu.memory_space<vmem_shared>> -> memref<10240xf32, #tpu.memory_space<vmem_shared>>
    tpu.wait_indirect_dma semaphore(%arg27 : memref<!tpu.dma_semaphore, #tpu.memory_space<semaphore_mem>>) src(%dma_wait3A_632 : memref<128xf32, #tpu.memory_space<vmem>>) dst(%dma_wait3A_634 : memref<10240xf32, #tpu.memory_space<vmem_shared>>)
    %dma_wait3A_635 = arith.constant 512 : i32
    %dma_wait3A_636 = tpu.memref_slice %arg7[%dma_wait3A_635] : memref<640xi32, #tpu.memory_space<vmem>> -> memref<128xi32, #tpu.memory_space<vmem>>
    %dma_wait3A_637 = arith.constant 0 : i32
    %dma_wait3A_638 = tpu.memref_slice %arg26[%dma_wait3A_637] : memref<10240xi32, #tpu.memory_space<vmem_shared>> -> memref<10240xi32, #tpu.memory_space<vmem_shared>>
    tpu.wait_indirect_dma semaphore(%arg27 : memref<!tpu.dma_semaphore, #tpu.memory_space<semaphore_mem>>) src(%dma_wait3A_636 : memref<128xi32, #tpu.memory_space<vmem>>) dst(%dma_wait3A_638 : memref<10240xi32, #tpu.memory_space<vmem_shared>>)
    %barrier3A_639 = arith.constant 0 : index
    tpu.barrier barrier_id(%barrier3A_639)
    %dma_start3A_640 = arith.constant 0 : i32
    %dma_start3A_641 = tpu.memref_slice %arg5[%dma_start3A_640] : memref<40976xf32, #tpu.memory_space<vmem>> -> memref<10240xf32, #tpu.memory_space<vmem>>
    %dma_start3A_642 = arith.constant 0 : i32
    %dma_start3A_643 = tpu.memref_slice %arg5[%dma_start3A_642] : memref<40976xf32, #tpu.memory_space<vmem>> -> memref<10240xf32, #tpu.memory_space<vmem>>
    tpu.enqueue_dma source(%arg22 : memref<10240xf32, #tpu.memory_space<vmem_shared>>) target(%dma_start3A_643 : memref<10240xf32, #tpu.memory_space<vmem>>) target_semaphore(%arg27 : memref<!tpu.dma_semaphore, #tpu.memory_space<semaphore_mem>>)
    %dma_start3A_644 = arith.constant 10240 : i32
    %dma_start3A_645 = tpu.memref_slice %arg5[%dma_start3A_644] : memref<40976xf32, #tpu.memory_space<vmem>> -> memref<10240xf32, #tpu.memory_space<vmem>>
    %dma_start3A_646 = arith.constant 10240 : i32
    %dma_start3A_647 = tpu.memref_slice %arg5[%dma_start3A_646] : memref<40976xf32, #tpu.memory_space<vmem>> -> memref<10240xf32, #tpu.memory_space<vmem>>
    tpu.enqueue_dma source(%arg23 : memref<10240xf32, #tpu.memory_space<vmem_shared>>) target(%dma_start3A_647 : memref<10240xf32, #tpu.memory_space<vmem>>) target_semaphore(%arg27 : memref<!tpu.dma_semaphore, #tpu.memory_space<semaphore_mem>>)
    %dma_start3A_648 = arith.constant 20480 : i32
    %dma_start3A_649 = tpu.memref_slice %arg5[%dma_start3A_648] : memref<40976xf32, #tpu.memory_space<vmem>> -> memref<10240xf32, #tpu.memory_space<vmem>>
    %dma_start3A_650 = arith.constant 20480 : i32
    %dma_start3A_651 = tpu.memref_slice %arg5[%dma_start3A_650] : memref<40976xf32, #tpu.memory_space<vmem>> -> memref<10240xf32, #tpu.memory_space<vmem>>
    tpu.enqueue_dma source(%arg24 : memref<10240xf32, #tpu.memory_space<vmem_shared>>) target(%dma_start3A_651 : memref<10240xf32, #tpu.memory_space<vmem>>) target_semaphore(%arg27 : memref<!tpu.dma_semaphore, #tpu.memory_space<semaphore_mem>>)
    %dma_start3A_652 = arith.constant 30720 : i32
    %dma_start3A_653 = tpu.memref_slice %arg5[%dma_start3A_652] : memref<40976xf32, #tpu.memory_space<vmem>> -> memref<10240xf32, #tpu.memory_space<vmem>>
    %dma_start3A_654 = arith.constant 30720 : i32
    %dma_start3A_655 = tpu.memref_slice %arg5[%dma_start3A_654] : memref<40976xf32, #tpu.memory_space<vmem>> -> memref<10240xf32, #tpu.memory_space<vmem>>
    tpu.enqueue_dma source(%arg25 : memref<10240xf32, #tpu.memory_space<vmem_shared>>) target(%dma_start3A_655 : memref<10240xf32, #tpu.memory_space<vmem>>) target_semaphore(%arg27 : memref<!tpu.dma_semaphore, #tpu.memory_space<semaphore_mem>>)
    %dma_start3A_656 = arith.constant 0 : i32
    %dma_start3A_657 = tpu.memref_slice %arg6[%dma_start3A_656] : memref<10256xi32, #tpu.memory_space<vmem>> -> memref<10240xi32, #tpu.memory_space<vmem>>
    %dma_start3A_658 = arith.constant 0 : i32
    %dma_start3A_659 = tpu.memref_slice %arg6[%dma_start3A_658] : memref<10256xi32, #tpu.memory_space<vmem>> -> memref<10240xi32, #tpu.memory_space<vmem>>
    tpu.enqueue_dma source(%arg26 : memref<10240xi32, #tpu.memory_space<vmem_shared>>) target(%dma_start3A_659 : memref<10240xi32, #tpu.memory_space<vmem>>) target_semaphore(%arg27 : memref<!tpu.dma_semaphore, #tpu.memory_space<semaphore_mem>>)
    %dma_wait3A_660 = arith.constant 0 : i32
    %dma_wait3A_661 = tpu.memref_slice %arg5[%dma_wait3A_660] : memref<40976xf32, #tpu.memory_space<vmem>> -> memref<10240xf32, #tpu.memory_space<vmem>>
    %dma_wait3A_662 = arith.constant 0 : i32
    %dma_wait3A_663 = tpu.memref_slice %arg5[%dma_wait3A_662] : memref<40976xf32, #tpu.memory_space<vmem>> -> memref<10240xf32, #tpu.memory_space<vmem>>
    tpu.wait_dma2 semaphore(%arg27 : memref<!tpu.dma_semaphore, #tpu.memory_space<semaphore_mem>>) src(%arg22 : memref<10240xf32, #tpu.memory_space<vmem_shared>>) dst(%dma_wait3A_663 : memref<10240xf32, #tpu.memory_space<vmem>>)
    %dma_wait3A_664 = arith.constant 10240 : i32
    %dma_wait3A_665 = tpu.memref_slice %arg5[%dma_wait3A_664] : memref<40976xf32, #tpu.memory_space<vmem>> -> memref<10240xf32, #tpu.memory_space<vmem>>
    %dma_wait3A_666 = arith.constant 10240 : i32
    %dma_wait3A_667 = tpu.memref_slice %arg5[%dma_wait3A_666] : memref<40976xf32, #tpu.memory_space<vmem>> -> memref<10240xf32, #tpu.memory_space<vmem>>
    tpu.wait_dma2 semaphore(%arg27 : memref<!tpu.dma_semaphore, #tpu.memory_space<semaphore_mem>>) src(%arg23 : memref<10240xf32, #tpu.memory_space<vmem_shared>>) dst(%dma_wait3A_667 : memref<10240xf32, #tpu.memory_space<vmem>>)
    %dma_wait3A_668 = arith.constant 20480 : i32
    %dma_wait3A_669 = tpu.memref_slice %arg5[%dma_wait3A_668] : memref<40976xf32, #tpu.memory_space<vmem>> -> memref<10240xf32, #tpu.memory_space<vmem>>
    %dma_wait3A_670 = arith.constant 20480 : i32
    %dma_wait3A_671 = tpu.memref_slice %arg5[%dma_wait3A_670] : memref<40976xf32, #tpu.memory_space<vmem>> -> memref<10240xf32, #tpu.memory_space<vmem>>
    tpu.wait_dma2 semaphore(%arg27 : memref<!tpu.dma_semaphore, #tpu.memory_space<semaphore_mem>>) src(%arg24 : memref<10240xf32, #tpu.memory_space<vmem_shared>>) dst(%dma_wait3A_671 : memref<10240xf32, #tpu.memory_space<vmem>>)
    %dma_wait3A_672 = arith.constant 30720 : i32
    %dma_wait3A_673 = tpu.memref_slice %arg5[%dma_wait3A_672] : memref<40976xf32, #tpu.memory_space<vmem>> -> memref<10240xf32, #tpu.memory_space<vmem>>
    %dma_wait3A_674 = arith.constant 30720 : i32
    %dma_wait3A_675 = tpu.memref_slice %arg5[%dma_wait3A_674] : memref<40976xf32, #tpu.memory_space<vmem>> -> memref<10240xf32, #tpu.memory_space<vmem>>
    tpu.wait_dma2 semaphore(%arg27 : memref<!tpu.dma_semaphore, #tpu.memory_space<semaphore_mem>>) src(%arg25 : memref<10240xf32, #tpu.memory_space<vmem_shared>>) dst(%dma_wait3A_675 : memref<10240xf32, #tpu.memory_space<vmem>>)
    %dma_wait3A_676 = arith.constant 0 : i32
    %dma_wait3A_677 = tpu.memref_slice %arg6[%dma_wait3A_676] : memref<10256xi32, #tpu.memory_space<vmem>> -> memref<10240xi32, #tpu.memory_space<vmem>>
    %dma_wait3A_678 = arith.constant 0 : i32
    %dma_wait3A_679 = tpu.memref_slice %arg6[%dma_wait3A_678] : memref<10256xi32, #tpu.memory_space<vmem>> -> memref<10240xi32, #tpu.memory_space<vmem>>
    tpu.wait_dma2 semaphore(%arg27 : memref<!tpu.dma_semaphore, #tpu.memory_space<semaphore_mem>>) src(%arg26 : memref<10240xi32, #tpu.memory_space<vmem_shared>>) dst(%dma_wait3A_679 : memref<10240xi32, #tpu.memory_space<vmem>>)
    %sub3A = arith.constant 10239 : i32
    %sub3A_680 = arith.subi %sub3A, %add3A : i32
    %shift_right_arithmetic3A = arith.constant 5 : i32
    %shift_right_arithmetic3A_681 = arith.shrsi %sub3A_680, %shift_right_arithmetic3A : i32
    %add3A_682 = arith.constant 1 : i32
    %add3A_683 = arith.addi %shift_right_arithmetic3A_681, %add3A_682 : i32
    %broadcast_in_dim3A_684 = arith.constant 0.000000e+00 : f32
    %broadcast_in_dim3A_685 = vector.broadcast %broadcast_in_dim3A_684 : f32 to vector<16xf32>
    %while3A = arith.constant 0 : i32
    %while3A_686 = arith.subi %add3A_683, %while3A : i32
    %while3A_687 = arith.addi %while3A, %while3A_686 : i32
    %while3A_688 = arith.constant 1 : i32
    %while3A_689 = arith.divsi %while3A_686, %while3A_688 : i32
    %while3A_690 = arith.muli %while3A_689, %while3A_688 : i32
    %while3A_691 = arith.addi %while3A, %while3A_690 : i32
    %while3A_692 = arith.constant 1 : i32
    %while3A_693 = scf.for %while3A_698 = %while3A to %while3A_691 step %while3A_692 iter_args(%while3A_699 = %broadcast_in_dim3A_685) -> (vector<16xf32>)  : i32 {
      %mul3A_700 = arith.constant 32 : i32
      %mul3A_701 = arith.muli %while3A_698, %mul3A_700 : i32
      %add3A_702 = arith.addi %add3A, %mul3A_701 : i32
      %get3A_703 = arith.index_cast %add3A_702 : i32 to index
      %get3A_704 = tpu.vector_load %arg5[%get3A_703] {strides = array<i32>} : memref<40976xf32, #tpu.memory_space<vmem>>, vector<16xf32>,
      %slice3A = vector.extract_strided_slice %get3A_704 {offsets = [0], sizes = [1], strides = [1]} : vector<16xf32> to vector<1xf32>
      %squeeze3A = vector.extract %slice3A[0] : f32 from vector<1xf32>
      %add3A_705 = arith.constant 10240 : i32
      %add3A_706 = arith.addi %add3A_705, %add3A_702 : i32
      %get3A_707 = arith.index_cast %add3A_706 : i32 to index
      %get3A_708 = tpu.vector_load %arg5[%get3A_707] {strides = array<i32>} : memref<40976xf32, #tpu.memory_space<vmem>>, vector<16xf32>,
      %slice3A_709 = vector.extract_strided_slice %get3A_708 {offsets = [0], sizes = [1], strides = [1]} : vector<16xf32> to vector<1xf32>
      %squeeze3A_710 = vector.extract %slice3A_709[0] : f32 from vector<1xf32>
      %add3A_711 = arith.constant 20480 : i32
      %add3A_712 = arith.addi %add3A_711, %add3A_702 : i32
      %get3A_713 = arith.index_cast %add3A_712 : i32 to index
      %get3A_714 = tpu.vector_load %arg5[%get3A_713] {strides = array<i32>} : memref<40976xf32, #tpu.memory_space<vmem>>, vector<16xf32>,
      %slice3A_715 = vector.extract_strided_slice %get3A_714 {offsets = [0], sizes = [1], strides = [1]} : vector<16xf32> to vector<1xf32>
      %squeeze3A_716 = vector.extract %slice3A_715[0] : f32 from vector<1xf32>
      %add3A_717 = arith.constant 30720 : i32
      %add3A_718 = arith.addi %add3A_717, %add3A_702 : i32
      %get3A_719 = arith.index_cast %add3A_718 : i32 to index
      %get3A_720 = tpu.vector_load %arg5[%get3A_719] {strides = array<i32>} : memref<40976xf32, #tpu.memory_space<vmem>>, vector<16xf32>,
      %slice3A_721 = vector.extract_strided_slice %get3A_720 {offsets = [0], sizes = [1], strides = [1]} : vector<16xf32> to vector<1xf32>
      %squeeze3A_722 = vector.extract %slice3A_721[0] : f32 from vector<1xf32>
      %get3A_723 = arith.index_cast %add3A_702 : i32 to index
      %get3A_724 = tpu.vector_load %arg6[%get3A_723] {strides = array<i32>} : memref<10256xi32, #tpu.memory_space<vmem>>, vector<16xi32>,
      %slice3A_725 = vector.extract_strided_slice %get3A_724 {offsets = [0], sizes = [1], strides = [1]} : vector<16xi32> to vector<1xi32>
      %squeeze3A_726 = vector.extract %slice3A_725[0] : i32 from vector<1xi32>
      %broadcast_in_dim3A_727 = vector.broadcast %squeeze3A_726 : i32 to vector<16xi32>
      %gather3A_728 = tpu.vector_load_idx %arg14[%broadcast_in_dim3A_727] : memref<256xi32, #tpu.memory_space<vmem>>[vector<16xi32>], vector<16xi32>,
      %slice3A_729 = vector.extract_strided_slice %gather3A_728 {offsets = [0], sizes = [1], strides = [1]} : vector<16xi32> to vector<1xi32>
      %squeeze3A_730 = vector.extract %slice3A_729[0] : i32 from vector<1xi32>
      %add3A_731 = arith.constant 1 : i32
      %add3A_732 = arith.addi %add3A_702, %add3A_731 : i32
      %shift_right_arithmetic3A_733 = arith.constant 4 : i32
      %shift_right_arithmetic3A_734 = arith.shrsi %add3A_732, %shift_right_arithmetic3A_733 : i32
      %shift_right_arithmetic3A_735 = arith.constant 4 : i32
      %shift_right_arithmetic3A_736 = arith.shrsi %squeeze3A_730, %shift_right_arithmetic3A_735 : i32
      %shift_left3A = arith.constant 4 : i32
      %shift_left3A_737 = arith.shli %shift_right_arithmetic3A_734, %shift_left3A : i32
      %add3A_738 = vector.broadcast %shift_left3A_737 : i32 to vector<16xi32>
      %add3A_739 = arith.addi %iota3A, %add3A_738 : vector<16xi32>
      %get3A_740 = arith.index_cast %shift_left3A_737 : i32 to index
      %get3A_741 = tpu.vector_load %arg5[%get3A_740] {strides = array<i32>} : memref<40976xf32, #tpu.memory_space<vmem>>, vector<16xf32>,
      %sub3A_742 = vector.broadcast %squeeze3A : f32 to vector<16xf32>
      %sub3A_743 = arith.subf %get3A_741, %sub3A_742 : vector<16xf32>
      %add3A_744 = arith.constant 10240 : i32
      %add3A_745 = arith.addi %add3A_744, %shift_left3A_737 : i32
      %get3A_746 = arith.index_cast %add3A_745 : i32 to index
      %get3A_747 = tpu.vector_load %arg5[%get3A_746] {strides = array<i32>} : memref<40976xf32, #tpu.memory_space<vmem>>, vector<16xf32>,
      %sub3A_748 = vector.broadcast %squeeze3A_710 : f32 to vector<16xf32>
      %sub3A_749 = arith.subf %get3A_747, %sub3A_748 : vector<16xf32>
      %add3A_750 = arith.constant 20480 : i32
      %add3A_751 = arith.addi %add3A_750, %shift_left3A_737 : i32
      %get3A_752 = arith.index_cast %add3A_751 : i32 to index
      %get3A_753 = tpu.vector_load %arg5[%get3A_752] {strides = array<i32>} : memref<40976xf32, #tpu.memory_space<vmem>>, vector<16xf32>,
      %sub3A_754 = vector.broadcast %squeeze3A_716 : f32 to vector<16xf32>
      %sub3A_755 = arith.subf %get3A_753, %sub3A_754 : vector<16xf32>
      %mul3A_756 = arith.mulf %sub3A_743, %sub3A_743 : vector<16xf32>
      %mul3A_757 = arith.mulf %sub3A_749, %sub3A_749 : vector<16xf32>
      %add3A_758 = arith.addf %mul3A_756, %mul3A_757 : vector<16xf32>
      %mul3A_759 = arith.mulf %sub3A_755, %sub3A_755 : vector<16xf32>
      %add3A_760 = arith.addf %add3A_758, %mul3A_759 : vector<16xf32>
      %add3A_761 = arith.constant 30720 : i32
      %add3A_762 = arith.addi %add3A_761, %shift_left3A_737 : i32
      %get3A_763 = arith.index_cast %add3A_762 : i32 to index
      %get3A_764 = tpu.vector_load %arg5[%get3A_763] {strides = array<i32>} : memref<40976xf32, #tpu.memory_space<vmem>>, vector<16xf32>,
      %sub3A_765 = vector.broadcast %squeeze3A_722 : f32 to vector<16xf32>
      %sub3A_766 = arith.subf %get3A_764, %sub3A_765 : vector<16xf32>
      %le3A = arith.constant 4.000000e-02 : f32
      %le3A_767 = vector.broadcast %le3A : f32 to vector<16xf32>
      %le3A_768 = arith.cmpf ole, %add3A_760, %le3A_767 : vector<16xf32>
      %gt3A = vector.broadcast %add3A_702 : i32 to vector<16xi32>
      %gt3A_769 = arith.cmpi sgt, %add3A_739, %gt3A : vector<16xi32>
      %and3A = arith.andi %le3A_768, %gt3A_769 : vector<16xi1>
      %lt3A = vector.broadcast %squeeze3A_730 : i32 to vector<16xi32>
      %lt3A_770 = arith.cmpi slt, %add3A_739, %lt3A : vector<16xi32>
      %and3A_771 = arith.andi %and3A, %lt3A_770 : vector<16xi1>
      %and3A_772 = arith.constant true
      %and3A_773 = vector.broadcast %and3A_772 : i1 to vector<16xi1>
      %and3A_774 = arith.andi %and3A_771, %and3A_773 : vector<16xi1>
      %mul3A_775 = arith.mulf %sub3A_766, %sub3A_766 : vector<16xf32>
      %add3A_776 = arith.addf %while3A_699, %mul3A_775 : vector<16xf32>
      %select_n3A = arith.select %and3A_774, %add3A_776, %while3A_699 : vector<16xi1>, vector<16xf32>
      %add3A_777 = arith.constant 1 : i32
      %add3A_778 = arith.addi %shift_right_arithmetic3A_734, %add3A_777 : i32
      %parallel_loop3A = arith.constant 1 : i32
      %parallel_loop3A_779 = scf.for %parallel_loop3A_823 = %add3A_778 to %shift_right_arithmetic3A_736 step %parallel_loop3A iter_args(%parallel_loop3A_824 = %select_n3A) -> (vector<16xf32>)  : i32 {
        %parallel_loop3A_825 = arith.constant 4 : i32
        %parallel_loop3A_826 = arith.shli %parallel_loop3A_823, %parallel_loop3A_825 : i32
        %parallel_loop3A_827 = arith.index_cast %parallel_loop3A_826 : i32 to index
        %parallel_loop3A_828 = tpu.vector_load %arg5[%parallel_loop3A_827] {strides = array<i32>} : memref<40976xf32, #tpu.memory_space<vmem>>, vector<16xf32>,
        %parallel_loop3A_829 = vector.broadcast %squeeze3A : f32 to vector<16xf32>
        %parallel_loop3A_830 = arith.subf %parallel_loop3A_828, %parallel_loop3A_829 : vector<16xf32>
        %parallel_loop3A_831 = arith.constant 10240 : i32
        %parallel_loop3A_832 = arith.addi %parallel_loop3A_831, %parallel_loop3A_826 : i32
        %parallel_loop3A_833 = arith.index_cast %parallel_loop3A_832 : i32 to index
        %parallel_loop3A_834 = tpu.vector_load %arg5[%parallel_loop3A_833] {strides = array<i32>} : memref<40976xf32, #tpu.memory_space<vmem>>, vector<16xf32>,
        %parallel_loop3A_835 = vector.broadcast %squeeze3A_710 : f32 to vector<16xf32>
        %parallel_loop3A_836 = arith.subf %parallel_loop3A_834, %parallel_loop3A_835 : vector<16xf32>
        %parallel_loop3A_837 = arith.constant 20480 : i32
        %parallel_loop3A_838 = arith.addi %parallel_loop3A_837, %parallel_loop3A_826 : i32
        %parallel_loop3A_839 = arith.index_cast %parallel_loop3A_838 : i32 to index
        %parallel_loop3A_840 = tpu.vector_load %arg5[%parallel_loop3A_839] {strides = array<i32>} : memref<40976xf32, #tpu.memory_space<vmem>>, vector<16xf32>,
        %parallel_loop3A_841 = vector.broadcast %squeeze3A_716 : f32 to vector<16xf32>
        %parallel_loop3A_842 = arith.subf %parallel_loop3A_840, %parallel_loop3A_841 : vector<16xf32>
        %parallel_loop3A_843 = arith.mulf %parallel_loop3A_830, %parallel_loop3A_830 : vector<16xf32>
        %parallel_loop3A_844 = arith.mulf %parallel_loop3A_836, %parallel_loop3A_836 : vector<16xf32>
        %parallel_loop3A_845 = arith.addf %parallel_loop3A_843, %parallel_loop3A_844 : vector<16xf32>
        %parallel_loop3A_846 = arith.mulf %parallel_loop3A_842, %parallel_loop3A_842 : vector<16xf32>
        %parallel_loop3A_847 = arith.addf %parallel_loop3A_845, %parallel_loop3A_846 : vector<16xf32>
        %parallel_loop3A_848 = arith.constant 30720 : i32
        %parallel_loop3A_849 = arith.addi %parallel_loop3A_848, %parallel_loop3A_826 : i32
        %parallel_loop3A_850 = arith.index_cast %parallel_loop3A_849 : i32 to index
        %parallel_loop3A_851 = tpu.vector_load %arg5[%parallel_loop3A_850] {strides = array<i32>} : memref<40976xf32, #tpu.memory_space<vmem>>, vector<16xf32>,
        %parallel_loop3A_852 = vector.broadcast %squeeze3A_722 : f32 to vector<16xf32>
        %parallel_loop3A_853 = arith.subf %parallel_loop3A_851, %parallel_loop3A_852 : vector<16xf32>
        %parallel_loop3A_854 = arith.constant 4.000000e-02 : f32
        %parallel_loop3A_855 = vector.broadcast %parallel_loop3A_854 : f32 to vector<16xf32>
        %parallel_loop3A_856 = arith.cmpf ole, %parallel_loop3A_847, %parallel_loop3A_855 : vector<16xf32>
        %parallel_loop3A_857 = arith.mulf %parallel_loop3A_853, %parallel_loop3A_853 : vector<16xf32>
        %parallel_loop3A_858 = arith.addf %parallel_loop3A_824, %parallel_loop3A_857 : vector<16xf32>
        %parallel_loop3A_859 = arith.select %parallel_loop3A_856, %parallel_loop3A_858, %parallel_loop3A_824 : vector<16xi1>, vector<16xf32>
        scf.yield %parallel_loop3A_859 : vector<16xf32>
      } {sc.loop_unroll_factor = 4 : i64, sc.parallel_access}
      %gt3A_780 = arith.cmpi sgt, %shift_right_arithmetic3A_736, %shift_right_arithmetic3A_734 : i32
      %shift_left3A_781 = arith.constant 4 : i32
      %shift_left3A_782 = arith.shli %shift_right_arithmetic3A_736, %shift_left3A_781 : i32
      %add3A_783 = vector.broadcast %shift_left3A_782 : i32 to vector<16xi32>
      %add3A_784 = arith.addi %iota3A, %add3A_783 : vector<16xi32>
      %get3A_785 = arith.index_cast %shift_left3A_782 : i32 to index
      %get3A_786 = tpu.vector_load %arg5[%get3A_785] {strides = array<i32>} : memref<40976xf32, #tpu.memory_space<vmem>>, vector<16xf32>,
      %sub3A_787 = vector.broadcast %squeeze3A : f32 to vector<16xf32>
      %sub3A_788 = arith.subf %get3A_786, %sub3A_787 : vector<16xf32>
      %add3A_789 = arith.constant 10240 : i32
      %add3A_790 = arith.addi %add3A_789, %shift_left3A_782 : i32
      %get3A_791 = arith.index_cast %add3A_790 : i32 to index
      %get3A_792 = tpu.vector_load %arg5[%get3A_791] {strides = array<i32>} : memref<40976xf32, #tpu.memory_space<vmem>>, vector<16xf32>,
      %sub3A_793 = vector.broadcast %squeeze3A_710 : f32 to vector<16xf32>
      %sub3A_794 = arith.subf %get3A_792, %sub3A_793 : vector<16xf32>
      %add3A_795 = arith.constant 20480 : i32
      %add3A_796 = arith.addi %add3A_795, %shift_left3A_782 : i32
      %get3A_797 = arith.index_cast %add3A_796 : i32 to index
      %get3A_798 = tpu.vector_load %arg5[%get3A_797] {strides = array<i32>} : memref<40976xf32, #tpu.memory_space<vmem>>, vector<16xf32>,
      %sub3A_799 = vector.broadcast %squeeze3A_716 : f32 to vector<16xf32>
      %sub3A_800 = arith.subf %get3A_798, %sub3A_799 : vector<16xf32>
      %mul3A_801 = arith.mulf %sub3A_788, %sub3A_788 : vector<16xf32>
      %mul3A_802 = arith.mulf %sub3A_794, %sub3A_794 : vector<16xf32>
      %add3A_803 = arith.addf %mul3A_801, %mul3A_802 : vector<16xf32>
      %mul3A_804 = arith.mulf %sub3A_800, %sub3A_800 : vector<16xf32>
      %add3A_805 = arith.addf %add3A_803, %mul3A_804 : vector<16xf32>
      %add3A_806 = arith.constant 30720 : i32
      %add3A_807 = arith.addi %add3A_806, %shift_left3A_782 : i32
      %get3A_808 = arith.index_cast %add3A_807 : i32 to index
      %get3A_809 = tpu.vector_load %arg5[%get3A_808] {strides = array<i32>} : memref<40976xf32, #tpu.memory_space<vmem>>, vector<16xf32>,
      %sub3A_810 = vector.broadcast %squeeze3A_722 : f32 to vector<16xf32>
      %sub3A_811 = arith.subf %get3A_809, %sub3A_810 : vector<16xf32>
      %le3A_812 = arith.constant 4.000000e-02 : f32
      %le3A_813 = vector.broadcast %le3A_812 : f32 to vector<16xf32>
      %le3A_814 = arith.cmpf ole, %add3A_805, %le3A_813 : vector<16xf32>
      %lt3A_815 = vector.broadcast %squeeze3A_730 : i32 to vector<16xi32>
      %lt3A_816 = arith.cmpi slt, %add3A_784, %lt3A_815 : vector<16xi32>
      %and3A_817 = arith.andi %le3A_814, %lt3A_816 : vector<16xi1>
      %and3A_818 = vector.broadcast %gt3A_780 : i1 to vector<16xi1>
      %and3A_819 = arith.andi %and3A_817, %and3A_818 : vector<16xi1>
      %mul3A_820 = arith.mulf %sub3A_811, %sub3A_811 : vector<16xf32>
      %add3A_821 = arith.addf %parallel_loop3A_779, %mul3A_820 : vector<16xf32>
      %select_n3A_822 = arith.select %and3A_819, %add3A_821, %parallel_loop3A_779 : vector<16xi1>, vector<16xf32>
      scf.yield %select_n3A_822 : vector<16xf32>
    }
    %while3A_694 = arith.constant 1 : i32
    %while3A_695 = scf.for %while3A_698 = %while3A_691 to %while3A_687 step %while3A_694 iter_args(%while3A_699 = %while3A_693) -> (vector<16xf32>)  : i32 {
      %mul3A_700 = arith.constant 32 : i32
      %mul3A_701 = arith.muli %while3A_698, %mul3A_700 : i32
      %add3A_702 = arith.addi %add3A, %mul3A_701 : i32
      %get3A_703 = arith.index_cast %add3A_702 : i32 to index
      %get3A_704 = tpu.vector_load %arg5[%get3A_703] {strides = array<i32>} : memref<40976xf32, #tpu.memory_space<vmem>>, vector<16xf32>,
      %slice3A = vector.extract_strided_slice %get3A_704 {offsets = [0], sizes = [1], strides = [1]} : vector<16xf32> to vector<1xf32>
      %squeeze3A = vector.extract %slice3A[0] : f32 from vector<1xf32>
      %add3A_705 = arith.constant 10240 : i32
      %add3A_706 = arith.addi %add3A_705, %add3A_702 : i32
      %get3A_707 = arith.index_cast %add3A_706 : i32 to index
      %get3A_708 = tpu.vector_load %arg5[%get3A_707] {strides = array<i32>} : memref<40976xf32, #tpu.memory_space<vmem>>, vector<16xf32>,
      %slice3A_709 = vector.extract_strided_slice %get3A_708 {offsets = [0], sizes = [1], strides = [1]} : vector<16xf32> to vector<1xf32>
      %squeeze3A_710 = vector.extract %slice3A_709[0] : f32 from vector<1xf32>
      %add3A_711 = arith.constant 20480 : i32
      %add3A_712 = arith.addi %add3A_711, %add3A_702 : i32
      %get3A_713 = arith.index_cast %add3A_712 : i32 to index
      %get3A_714 = tpu.vector_load %arg5[%get3A_713] {strides = array<i32>} : memref<40976xf32, #tpu.memory_space<vmem>>, vector<16xf32>,
      %slice3A_715 = vector.extract_strided_slice %get3A_714 {offsets = [0], sizes = [1], strides = [1]} : vector<16xf32> to vector<1xf32>
      %squeeze3A_716 = vector.extract %slice3A_715[0] : f32 from vector<1xf32>
      %add3A_717 = arith.constant 30720 : i32
      %add3A_718 = arith.addi %add3A_717, %add3A_702 : i32
      %get3A_719 = arith.index_cast %add3A_718 : i32 to index
      %get3A_720 = tpu.vector_load %arg5[%get3A_719] {strides = array<i32>} : memref<40976xf32, #tpu.memory_space<vmem>>, vector<16xf32>,
      %slice3A_721 = vector.extract_strided_slice %get3A_720 {offsets = [0], sizes = [1], strides = [1]} : vector<16xf32> to vector<1xf32>
      %squeeze3A_722 = vector.extract %slice3A_721[0] : f32 from vector<1xf32>
      %get3A_723 = arith.index_cast %add3A_702 : i32 to index
      %get3A_724 = tpu.vector_load %arg6[%get3A_723] {strides = array<i32>} : memref<10256xi32, #tpu.memory_space<vmem>>, vector<16xi32>,
      %slice3A_725 = vector.extract_strided_slice %get3A_724 {offsets = [0], sizes = [1], strides = [1]} : vector<16xi32> to vector<1xi32>
      %squeeze3A_726 = vector.extract %slice3A_725[0] : i32 from vector<1xi32>
      %broadcast_in_dim3A_727 = vector.broadcast %squeeze3A_726 : i32 to vector<16xi32>
      %gather3A_728 = tpu.vector_load_idx %arg14[%broadcast_in_dim3A_727] : memref<256xi32, #tpu.memory_space<vmem>>[vector<16xi32>], vector<16xi32>,
      %slice3A_729 = vector.extract_strided_slice %gather3A_728 {offsets = [0], sizes = [1], strides = [1]} : vector<16xi32> to vector<1xi32>
      %squeeze3A_730 = vector.extract %slice3A_729[0] : i32 from vector<1xi32>
      %add3A_731 = arith.constant 1 : i32
      %add3A_732 = arith.addi %add3A_702, %add3A_731 : i32
      %shift_right_arithmetic3A_733 = arith.constant 4 : i32
      %shift_right_arithmetic3A_734 = arith.shrsi %add3A_732, %shift_right_arithmetic3A_733 : i32
      %shift_right_arithmetic3A_735 = arith.constant 4 : i32
      %shift_right_arithmetic3A_736 = arith.shrsi %squeeze3A_730, %shift_right_arithmetic3A_735 : i32
      %shift_left3A = arith.constant 4 : i32
      %shift_left3A_737 = arith.shli %shift_right_arithmetic3A_734, %shift_left3A : i32
      %add3A_738 = vector.broadcast %shift_left3A_737 : i32 to vector<16xi32>
      %add3A_739 = arith.addi %iota3A, %add3A_738 : vector<16xi32>
      %get3A_740 = arith.index_cast %shift_left3A_737 : i32 to index
      %get3A_741 = tpu.vector_load %arg5[%get3A_740] {strides = array<i32>} : memref<40976xf32, #tpu.memory_space<vmem>>, vector<16xf32>,
      %sub3A_742 = vector.broadcast %squeeze3A : f32 to vector<16xf32>
      %sub3A_743 = arith.subf %get3A_741, %sub3A_742 : vector<16xf32>
      %add3A_744 = arith.constant 10240 : i32
      %add3A_745 = arith.addi %add3A_744, %shift_left3A_737 : i32
      %get3A_746 = arith.index_cast %add3A_745 : i32 to index
      %get3A_747 = tpu.vector_load %arg5[%get3A_746] {strides = array<i32>} : memref<40976xf32, #tpu.memory_space<vmem>>, vector<16xf32>,
      %sub3A_748 = vector.broadcast %squeeze3A_710 : f32 to vector<16xf32>
      %sub3A_749 = arith.subf %get3A_747, %sub3A_748 : vector<16xf32>
      %add3A_750 = arith.constant 20480 : i32
      %add3A_751 = arith.addi %add3A_750, %shift_left3A_737 : i32
      %get3A_752 = arith.index_cast %add3A_751 : i32 to index
      %get3A_753 = tpu.vector_load %arg5[%get3A_752] {strides = array<i32>} : memref<40976xf32, #tpu.memory_space<vmem>>, vector<16xf32>,
      %sub3A_754 = vector.broadcast %squeeze3A_716 : f32 to vector<16xf32>
      %sub3A_755 = arith.subf %get3A_753, %sub3A_754 : vector<16xf32>
      %mul3A_756 = arith.mulf %sub3A_743, %sub3A_743 : vector<16xf32>
      %mul3A_757 = arith.mulf %sub3A_749, %sub3A_749 : vector<16xf32>
      %add3A_758 = arith.addf %mul3A_756, %mul3A_757 : vector<16xf32>
      %mul3A_759 = arith.mulf %sub3A_755, %sub3A_755 : vector<16xf32>
      %add3A_760 = arith.addf %add3A_758, %mul3A_759 : vector<16xf32>
      %add3A_761 = arith.constant 30720 : i32
      %add3A_762 = arith.addi %add3A_761, %shift_left3A_737 : i32
      %get3A_763 = arith.index_cast %add3A_762 : i32 to index
      %get3A_764 = tpu.vector_load %arg5[%get3A_763] {strides = array<i32>} : memref<40976xf32, #tpu.memory_space<vmem>>, vector<16xf32>,
      %sub3A_765 = vector.broadcast %squeeze3A_722 : f32 to vector<16xf32>
      %sub3A_766 = arith.subf %get3A_764, %sub3A_765 : vector<16xf32>
      %le3A = arith.constant 4.000000e-02 : f32
      %le3A_767 = vector.broadcast %le3A : f32 to vector<16xf32>
      %le3A_768 = arith.cmpf ole, %add3A_760, %le3A_767 : vector<16xf32>
      %gt3A = vector.broadcast %add3A_702 : i32 to vector<16xi32>
      %gt3A_769 = arith.cmpi sgt, %add3A_739, %gt3A : vector<16xi32>
      %and3A = arith.andi %le3A_768, %gt3A_769 : vector<16xi1>
      %lt3A = vector.broadcast %squeeze3A_730 : i32 to vector<16xi32>
      %lt3A_770 = arith.cmpi slt, %add3A_739, %lt3A : vector<16xi32>
      %and3A_771 = arith.andi %and3A, %lt3A_770 : vector<16xi1>
      %and3A_772 = arith.constant true
      %and3A_773 = vector.broadcast %and3A_772 : i1 to vector<16xi1>
      %and3A_774 = arith.andi %and3A_771, %and3A_773 : vector<16xi1>
      %mul3A_775 = arith.mulf %sub3A_766, %sub3A_766 : vector<16xf32>
      %add3A_776 = arith.addf %while3A_699, %mul3A_775 : vector<16xf32>
      %select_n3A = arith.select %and3A_774, %add3A_776, %while3A_699 : vector<16xi1>, vector<16xf32>
      %add3A_777 = arith.constant 1 : i32
      %add3A_778 = arith.addi %shift_right_arithmetic3A_734, %add3A_777 : i32
      %parallel_loop3A = arith.constant 1 : i32
      %parallel_loop3A_779 = scf.for %parallel_loop3A_823 = %add3A_778 to %shift_right_arithmetic3A_736 step %parallel_loop3A iter_args(%parallel_loop3A_824 = %select_n3A) -> (vector<16xf32>)  : i32 {
        %parallel_loop3A_825 = arith.constant 4 : i32
        %parallel_loop3A_826 = arith.shli %parallel_loop3A_823, %parallel_loop3A_825 : i32
        %parallel_loop3A_827 = arith.index_cast %parallel_loop3A_826 : i32 to index
        %parallel_loop3A_828 = tpu.vector_load %arg5[%parallel_loop3A_827] {strides = array<i32>} : memref<40976xf32, #tpu.memory_space<vmem>>, vector<16xf32>,
        %parallel_loop3A_829 = vector.broadcast %squeeze3A : f32 to vector<16xf32>
        %parallel_loop3A_830 = arith.subf %parallel_loop3A_828, %parallel_loop3A_829 : vector<16xf32>
        %parallel_loop3A_831 = arith.constant 10240 : i32
        %parallel_loop3A_832 = arith.addi %parallel_loop3A_831, %parallel_loop3A_826 : i32
        %parallel_loop3A_833 = arith.index_cast %parallel_loop3A_832 : i32 to index
        %parallel_loop3A_834 = tpu.vector_load %arg5[%parallel_loop3A_833] {strides = array<i32>} : memref<40976xf32, #tpu.memory_space<vmem>>, vector<16xf32>,
        %parallel_loop3A_835 = vector.broadcast %squeeze3A_710 : f32 to vector<16xf32>
        %parallel_loop3A_836 = arith.subf %parallel_loop3A_834, %parallel_loop3A_835 : vector<16xf32>
        %parallel_loop3A_837 = arith.constant 20480 : i32
        %parallel_loop3A_838 = arith.addi %parallel_loop3A_837, %parallel_loop3A_826 : i32
        %parallel_loop3A_839 = arith.index_cast %parallel_loop3A_838 : i32 to index
        %parallel_loop3A_840 = tpu.vector_load %arg5[%parallel_loop3A_839] {strides = array<i32>} : memref<40976xf32, #tpu.memory_space<vmem>>, vector<16xf32>,
        %parallel_loop3A_841 = vector.broadcast %squeeze3A_716 : f32 to vector<16xf32>
        %parallel_loop3A_842 = arith.subf %parallel_loop3A_840, %parallel_loop3A_841 : vector<16xf32>
        %parallel_loop3A_843 = arith.mulf %parallel_loop3A_830, %parallel_loop3A_830 : vector<16xf32>
        %parallel_loop3A_844 = arith.mulf %parallel_loop3A_836, %parallel_loop3A_836 : vector<16xf32>
        %parallel_loop3A_845 = arith.addf %parallel_loop3A_843, %parallel_loop3A_844 : vector<16xf32>
        %parallel_loop3A_846 = arith.mulf %parallel_loop3A_842, %parallel_loop3A_842 : vector<16xf32>
        %parallel_loop3A_847 = arith.addf %parallel_loop3A_845, %parallel_loop3A_846 : vector<16xf32>
        %parallel_loop3A_848 = arith.constant 30720 : i32
        %parallel_loop3A_849 = arith.addi %parallel_loop3A_848, %parallel_loop3A_826 : i32
        %parallel_loop3A_850 = arith.index_cast %parallel_loop3A_849 : i32 to index
        %parallel_loop3A_851 = tpu.vector_load %arg5[%parallel_loop3A_850] {strides = array<i32>} : memref<40976xf32, #tpu.memory_space<vmem>>, vector<16xf32>,
        %parallel_loop3A_852 = vector.broadcast %squeeze3A_722 : f32 to vector<16xf32>
        %parallel_loop3A_853 = arith.subf %parallel_loop3A_851, %parallel_loop3A_852 : vector<16xf32>
        %parallel_loop3A_854 = arith.constant 4.000000e-02 : f32
        %parallel_loop3A_855 = vector.broadcast %parallel_loop3A_854 : f32 to vector<16xf32>
        %parallel_loop3A_856 = arith.cmpf ole, %parallel_loop3A_847, %parallel_loop3A_855 : vector<16xf32>
        %parallel_loop3A_857 = arith.mulf %parallel_loop3A_853, %parallel_loop3A_853 : vector<16xf32>
        %parallel_loop3A_858 = arith.addf %parallel_loop3A_824, %parallel_loop3A_857 : vector<16xf32>
        %parallel_loop3A_859 = arith.select %parallel_loop3A_856, %parallel_loop3A_858, %parallel_loop3A_824 : vector<16xi1>, vector<16xf32>
        scf.yield %parallel_loop3A_859 : vector<16xf32>
      } {sc.loop_unroll_factor = 4 : i64, sc.parallel_access}
      %gt3A_780 = arith.cmpi sgt, %shift_right_arithmetic3A_736, %shift_right_arithmetic3A_734 : i32
      %shift_left3A_781 = arith.constant 4 : i32
      %shift_left3A_782 = arith.shli %shift_right_arithmetic3A_736, %shift_left3A_781 : i32
      %add3A_783 = vector.broadcast %shift_left3A_782 : i32 to vector<16xi32>
      %add3A_784 = arith.addi %iota3A, %add3A_783 : vector<16xi32>
      %get3A_785 = arith.index_cast %shift_left3A_782 : i32 to index
      %get3A_786 = tpu.vector_load %arg5[%get3A_785] {strides = array<i32>} : memref<40976xf32, #tpu.memory_space<vmem>>, vector<16xf32>,
      %sub3A_787 = vector.broadcast %squeeze3A : f32 to vector<16xf32>
      %sub3A_788 = arith.subf %get3A_786, %sub3A_787 : vector<16xf32>
      %add3A_789 = arith.constant 10240 : i32
      %add3A_790 = arith.addi %add3A_789, %shift_left3A_782 : i32
      %get3A_791 = arith.index_cast %add3A_790 : i32 to index
      %get3A_792 = tpu.vector_load %arg5[%get3A_791] {strides = array<i32>} : memref<40976xf32, #tpu.memory_space<vmem>>, vector<16xf32>,
      %sub3A_793 = vector.broadcast %squeeze3A_710 : f32 to vector<16xf32>
      %sub3A_794 = arith.subf %get3A_792, %sub3A_793 : vector<16xf32>
      %add3A_795 = arith.constant 20480 : i32
      %add3A_796 = arith.addi %add3A_795, %shift_left3A_782 : i32
      %get3A_797 = arith.index_cast %add3A_796 : i32 to index
      %get3A_798 = tpu.vector_load %arg5[%get3A_797] {strides = array<i32>} : memref<40976xf32, #tpu.memory_space<vmem>>, vector<16xf32>,
      %sub3A_799 = vector.broadcast %squeeze3A_716 : f32 to vector<16xf32>
      %sub3A_800 = arith.subf %get3A_798, %sub3A_799 : vector<16xf32>
      %mul3A_801 = arith.mulf %sub3A_788, %sub3A_788 : vector<16xf32>
      %mul3A_802 = arith.mulf %sub3A_794, %sub3A_794 : vector<16xf32>
      %add3A_803 = arith.addf %mul3A_801, %mul3A_802 : vector<16xf32>
      %mul3A_804 = arith.mulf %sub3A_800, %sub3A_800 : vector<16xf32>
      %add3A_805 = arith.addf %add3A_803, %mul3A_804 : vector<16xf32>
      %add3A_806 = arith.constant 30720 : i32
      %add3A_807 = arith.addi %add3A_806, %shift_left3A_782 : i32
      %get3A_808 = arith.index_cast %add3A_807 : i32 to index
      %get3A_809 = tpu.vector_load %arg5[%get3A_808] {strides = array<i32>} : memref<40976xf32, #tpu.memory_space<vmem>>, vector<16xf32>,
      %sub3A_810 = vector.broadcast %squeeze3A_722 : f32 to vector<16xf32>
      %sub3A_811 = arith.subf %get3A_809, %sub3A_810 : vector<16xf32>
      %le3A_812 = arith.constant 4.000000e-02 : f32
      %le3A_813 = vector.broadcast %le3A_812 : f32 to vector<16xf32>
      %le3A_814 = arith.cmpf ole, %add3A_805, %le3A_813 : vector<16xf32>
      %lt3A_815 = vector.broadcast %squeeze3A_730 : i32 to vector<16xi32>
      %lt3A_816 = arith.cmpi slt, %add3A_784, %lt3A_815 : vector<16xi32>
      %and3A_817 = arith.andi %le3A_814, %lt3A_816 : vector<16xi1>
      %and3A_818 = vector.broadcast %gt3A_780 : i1 to vector<16xi1>
      %and3A_819 = arith.andi %and3A_817, %and3A_818 : vector<16xi1>
      %mul3A_820 = arith.mulf %sub3A_811, %sub3A_811 : vector<16xf32>
      %add3A_821 = arith.addf %parallel_loop3A_779, %mul3A_820 : vector<16xf32>
      %select_n3A_822 = arith.select %and3A_819, %add3A_821, %parallel_loop3A_779 : vector<16xi1>, vector<16xf32>
      scf.yield %select_n3A_822 : vector<16xf32>
    }
    %swap3A_696 = arith.constant 0 : index
    %swap3A_697 = tpu.vector_load %arg20[%swap3A_696] {strides = array<i32>} : memref<16xf32, #tpu.memory_space<vmem>>, vector<16xf32>,
    tpu.vector_store %arg20[%swap3A_696], %while3A_695 {strides = array<i32>} : memref<16xf32, #tpu.memory_space<vmem>>, vector<16xf32>,
    "tpu.region"() ({
      %run_scoped3A = tpu.sem_alloc : memref<!tpu.dma_semaphore, #tpu.memory_space<semaphore_mem>>
      %dma_start3A_698 = arith.constant 0 : i32
      %dma_start3A_699 = tpu.memref_slice %arg4[%add3A, %dma_start3A_698] : memref<32x16xf32, #tpu.memory_space<hbm>> -> memref<1x16xf32, #tpu.memory_space<hbm>>
      %dma_start3A_700 = tpu.memref_squeeze %dma_start3A_699 : memref<1x16xf32, #tpu.memory_space<hbm>> -> memref<16xf32, #tpu.memory_space<hbm>>
      %dma_start3A_701 = arith.constant 0 : i32
      %dma_start3A_702 = tpu.memref_slice %arg4[%add3A, %dma_start3A_701] : memref<32x16xf32, #tpu.memory_space<hbm>> -> memref<1x16xf32, #tpu.memory_space<hbm>>
      %dma_start3A_703 = tpu.memref_squeeze %dma_start3A_702 : memref<1x16xf32, #tpu.memory_space<hbm>> -> memref<16xf32, #tpu.memory_space<hbm>>
      tpu.enqueue_dma source(%arg20 : memref<16xf32, #tpu.memory_space<vmem>>) target(%dma_start3A_703 : memref<16xf32, #tpu.memory_space<hbm>>) target_semaphore(%run_scoped3A : memref<!tpu.dma_semaphore, #tpu.memory_space<semaphore_mem>>)
      %dma_wait3A_704 = arith.constant 0 : i32
      %dma_wait3A_705 = tpu.memref_slice %arg4[%add3A, %dma_wait3A_704] : memref<32x16xf32, #tpu.memory_space<hbm>> -> memref<1x16xf32, #tpu.memory_space<hbm>>
      %dma_wait3A_706 = tpu.memref_squeeze %dma_wait3A_705 : memref<1x16xf32, #tpu.memory_space<hbm>> -> memref<16xf32, #tpu.memory_space<hbm>>
      %dma_wait3A_707 = arith.constant 0 : i32
      %dma_wait3A_708 = tpu.memref_slice %arg4[%add3A, %dma_wait3A_707] : memref<32x16xf32, #tpu.memory_space<hbm>> -> memref<1x16xf32, #tpu.memory_space<hbm>>
      %dma_wait3A_709 = tpu.memref_squeeze %dma_wait3A_708 : memref<1x16xf32, #tpu.memory_space<hbm>> -> memref<16xf32, #tpu.memory_space<hbm>>
      tpu.wait_dma2 semaphore(%run_scoped3A : memref<!tpu.dma_semaphore, #tpu.memory_space<semaphore_mem>>) src(%arg20 : memref<16xf32, #tpu.memory_space<vmem>>) dst(%dma_wait3A_709 : memref<16xf32, #tpu.memory_space<hbm>>)
      tpu.yield
    }) : () -> ()
    return
  }
}

</mosaic_0001>

<sc_bundles>
// kernel: kernel.3.cloned.1.call-start
scs
__scs_entry_jumppad:
0x0: {  	(pc) =	sbr.rel $0x88, $3  }
0x1: {  	(tag) =	ssettag $0x0;
	lr =	simm.s32 $0x1  }
0x2: {  	[smem:$0x3F9E] =	sst lr;
	_ =	strace $0xD0000000  }
0x3: {  	_ = 	snop  }
0x4: {  	_ = 	snop  }
0x5: {  	_ = 	snop  }
0x6: {  	_ = 	snop  }
0x7: {  	_ = 	snop  }
__scs_overlays_trampoline_lowered:
0x8: {  	[smem:$0x3FAD] =	sst s0  }
0x9: {  	[smem:$0x3FAE] =	sst s1  }
0xa: {  	[smem:$0x3FAF] =	sst s2  }
0xb: {  	[smem:$0x3FB0] =	sst s3  }
0xc: {  	[smem:$0x3FB1] =	sst s4  }
0xd: {  	[smem:$0x3FB2] =	sst s5  }
0xe: {  	[smem:$0x3FB3] =	sst s6  }
0xf: {  	[smem:$0x3FB4] =	sst s7  }
0x10: {  	[smem:$0x3FB5] =	sst s8  }
0x11: {  	[smem:$0x3FB6] =	sst s9;
	s0 =	simm.s32 @!p0 $0x0  }
0x12: {  	s1 =	sld [smem:$0x3F9C];
	s0 =	simm.s32 @p0 $0x1  }
0x13: {  	[smem:$0x3FB7] =	sst s0;
	s0 =	simm.s32 @!p1 $0x0  }
0x14: {  	s2 =	sld [smem:$0x3F9B];
	s0 =	simm.s32 @p1 $0x1  }
0x15: {  	[smem:$0x3FB8] =	sst s0;
	s0 =	simm.s32 @!p2 $0x0  }
0x16: {  	s3 =	sld [smem:$0x3FDB];
	s0 =	simm.s32 @p2 $0x1  }
0x17: {  	s4 =	simm.s32 $0x1BF5;
	[smem:$0x3FBA] =	sst s0  }
0x18: {  	s0 =	sld [smem:$0x3F9D];
	_ =	swait.ge [sflag:s4], $0x0  }
0x19: {  	s7 =	sld [smem:$0x3F9E]  }
0x1a: {  	s8 =	sadd.s32 $0xFFFFE003, lr  }
0x1b: {  	s9 =	sadd.s32 $0xFFFFFEF7, lr;
	s5 =	simm.s32 $0xFFFFFFFF;
	p2 =	slt.u32 s8, $0xFFFFF086  }
0x1c: {  	p1 =	slt.u32 s9, $0xF7A;
	s5 =	simm.s32 @!p2 $0x0  }
0x1d: {  	s5 =	simm.s32 @p1 $0x1;
	p0 =	seq.s32 s7, s2  }
0x1e: {  	s7 =	smul.u32 @!p0 $0xF7A, s2;
	p2 =	seq.s32 @!p0 s5, $0x0  }
0x1f: {  	s9 =	smul.u32 $0xF7A, s1;
	s8 =	simm.s32 @!p0 $0x1BF5;
	p2 =	por !p2, p0  }
0x20: {  	[sflag:s8] =	ssyncset.s32 @!p0 $0xFFFFF086;
	s6 =	sadd.s32 @!p0 s3, s7;
	s7 =	simm.s32 @!p0 $0x108  }
0x21: {  	s3 =	sadd.s32 s3, s9;
	s6 =	sadd.s32 @!p0 $0x88, s6;
	s7 =	simm.s32 @p2 $0x1082  }
0x22: {  	[simem:s7], [sflag:s8] =	dma.local @!p0 [hbm:s6], $0xF7A  }
0x23: {  	s9 =	sor.u32 $0xD0000000, s2;
	s6 =	simm.s32 $0x108;
	_ =	swait.ge @!p0 [sflag:s8], $0x0  }
0x24: {  	s3 =	sadd.s32 $0x88, s3;
	s6 =	simm.s32 @!p1 $0x1082;
	[sflag:s4] =	ssyncset.s32 $0xFFFFF086  }
0x25: {  	[simem:s6], [sflag:s4] =	dma.local [hbm:s3], $0xF7A  }
0x26: {  	[smem:$0x3F9E] =	sst s1;
	(tag) =	ssettag s2;
	_ =	strace s9  }
0x27: {  	s1 =	sld [smem:$0x3FAE]  }
0x28: {  	s2 =	sld [smem:$0x3FAF]  }
0x29: {  	s4 =	sld [smem:$0x3FB1]  }
0x2a: {  	p0 =	seq.s32 s5, $0x0;
	s5 =	sld [smem:$0x3FB2]  }
0x2b: {  	s6 =	sld [smem:$0x3FB3]  }
0x2c: {  	s7 =	sld [smem:$0x3FB4]  }
0x2d: {  	s3 =	simm.s32 $0x108;
	s8 =	sld [smem:$0x3FB5]  }
0x2e: {  	s3 =	simm.s32 @!p0 $0x1082;
	s9 =	sld [smem:$0x3FB6]  }
0x2f: {  	lr =	sadd.s32 s0, s3;
	s0 =	sld [smem:$0x3FAD]  }
0x30: {  	s3 =	sld [smem:$0x3FB0]  }
0x31: {  	[smem:$0x3FB9] =	sst s10  }
0x32: {  	s10 =	sld [smem:$0x3FB7];
	_ =	sdelay $0x3  }
0x33: {  	p0 =	seq.s32 s10, $0x1;
	s10 =	sld [smem:$0x3FB9];
	_ =	sdelay $0x3  }
0x34: {  	[smem:$0x3FB9] =	sst s10  }
0x35: {  	s10 =	sld [smem:$0x3FB8];
	_ =	sdelay $0x3  }
0x36: {  	p1 =	seq.s32 s10, $0x1;
	s10 =	sld [smem:$0x3FB9];
	_ =	sdelay $0x3  }
0x37: {  	[smem:$0x3FB9] =	sst s10  }
0x38: {  	s10 =	sld [smem:$0x3FBA]  }
0x39: {  	_ = 	snop;
	(pc) =	sbr.ind lr, $3  }
0x3a: {  	_ = 	snop  }
0x3b: {  	_ = 	snop  }
0x3c: {  	p2 =	seq.s32 s10, $0x1;
	s10 =	sld [smem:$0x3FB9]  }
0x3d: {  	_ =	shalt  }
0x3e: {  	_ =	shalt  }
0x3f: {  	_ =	shalt  }
0x40: {  	_ =	shalt  }
0x41: {  	_ =	shalt  }
0x42: {  	_ =	shalt  }
0x43: {  	_ =	shalt  }
0x44: {  	_ =	shalt  }
0x45: {  	_ =	shalt  }
0x46: {  	_ =	shalt  }
0x47: {  	_ =	shalt  }
0x48: {  	_ =	shalt  }
0x49: {  	_ =	shalt  }
0x4a: {  	_ =	shalt  }
0x4b: {  	_ =	shalt  }
0x4c: {  	_ =	shalt  }
0x4d: {  	_ =	shalt  }
0x4e: {  	_ =	shalt  }
0x4f: {  	_ =	shalt  }
0x50: {  	_ =	shalt  }
0x51: {  	_ =	shalt  }
0x52: {  	_ =	shalt  }
0x53: {  	_ =	shalt  }
0x54: {  	_ =	shalt  }
0x55: {  	_ =	shalt  }
0x56: {  	_ =	shalt  }
0x57: {  	_ =	shalt  }
0x58: {  	_ =	shalt  }
0x59: {  	_ =	shalt  }
0x5a: {  	_ =	shalt  }
0x5b: {  	_ =	shalt  }
0x5c: {  	_ =	shalt  }
0x5d: {  	_ =	shalt  }
0x5e: {  	_ =	shalt  }
0x5f: {  	_ =	shalt  }
0x60: {  	_ =	shalt  }
0x61: {  	_ =	shalt  }
0x62: {  	_ =	shalt  }
0x63: {  	_ =	shalt  }
0x64: {  	_ =	shalt  }
0x65: {  	_ =	shalt  }
0x66: {  	_ =	shalt  }
0x67: {  	_ =	shalt  }
0x68: {  	_ =	shalt  }
0x69: {  	_ =	shalt  }
0x6a: {  	_ =	shalt  }
0x6b: {  	_ =	shalt  }
0x6c: {  	_ =	shalt  }
0x6d: {  	_ =	shalt  }
0x6e: {  	_ =	shalt  }
0x6f: {  	_ =	shalt  }
0x70: {  	_ =	shalt  }
0x71: {  	_ =	shalt  }
0x72: {  	_ =	shalt  }
0x73: {  	_ =	shalt  }
0x74: {  	_ =	shalt  }
0x75: {  	_ =	shalt  }
0x76: {  	_ =	shalt  }
0x77: {  	_ =	shalt  }
0x78: {  	_ =	shalt  }
0x79: {  	_ =	shalt  }
0x7a: {  	_ =	shalt  }
0x7b: {  	_ =	shalt  }
0x7c: {  	_ =	shalt  }
0x7d: {  	_ =	shalt  }
0x7e: {  	_ =	shalt  }
0x7f: {  	_ =	shalt  }
0x80: {  	_ =	shalt  }
0x81: {  	_ =	shalt  }
0x82: {  	_ =	shalt  }
0x83: {  	_ =	shalt  }
0x84: {  	_ =	shalt  }
0x85: {  	_ =	shalt  }
0x86: {  	_ =	shalt  }
0x87: {  	_ =	shalt  }
.Lfunc_end0:
.L_simem_size_0:
called_computation_lowered:
.L_overlay_start_0:
0x88: {  	s2 =	sld [smem:$0x3FD9]  }
0x89: {  	s3 =	sld [smem:$0x3FFE];
	_ =	sdelay $0x1  }
0x8a: {  	s1 =	srdreg.scid  }
0x8b: {  	s0 =	sand.u32 $0x1, s1  }
0x8c: {  	s16 =	sshll.u32 s0, $0xA;
	s2 =	sadd.s32 s3, s2  }
0x8d: {  	s2 =	sadd.s32 s2, s16  }
0x8e: {  	[smem:$0x3FC5] =	sst s2  }
0x8f: {  	_ = 	snop  }
0x90: {  	(tm) =	ssettm $0x1  }
0x91: {  	s17 =	sld [smem:$0x3FFB];
	_ =	sdelay $0x3  }
0x92: {  	_ =	strace s17  }
0x93: {  	s2 =	sld [smem:$0x3FFC];
	_ =	sdelay $0x3  }
0x94: {  	_ =	strace s2  }
0x95: {  	s2 =	sld [smem:$0x3FFD];
	_ =	sdelay $0x3  }
0x96: {  	_ =	strace s2  }
0x97: {  	_ =	strace $0x8FFFFFFF  }
0x98: {  	s18 =	sld [smem:$0x3FDB];
	_ =	sdelay $0x1  }
0x99: {  	s19 =	simm.s32 $_scs_section_size  }
0x9a: {  	s4 =	simm.s32 $_size__tile_overlayer_lowered;
	s5 =	simm.s32 $_tile_overlayer_lowered  }
0x9b: {  	s22 =	simm.s32 $0x1BFF;
	s21 =	sshll.u32 s5, $0x1;
	s2 =	sadd.s32 s19, s18  }
0x9c: {  	s6 =	simm.s32 $0x0;
	s20 =	sshll.u32 s4, $0x1;
	s4 =	sadd.s32 s21, s2  }
0x9d: {  	[timem:s6], [sflag:s22] =	dma.local [hbm:s4], s20  }
0x9e: {  	_ =	swait.ge [sflag:s22], s20  }
0x9f: {  	s3 =	ssub.s32 $0x0, s20;
	[sflag:s22] =	ssyncset.done $0x0  }
0xa0: {  	[sflag:s22] =	ssyncadd.s32 s3;
	_ =	sdelay $0x1  }
0xa1: {  	s23 =	simm.s32 $0x1B8B  }
0xa2: {  	_ =	swait.ge [sflag:s23], $0x1  }
0xa3: {  	[sflag:s23] =	ssyncset.done $0x0  }
0xa4: {  	s25 =	simm.s32 $0x1B8E;
	s24 =	sld [smem:$0x3FFE];
	[sflag:s23] =	ssyncadd.s32 $0xFFFFFFFF  }
0xa5: {  	s26 =	simm.s32 $execute0_lowered;
	[smem:$0x3FD2] =	sst s25  }
0xa6: {  	s4 =	sshll.u32 s26, $0x1;
	_ =	strace $0x80000046;
	[dreg:$0x1] =	wrdreg $0xFFFFFFFF  }
0xa7: {  	s28 =	simm.s32 $_size_execute0_lowered;
	s2 =	sadd.s32 s2, s4;
	[dreg:$0x0] =	wrdreg $0x0  }
0xa8: {  	s4 =	sshll.u32 s28, $0x1;
	[dreg:$0x2] =	wrdreg s2  }
0xa9: {  	[dreg:$0x3] =	wrdreg s4  }
0xaa: {  	[dreg:$0x4] =	wrdreg $0xC0  }
0xab: {  	_ =	task [dreg:s6], $0x5FFFF  }
0xac: {  	[dreg:$0x1] =	wrdreg $0xFFFFFFFF  }
0xad: {  	[dreg:$0x0] =	wrdreg $0x60  }
0xae: {  	[dreg:$0x2] =	wrdreg s24  }
0xaf: {  	[dreg:$0x3] =	wrdreg $0xE6000  }
0xb0: {  	[dreg:$0x4] =	wrdreg $0xE7000  }
0xb1: {  	[dreg:$0x5] =	wrdreg $0xE9800  }
0xb2: {  	[dreg:$0x6] =	wrdreg $0xEC000  }
0xb3: {  	[dreg:$0x7] =	wrdreg $0xEE800  }
0xb4: {  	[dreg:$0x8] =	wrdreg $0xF1000  }
0xb5: {  	[dreg:$0x9] =	wrdreg $0x9  }
0xb6: {  	_ =	task.clear_ibuf [dreg:s6], $0xAFFFF;
	_ =	strace $0x90000046  }
0xb7: {  	s29 =	simm.s32 $0x9;
	_ =	strace $0x80000048  }
0xb8: {  	_ =	swait.ge [sflag:s29], $0x1  }
0xb9: {  	[sflag:s29] =	ssyncadd.s32 $0xFFFFFFFF  }
0xba: {  	_ =	strace $0x90000048  }
0xbb: {  	_ =	sfence  }
0xbc: {  	s30 =	sld [smem:$0x0];
	_ =	sdelay $0x2  }
0xbd: {  	s31 =	sshll.u32 s1, $0xD;
	s1 =	sshrl.u32 s1, $0x2  }
0xbe: {  	s3 =	sand.u32 $0x4000, s31;
	s1 =	sadd.s32 s1, s30  }
0xbf: {  	s0 =	sor.u32 s3, s0;
	s1 =	sshll.u32 s1, $0x11  }
0xc0: {  	s0 =	sor.u32 s1, s0  }
0xc1: {  	s0 =	sadd.s32 $0x8F2B, s0  }
0xc2: {  	[sflag:s0] =	ssyncadd.remote.s32 $0x1  }
0xc3: {  	_ =	sfence.sel $0xFFFF  }
0xc4: {  	[dreg:$0x0] =	wrdreg $0xFFFFFFFF;
	(pc) =	sbr.abs _section_cstart, $3  }
0xc5: {  	[dreg:$0x1] =	wrdreg $0xFFFFFFFF  }
0xc6: {  	_ =	task.clear_ibuf [dreg:s6], $0x2FFFF;
	_ =	strace $0x9FFFFFFF  }
0xc7: {  	(tm) =	ssettm $0x7FFFFFFF  }
tec
execute0_lowered:
.L_overlay_start_1:
0x0: {  	(tag) =	ssettag $0x1  }
0x1: {  	s0 =	rddreg [dreg:$0x0]  }
0x2: {  	s16 =	rddreg [dreg:$0x1]  }
0x3: {  	s5 =	rddreg [dreg:$0x5]  }
0x4: {  	s6 =	rddreg [dreg:$0x6]  }
0x5: {  	s8 =	simm.s32 $0x0;
	s7 =	stileid.u32;
	s1 =	srdreg.scid  }
0x6: {  	[smem:$0x7FF] =	sst s8;
	s9 =	smul.u32 $0x280, s7  }
0x7: {  	s1 =	sand.u32 $0x1, s1;
	s10 =	sshll.u32 s7, $0x1;
	s11 =	sadd.s32 $0x200, s0  }
0x8: {  	s23 =	sshll.u32 s7, $0x8;
	_ =	strace $0x80000047;
	s10 =	sor.u32 s1, s10  }
0x9: {  	s1 =	ssub.s32 $0x2, s1;
	s25 =	sadd.s32 s23, s16;
	s12 =	sshrl.u32 s9, $0x3  }
0xa: {  	s13 =	sshll.u32 s10, $0x4;
	s22 =	sadd.s32 $0xA080, s9;
	[dreg:$0xe] =	wrdreg s25  }
0xb: {  	s14 =	sshrl.u32 s1, $0x1;
	s31 =	sadd.s32 $0x80, s9;
	[dreg:$0xc] =	wrdreg s22  }
0xc: {  	s18 =	sadd.s32 $0x2800, s9;
	s16 =	sadd.s32 $0x7900, s9;
	[dreg:$0xf] =	wrdreg s31  }
0xd: {  	s19 =	sadd.s32 $0x5000, s9;
	s23 =	sadd.s32 $0x7980, s9;
	[dreg:$0x1a] =	wrdreg s16  }
0xe: {  	s20 =	sadd.s32 $0x7800, s9;
	s25 =	sadd.s32 $0x2A00, s9;
	[dreg:$0x1e] =	wrdreg s23  }
0xf: {  	s15 =	sadd.s32 s12, s0;
	s12 =	sadd.s32 s11, s12;
	[smem:$0x7FB] =	sst s25  }
0x10: {  	s0 =	sadd.s32 s13, s0;
	s13 =	sadd.s32 $0x100, s9;
	[dreg:$0x8] =	wrdreg s12  }
0x11: {  	s1 =	ssub.s32 s1, s14;
	s22 =	sadd.s32 $0x5180, s9;
	[dreg:$0x17] =	wrdreg s13  }
0x12: {  	s3 =	sshrl.u32 s18, $0x3;
	s31 =	sadd.s32 $0x7A00, s9;
	[dreg:$0x1d] =	wrdreg s22  }
0x13: {  	s4 =	sshrl.u32 s19, $0x3;
	s2 =	sadd.s32 s11, s3;
	[smem:$0x7FD] =	sst s31  }
0x14: {  	s17 =	sshrl.u32 s20, $0x3;
	s14 =	sadd.s32 s11, s4;
	[dreg:$0x9] =	wrdreg s2  }
0x15: {  	s21 =	sadd.s32 s11, s17;
	[dreg:$0xa] =	wrdreg s14  }
0x16: {  	s24 =	sadd.s32 $0x1600, s15;
	[dreg:$0xb] =	wrdreg s21  }
0x17: {  	s0 =	sadd.s32 $0x1C00, s0;
	[dreg:$0xd] =	wrdreg s24  }
0x18: {  	s1 =	smax.u32 s1, $0x1;
	[dreg:$0x10] =	wrdreg s0  }
0x19: {  	s4 =	sadd.s32 $0x2880, s9;
	[dreg:$0x11] =	wrdreg s1  }
0x1a: {  	s28 =	simm.s32 $0xE000;
	s11 =	sadd.s32 $0x5080, s9;
	[dreg:$0x14] =	wrdreg s4  }
0x1b: {  	s29 =	simm.s32 $0xE100;
	s12 =	sadd.s32 $0x7880, s9;
	[dreg:$0x15] =	wrdreg s11  }
0x1c: {  	s30 =	simm.s32 $0x80;
	s15 =	sadd.s32 $0x5100, s9;
	[dreg:$0x16] =	wrdreg s12  }
0x1d: {  	p0 =	seq.s32 s7, $0x0;
	s17 =	sadd.s32 $0x180, s9;
	[dreg:$0x19] =	wrdreg s15  }
0x1e: {  	v0 =	vimm.s32 $0x0;
	s26 =	sadd.s32 $0x1, s10;
	s14 =	sadd.s32 $0x2900, s9;
	[dreg:$0x1b] =	wrdreg s17  }
0x1f: {  	vm1 =	vcmask $0x704;
	vm15 =	vmmov $0x3;
	vm2 =	vmmov $0x7;
	s23 =	simm.s32 $0x1;
	s21 =	sadd.s32 $0x2980, s9;
	[dreg:$0x18] =	wrdreg s14  }
.Ltmp0:
0x20: {  	vm3 =	vmmov $0xf;
	vm4 =	vmmov $0x1f;
	vm5 =	vmmov $0x3f;
	s24 =	sadd.s32 $0x200, s9;
	[dreg:$0x1c] =	wrdreg s21;
	(pc) =	sbr.rel .LBB2_1-.Ltmp0, $4  }
0x21: {  	vm6 =	vmmov $0x7f;
	vm7 =	vmmov $0xff;
	vm8 =	vmmov $0x1ff;
	s2 =	sand.u32 $0x30, s26;
	s26 =	sadd.s32 $0x5200, s9;
	[dreg:$0x1f] =	wrdreg s24  }
0x22: {  	vm9 =	vmmov $0x3ff;
	vm10 =	vmmov $0x7ff;
	v2 =	vimm.s32 $0x0;
	s16 =	simm.s32 $0xE200;
	s3 =	sadd.s32 $0x10, s2;
	[smem:$0x7FC] =	sst s26  }
0x23: {  	vm11 =	vmmov $0xfff;
	vm12 =	vmmov $0x1fff;
	v2 =	vsel vm15, $0xFFFFFFFF, v2;
	s22 =	simm.s32 $0x2;
	s0 =	sor.u32 $0x7840, s2;
	[dreg:$0x12] =	wrdreg s3  }
0x24: {  	vm13 =	vmmov $0x3fff;
	vm14 =	vmmov $0x7fff;
	v1 =	vlaneseq.u32;
	[tilespmem:$0x1FFF0] =	vst v2;
	s17 =	simm.s32 $0x0;
	s26 =	simm.s32 $0xCE00;
	[dreg:$0x13] =	wrdreg s0  }
.LBB2_23:
0x25: {  	[tilespmem:$0xE580] =	vst v7;
	s0 =	rddreg [dreg:$0x10];
	s1 =	simm.s32 $0xE580  }
0x26: {  	[hbm4b:s0+s8] =	stream.linear.scatter [tilespmem:s1], [sflag:$0x2], $0x80, $0x38;
	[tilespmem:$0xF380] =	vst v63  }
0x27: {  	_ =	swait.ge [sflag:s22], $0x80  }
0x28: {  	s17 =	sadd.s32 $0x1, s17;
	s31 =	rddreg [dreg:$0x11]  }
0x29: {  	v2 =	vld [tilespmem:$0x1FFF0];
	p1 =	sne.s32 s17, s31  }
.Ltmp1:
0x2a: {  	_ = 	snop;
	(pc) =	sbr.rel @!p1 .LBB2_24-.Ltmp1, $3  }
0x2b: {  	_ =	sdelay $0x1  }
0x2c: {  	s18 =	smov.u32 s2;
	[sflag:s22] =	ssyncset.done $0x0  }
0x2d: {  	s19 =	smov.u32 s3;
	s20 =	smov.u32 s4;
	vm1 =	vcmask $0x704;
	[sflag:s22] =	ssyncadd.s32 $0xFFFFFF80;
	vm15 =	vnez.u8 v2  }
.LBB2_1:
0x2e: {  	s0 =	rddreg [dreg:$0x8]  }
0x2f: {  	s14 =	rddreg [dreg:$0x9]  }
0x30: {  	[tilespmem:s9], [sflag:$0x1] =	stream.linear.gather [hbm4b:s0+s8], $0x280, $0x38;
	[tilespmem:$0xF380] =	vst v63  }
0x31: {  	s15 =	rddreg [dreg:$0xa]  }
0x32: {  	[tilespmem:s18], [sflag:$0x1] =	stream.linear.gather [hbm4b:s14+s8], $0x280, $0x38;
	[tilespmem:$0xF380] =	vst v63  }
0x33: {  	s21 =	rddreg [dreg:$0xb]  }
0x34: {  	[tilespmem:s19], [sflag:$0x1] =	stream.linear.gather [hbm4b:s15+s8], $0x280, $0x38;
	[tilespmem:$0xF380] =	vst v63  }
0x35: {  	s24 =	rddreg [dreg:$0xc]  }
0x36: {  	[tilespmem:s20], [sflag:$0x1] =	stream.linear.gather [hbm4b:s21+s8], $0x280, $0x38;
	[tilespmem:$0xF380] =	vst v63  }
0x37: {  	s1 =	rddreg [dreg:$0xd]  }
0x38: {  	[tilespmem:s24], [sflag:$0x2] =	stream.linear.gather [hbm4b:s1+s8], $0x280, $0x38;
	[tilespmem:$0xF380] =	vst v63  }
0x39: {  	_ =	swait.ge [sflag:s22], $0x280  }
0x3a: {  	[sflag:s22] =	ssyncset.done $0x0  }
0x3b: {  	[sflag:s22] =	ssyncadd.s32 $0xFFFFFD80  }
0x3c: {  	_ =	swait.ge [sflag:s23], $0x280  }
0x3d: {  	[sflag:s23] =	ssyncset.done $0x0  }
0x3e: {  	[sflag:s23] =	ssyncadd.s32 $0xFFFFFD80  }
0x3f: {  	_ =	swait.ge [sflag:s23], $0x280  }
0x40: {  	[sflag:s23] =	ssyncset.done $0x0  }
0x41: {  	[sflag:s23] =	ssyncadd.s32 $0xFFFFFD80  }
0x42: {  	_ =	swait.ge [sflag:s23], $0x280  }
0x43: {  	[sflag:s23] =	ssyncset.done $0x0  }
0x44: {  	[sflag:s23] =	ssyncadd.s32 $0xFFFFFD80  }
0x45: {  	s25 =	sadd.s32 $0x0, s9;
	_ =	swait.ge [sflag:s23], $0x280  }
0x46: {  	s31 =	sand.u32 $0x70, s8;
	s0 =	sand.u32 $0x7F80, s25;
	[sflag:s23] =	ssyncset.done $0x0  }
0x47: {  	s0 =	sor.u32 s31, s0;
	[sflag:s23] =	ssyncadd.s32 $0xFFFFFD80  }
0x48: {  	v2 =	vld [tilespmem:s0+$0x0];
	_ =	sdelay $0x4  }
0x49: {  	v2 =	vmul.f32 $2.000000000e+01, v2  }
0x4a: {  	v3 =	vld [tilespmem:s0+$0xA080]  }
0x4b: {  	v2 =	vtrunc.f32 v2  }
0x4c: {  	v2 =	vcvt.f32.s32 v2;
	_ =	sdelay $0x1  }
0x4d: {  	s12 =	sadd.s32 $0x10, s9;
	vm0 =	vlt.s32 v2, $0x13  }
0x4e: {  	s11 =	simm.s32 $0x20;
	s1 =	simm.s32 $0x10;
	s0 =	simm.s32 $0xC900;
	v3 =	vshll.u32 v3, $0x5;
	v2 =	vnsel vm0, $0x13, v2  }
.LBB2_2:
0x4f: {  	p1 =	sne.s32 s11, $0x270;
	s12 =	sand.u32 $0x7F80, s12;
	s1 =	sand.u32 $0x70, s1;
	v2 =	vadd.s32 v3, v2  }
0x50: {  	s12 =	sor.u32 s1, s12;
	[tilespmem:s0+$0x0] =	vst v2;
	s1 =	smov.u32 s11  }
0x51: {  	v2 =	vld [tilespmem:s12+$0x0];
	_ =	sdelay $0x4  }
0x52: {  	v2 =	vmul.f32 $2.000000000e+01, v2  }
0x53: {  	v3 =	vld [tilespmem:s12+$0xA080]  }
.Ltmp2:
0x54: {  	v2 =	vtrunc.f32 v2;
	(pc) =	sbr.rel @p1 .LBB2_2-.Ltmp2, $3  }
0x55: {  	v2 =	vcvt.f32.s32 v2;
	_ =	sdelay $0x1  }
0x56: {  	vm0 =	vlt.s32 v2, $0x13  }
0x57: {  	s11 =	sadd.s32 $0x10, s11;
	s0 =	sadd.s32 $0x10, s0;
	s12 =	sadd.s32 s1, s9;
	v2 =	vnsel vm0, $0x13, v2;
	v3 =	vshll.u32 v3, $0x5  }
0x58: {  	s11 =	sand.u32 $0x7F80, s12;
	s1 =	sand.u32 $0x70, s1;
	v2 =	vadd.s32 v3, v2  }
0x59: {  	s1 =	sor.u32 s1, s11;
	[tilespmem:s0+$0x0] =	vst v2  }
0x5a: {  	v2 =	vld [tilespmem:s1+$0x0];
	_ =	sdelay $0x4  }
0x5b: {  	v2 =	vmul.f32 $2.000000000e+01, v2  }
0x5c: {  	v3 =	vld [tilespmem:s1+$0xA080]  }
0x5d: {  	v2 =	vtrunc.f32 v2  }
0x5e: {  	v2 =	vcvt.f32.s32 v2;
	_ =	sdelay $0x1  }
0x5f: {  	vm0 =	vlt.s32 v2, $0x13  }
0x60: {  	v3 =	vshll.u32 v3, $0x5;
	v2 =	vnsel vm0, $0x13, v2  }
0x61: {  	s31 =	sadd.s32 $0x10, s0;
	v2 =	vadd.s32 v3, v2  }
0x62: {  	[tilespmem:s31+$0x0] =	vst v2  }
0x63: {  	[tilespmem:$0xCE00] =	vst v0  }
0x64: {  	[tilespmem:$0xCE10] =	vst v0  }
0x65: {  	[tilespmem:$0xCE20] =	vst v0  }
0x66: {  	[tilespmem:$0xCE30] =	vst v0  }
0x67: {  	[tilespmem:$0xCE40] =	vst v0  }
0x68: {  	[tilespmem:$0xCE50] =	vst v0  }
0x69: {  	[tilespmem:$0xCE60] =	vst v0  }
0x6a: {  	[tilespmem:$0xCE70] =	vst v0  }
0x6b: {  	[tilespmem:$0xCE80] =	vst v0  }
0x6c: {  	[tilespmem:$0xCE90] =	vst v0  }
0x6d: {  	[tilespmem:$0xCEA0] =	vst v0  }
0x6e: {  	[tilespmem:$0xCEB0] =	vst v0  }
0x6f: {  	[tilespmem:$0xCEC0] =	vst v0  }
0x70: {  	[tilespmem:$0xCED0] =	vst v0  }
0x71: {  	[tilespmem:$0xCEE0] =	vst v0  }
0x72: {  	s12 =	simm.s32 $0x0;
	[tilespmem:$0xCEF0] =	vst v0  }
.LBB2_4:
0x73: {  	s13 =	sshra.s32 s12, $0x2  }
0x74: {  	v2 =	vld [tilespmem:s13+$0xC900];
	_ =	sdelay $0x4  }
0x75: {  	v3 =	vbroadcast v2, $0x0;
	_ =	sdelay $0x5  }
0x76: {  	v4 =	vld.idx.msk [tilespmem:v3+s26+$0x0], $0xffff;
	_ =	sdelay $0x4  }
0x77: {  	(v2sf) =	vpush v4, $0x0;
	_ =	sdelay $0xc  }
0x78: {  	v5 =	vbroadcast v2, $0x1;
	_ =	sdelay $0x1  }
0x79: {  	s0 =	spop (v2sf)  }
0x7a: {  	s0 =	sadd.s32 $0x1, s0  }
0x7b: {  	v6 =	vmov s0  }
0x7c: {  	[tilespmem:v3+s26+$0x0] =	vst.idx.msk $0x1, v6  }
0x7d: {  	v3 =	vld.idx.msk [tilespmem:v5+s26+$0x0], $0xffff;
	_ =	sdelay $0x4  }
0x7e: {  	(v2sf) =	vpush v3, $0x0;
	_ =	sdelay $0xc  }
0x7f: {  	v36 =	vbroadcast v2, $0x2;
	_ =	sdelay $0x1  }
0x80: {  	s21 =	spop (v2sf)  }
0x81: {  	s0 =	sadd.s32 $0x1, s21  }
0x82: {  	v7 =	vmov s0  }
0x83: {  	[tilespmem:v5+s26+$0x0] =	vst.idx.msk $0x1, v7  }
0x84: {  	v5 =	vld.idx.msk [tilespmem:v36+s26+$0x0], $0xffff;
	_ =	sdelay $0x4  }
0x85: {  	(v2sf) =	vpush v5, $0x0;
	_ =	sdelay $0xc  }
0x86: {  	v37 =	vbroadcast v2, $0x3;
	_ =	sdelay $0x1  }
0x87: {  	s24 =	spop (v2sf)  }
0x88: {  	s0 =	sadd.s32 $0x1, s24  }
0x89: {  	v8 =	vmov s0  }
0x8a: {  	[tilespmem:v36+s26+$0x0] =	vst.idx.msk $0x1, v8  }
0x8b: {  	v6 =	vld.idx.msk [tilespmem:v37+s26+$0x0], $0xffff;
	_ =	sdelay $0x4  }
0x8c: {  	(v2sf) =	vpush v6, $0x0;
	_ =	sdelay $0xc  }
0x8d: {  	v38 =	vbroadcast v2, $0x4;
	_ =	sdelay $0x1  }
0x8e: {  	s25 =	spop (v2sf)  }
0x8f: {  	s0 =	sadd.s32 $0x1, s25  }
0x90: {  	v9 =	vmov s0  }
0x91: {  	[tilespmem:v37+s26+$0x0] =	vst.idx.msk $0x1, v9  }
0x92: {  	v7 =	vld.idx.msk [tilespmem:v38+s26+$0x0], $0xffff;
	_ =	sdelay $0x4  }
0x93: {  	(v2sf) =	vpush v7, $0x0;
	_ =	sdelay $0xc  }
0x94: {  	v39 =	vbroadcast v2, $0x5;
	_ =	sdelay $0x1  }
0x95: {  	s31 =	spop (v2sf)  }
0x96: {  	s0 =	sadd.s32 $0x1, s31  }
0x97: {  	v10 =	vmov s0  }
0x98: {  	[tilespmem:v38+s26+$0x0] =	vst.idx.msk $0x1, v10  }
0x99: {  	v8 =	vld.idx.msk [tilespmem:v39+s26+$0x0], $0xffff;
	_ =	sdelay $0x4  }
0x9a: {  	(v2sf) =	vpush v8, $0x0;
	_ =	sdelay $0xc  }
0x9b: {  	v40 =	vbroadcast v2, $0x6;
	_ =	sdelay $0x1  }
0x9c: {  	s1 =	spop (v2sf)  }
0x9d: {  	s0 =	sadd.s32 $0x1, s1  }
0x9e: {  	v11 =	vmov s0  }
0x9f: {  	[tilespmem:v39+s26+$0x0] =	vst.idx.msk $0x1, v11  }
0xa0: {  	v9 =	vld.idx.msk [tilespmem:v40+s26+$0x0], $0xffff;
	_ =	sdelay $0x4  }
0xa1: {  	(v2sf) =	vpush v9, $0x0;
	_ =	sdelay $0xc  }
0xa2: {  	v41 =	vbroadcast v2, $0x7;
	_ =	sdelay $0x1  }
0xa3: {  	s2 =	spop (v2sf)  }
0xa4: {  	s0 =	sadd.s32 $0x1, s2  }
0xa5: {  	v12 =	vmov s0  }
0xa6: {  	[tilespmem:v40+s26+$0x0] =	vst.idx.msk $0x1, v12  }
0xa7: {  	v10 =	vld.idx.msk [tilespmem:v41+s26+$0x0], $0xffff;
	_ =	sdelay $0x4  }
0xa8: {  	(v2sf) =	vpush v10, $0x0;
	_ =	sdelay $0xc  }
0xa9: {  	v42 =	vbroadcast v2, $0x8;
	_ =	sdelay $0x1  }
0xaa: {  	s3 =	spop (v2sf)  }
0xab: {  	s0 =	sadd.s32 $0x1, s3  }
0xac: {  	v13 =	vmov s0  }
0xad: {  	[tilespmem:v41+s26+$0x0] =	vst.idx.msk $0x1, v13  }
0xae: {  	v11 =	vld.idx.msk [tilespmem:v42+s26+$0x0], $0xffff;
	_ =	sdelay $0x4  }
0xaf: {  	(v2sf) =	vpush v11, $0x0;
	_ =	sdelay $0xc  }
0xb0: {  	v43 =	vbroadcast v2, $0x9;
	_ =	sdelay $0x1  }
0xb1: {  	s4 =	spop (v2sf)  }
0xb2: {  	s0 =	sadd.s32 $0x1, s4  }
0xb3: {  	v14 =	vmov s0  }
0xb4: {  	[tilespmem:v42+s26+$0x0] =	vst.idx.msk $0x1, v14  }
0xb5: {  	v12 =	vld.idx.msk [tilespmem:v43+s26+$0x0], $0xffff;
	_ =	sdelay $0x4  }
0xb6: {  	(v2sf) =	vpush v12, $0x0;
	_ =	sdelay $0xc  }
0xb7: {  	v44 =	vbroadcast v2, $0xA;
	_ =	sdelay $0x1  }
0xb8: {  	s11 =	spop (v2sf)  }
0xb9: {  	s0 =	sadd.s32 $0x1, s11  }
0xba: {  	v15 =	vmov s0  }
0xbb: {  	[tilespmem:v43+s26+$0x0] =	vst.idx.msk $0x1, v15  }
0xbc: {  	v13 =	vld.idx.msk [tilespmem:v44+s26+$0x0], $0xffff;
	_ =	sdelay $0x4  }
0xbd: {  	(v2sf) =	vpush v13, $0x0;
	_ =	sdelay $0xc  }
0xbe: {  	v45 =	vbroadcast v2, $0xB;
	_ =	sdelay $0x1  }
0xbf: {  	s14 =	spop (v2sf)  }
0xc0: {  	s0 =	sadd.s32 $0x1, s14  }
0xc1: {  	v16 =	vmov s0  }
0xc2: {  	[tilespmem:v44+s26+$0x0] =	vst.idx.msk $0x1, v16  }
0xc3: {  	v14 =	vld.idx.msk [tilespmem:v45+s26+$0x0], $0xffff;
	_ =	sdelay $0x4  }
0xc4: {  	(v2sf) =	vpush v14, $0x0;
	_ =	sdelay $0xc  }
0xc5: {  	v46 =	vbroadcast v2, $0xC;
	_ =	sdelay $0x1  }
0xc6: {  	s15 =	spop (v2sf)  }
0xc7: {  	s0 =	sadd.s32 $0x1, s15  }
0xc8: {  	v17 =	vmov s0  }
0xc9: {  	[tilespmem:v45+s26+$0x0] =	vst.idx.msk $0x1, v17  }
0xca: {  	v15 =	vld.idx.msk [tilespmem:v46+s26+$0x0], $0xffff;
	_ =	sdelay $0x4  }
0xcb: {  	(v2sf) =	vpush v15, $0x0;
	_ =	sdelay $0xc  }
0xcc: {  	v47 =	vbroadcast v2, $0xD;
	_ =	sdelay $0x1  }
0xcd: {  	s21 =	spop (v2sf)  }
0xce: {  	s0 =	sadd.s32 $0x1, s21  }
0xcf: {  	v18 =	vmov s0  }
0xd0: {  	[tilespmem:v46+s26+$0x0] =	vst.idx.msk $0x1, v18  }
0xd1: {  	v16 =	vld.idx.msk [tilespmem:v47+s26+$0x0], $0xffff;
	_ =	sdelay $0x4  }
0xd2: {  	(v2sf) =	vpush v16, $0x0;
	_ =	sdelay $0xc  }
0xd3: {  	v48 =	vbroadcast v2, $0xE;
	_ =	sdelay $0x1  }
0xd4: {  	s24 =	spop (v2sf)  }
0xd5: {  	s0 =	sadd.s32 $0x1, s24  }
0xd6: {  	v19 =	vmov s0  }
0xd7: {  	[tilespmem:v47+s26+$0x0] =	vst.idx.msk $0x1, v19  }
0xd8: {  	v17 =	vld.idx.msk [tilespmem:v48+s26+$0x0], $0xffff;
	_ =	sdelay $0x4  }
0xd9: {  	(v2sf) =	vpush v17, $0x0;
	_ =	sdelay $0xc  }
0xda: {  	v2 =	vbroadcast v2, $0xF;
	_ =	sdelay $0x1  }
0xdb: {  	s25 =	spop (v2sf)  }
0xdc: {  	s0 =	sadd.s32 $0x1, s25  }
0xdd: {  	v49 =	vmov s0  }
0xde: {  	[tilespmem:v48+s26+$0x0] =	vst.idx.msk $0x1, v49  }
0xdf: {  	v18 =	vld.idx.msk [tilespmem:v2+s26+$0x0], $0xffff;
	_ =	sdelay $0x4  }
0xe0: {  	(v2sf) =	vpush v18, $0x0;
	_ =	sdelay $0x1  }
0xe1: {  	v3 =	vbroadcast v3, $0x0  }
0xe2: {  	v5 =	vbroadcast v5, $0x0  }
0xe3: {  	v3 =	vsel vm1, v3, v4;
	v50 =	vbroadcast v6, $0x0  }
0xe4: {  	v3 =	vsel vm15, v3, v5;
	v51 =	vbroadcast v7, $0x0  }
0xe5: {  	v3 =	vsel vm2, v3, v50;
	v52 =	vbroadcast v8, $0x0  }
0xe6: {  	v3 =	vsel vm3, v3, v51;
	v53 =	vbroadcast v9, $0x0  }
0xe7: {  	v3 =	vsel vm4, v3, v52;
	v54 =	vbroadcast v10, $0x0  }
0xe8: {  	v3 =	vsel vm5, v3, v53;
	v55 =	vbroadcast v11, $0x0  }
0xe9: {  	v3 =	vsel vm6, v3, v54;
	v56 =	vbroadcast v12, $0x0  }
0xea: {  	v3 =	vsel vm7, v3, v55;
	v57 =	vbroadcast v13, $0x0  }
0xeb: {  	v3 =	vsel vm8, v3, v56;
	v58 =	vbroadcast v14, $0x0  }
0xec: {  	v3 =	vsel vm9, v3, v57;
	v59 =	vbroadcast v15, $0x0  }
0xed: {  	p1 =	sne.s32 s12, $0x9C0;
	v3 =	vsel vm10, v3, v58;
	v60 =	vbroadcast v16, $0x0  }
.Ltmp3:
0xee: {  	v3 =	vsel vm11, v3, v59;
	v61 =	vbroadcast v17, $0x0;
	s31 =	spop (v2sf);
	(pc) =	sbr.rel @p1 .LBB2_4-.Ltmp3, $4  }
0xef: {  	v3 =	vsel vm12, v3, v60;
	v62 =	vbroadcast v18, $0x0;
	s0 =	sadd.s32 $0x1, s31  }
0xf0: {  	v3 =	vsel vm13, v3, v61;
	v63 =	vmov s0  }
0xf1: {  	[tilespmem:v2+s26+$0x0] =	vst.idx.msk $0x1, v63;
	v2 =	vsel vm14, v3, v62  }
0xf2: {  	s12 =	sadd.s32 $0x40, s12;
	[tilespmem:s13+$0xCB80] =	vst v2  }
0xf3: {  	s0 =	rddreg [dreg:$0xe]  }
0xf4: {  	[spmem:s0] =	stream.linear.scatter [tilespmem:s26], [sflag:$0x2], $0x100, $0x38;
	[tilespmem:$0xF380] =	vst v63  }
0xf5: {  	_ =	swait.ge [sflag:s22], $0x100  }
0xf6: {  	[sflag:s22] =	ssyncset.done $0x0  }
0xf7: {  	[sflag:s22] =	ssyncadd.s32 $0xFFFFFF00  }
0xf8: {  	[bflag:$0x0] =	sbarrier.arrive $0xFFFF  }
0xf9: {  	s24 =	simm.s32 $0xCF00;
	s1 =	rddreg [dreg:$0x1]  }
0xfa: {  	[tilespmem:s24], [sflag:$0x2] =	stream.linear.gather [spmem:s1], $0x1000, $0x38;
	[tilespmem:$0xF380] =	vst v63  }
0xfb: {  	_ =	swait.ge [sflag:s22], $0x1000  }
0xfc: {  	s12 =	simm.s32 $0x0;
	[sflag:s22] =	ssyncset.done $0x0  }
0xfd: {  	s25 =	sand.u32 $0xF0, s12;
	[sflag:s22] =	ssyncadd.s32 $0xFFFFF000  }
0xfe: {  	v2 =	vld [tilespmem:s25+$0xD000]  }
0xff: {  	v3 =	vld [tilespmem:s24+$0x0]  }
0x100: {  	v4 =	vld [tilespmem:s25+$0xD100]  }
0x101: {  	v5 =	vld [tilespmem:s25+$0xD200]  }
0x102: {  	v6 =	vld [tilespmem:s25+$0xD300]  }
0x103: {  	v7 =	vld [tilespmem:s25+$0xD400]  }
0x104: {  	v2 =	vadd.s32 v3, v2;
	v3 =	vld [tilespmem:s25+$0xD500]  }
0x105: {  	v56 =	vld [tilespmem:s25+$0xD600];
	v2 =	vadd.s32 v4, v2  }
0x106: {  	v57 =	vld [tilespmem:s25+$0xD700];
	v2 =	vadd.s32 v5, v2  }
0x107: {  	v58 =	vld [tilespmem:s25+$0xD800];
	v2 =	vadd.s32 v6, v2  }
0x108: {  	v59 =	vld [tilespmem:s25+$0xD900];
	v2 =	vadd.s32 v7, v2  }
0x109: {  	v2 =	vadd.s32 v3, v2;
	v3 =	vld [tilespmem:s25+$0xDA00]  }
0x10a: {  	v60 =	vld [tilespmem:s25+$0xDB00];
	v2 =	vadd.s32 v56, v2  }
0x10b: {  	v61 =	vld [tilespmem:s25+$0xDC00];
	v2 =	vadd.s32 v57, v2  }
0x10c: {  	v62 =	vld [tilespmem:s25+$0xDD00];
	v2 =	vadd.s32 v58, v2  }
0x10d: {  	v63 =	vld [tilespmem:s25+$0xDE00];
	v2 =	vadd.s32 v59, v2  }
0x10e: {  	v2 =	vadd.s32 v3, v2  }
0x10f: {  	v2 =	vadd.s32 v60, v2  }
0x110: {  	v2 =	vadd.s32 v61, v2  }
0x111: {  	v2 =	vadd.s32 v62, v2  }
0x112: {  	s13 =	simm.s32 $0xDF00;
	s31 =	simm.s32 $0x10;
	v2 =	vadd.s32 v63, v2  }
0x113: {  	s0 =	sand.u32 $0xF0, s31;
	[tilespmem:s13+$0x0] =	vst v2  }
0x114: {  	s11 =	simm.s32 $0x20;
	s1 =	simm.s32 $0xCF10;
	v2 =	vld [tilespmem:s0+$0xD000]  }
.LBB2_6:
0x115: {  	p1 =	sne.s32 s11, $0xF0;
	v3 =	vld [tilespmem:s1+$0x0]  }
0x116: {  	v4 =	vld [tilespmem:s0+$0xD100]  }
0x117: {  	v5 =	vld [tilespmem:s0+$0xD200]  }
0x118: {  	v6 =	vld [tilespmem:s0+$0xD300]  }
0x119: {  	v7 =	vld [tilespmem:s0+$0xD400]  }
0x11a: {  	v2 =	vadd.s32 v3, v2;
	v3 =	vld [tilespmem:s0+$0xD500]  }
0x11b: {  	v2 =	vadd.s32 v4, v2;
	v4 =	vld [tilespmem:s0+$0xD600]  }
0x11c: {  	v2 =	vadd.s32 v5, v2;
	v5 =	vld [tilespmem:s0+$0xD700]  }
0x11d: {  	v2 =	vadd.s32 v6, v2;
	v6 =	vld [tilespmem:s0+$0xD800]  }
0x11e: {  	v2 =	vadd.s32 v7, v2;
	v7 =	vld [tilespmem:s0+$0xD900]  }
0x11f: {  	v2 =	vadd.s32 v3, v2;
	v3 =	vld [tilespmem:s0+$0xDA00]  }
0x120: {  	v2 =	vadd.s32 v4, v2;
	v4 =	vld [tilespmem:s0+$0xDB00]  }
0x121: {  	v2 =	vadd.s32 v5, v2;
	v5 =	vld [tilespmem:s0+$0xDC00]  }
0x122: {  	v2 =	vadd.s32 v6, v2;
	v6 =	vld [tilespmem:s0+$0xDD00]  }
0x123: {  	v2 =	vadd.s32 v7, v2;
	v7 =	vld [tilespmem:s0+$0xDE00]  }
0x124: {  	v2 =	vadd.s32 v3, v2  }
0x125: {  	v2 =	vadd.s32 v4, v2  }
.Ltmp4:
0x126: {  	v2 =	vadd.s32 v5, v2;
	(pc) =	sbr.rel @p1 .LBB2_6-.Ltmp4, $4  }
0x127: {  	v2 =	vadd.s32 v6, v2  }
0x128: {  	s13 =	sadd.s32 $0x10, s13;
	v2 =	vadd.s32 v7, v2  }
0x129: {  	s0 =	sand.u32 $0xF0, s11;
	[tilespmem:s13+$0x0] =	vst v2  }
0x12a: {  	s1 =	sadd.s32 $0x10, s1;
	s11 =	sadd.s32 $0x10, s11;
	v2 =	vld [tilespmem:s0+$0xD000]  }
0x12b: {  	v3 =	vld [tilespmem:s1+$0x0]  }
0x12c: {  	v4 =	vld [tilespmem:s0+$0xD100]  }
0x12d: {  	v5 =	vld [tilespmem:s0+$0xD200]  }
0x12e: {  	v6 =	vld [tilespmem:s0+$0xD300]  }
0x12f: {  	v7 =	vld [tilespmem:s0+$0xD400]  }
0x130: {  	v2 =	vadd.s32 v3, v2;
	v3 =	vld [tilespmem:s0+$0xD500]  }
0x131: {  	v56 =	vld [tilespmem:s0+$0xD600];
	v2 =	vadd.s32 v4, v2  }
0x132: {  	v57 =	vld [tilespmem:s0+$0xD700];
	v2 =	vadd.s32 v5, v2  }
0x133: {  	v58 =	vld [tilespmem:s0+$0xD800];
	v2 =	vadd.s32 v6, v2  }
0x134: {  	v59 =	vld [tilespmem:s0+$0xD900];
	v2 =	vadd.s32 v7, v2  }
0x135: {  	v2 =	vadd.s32 v3, v2;
	v3 =	vld [tilespmem:s0+$0xDA00]  }
0x136: {  	v60 =	vld [tilespmem:s0+$0xDB00];
	v2 =	vadd.s32 v56, v2  }
0x137: {  	v61 =	vld [tilespmem:s0+$0xDC00];
	v2 =	vadd.s32 v57, v2  }
0x138: {  	v62 =	vld [tilespmem:s0+$0xDD00];
	v2 =	vadd.s32 v58, v2  }
0x139: {  	v63 =	vld [tilespmem:s0+$0xDE00];
	v2 =	vadd.s32 v59, v2  }
0x13a: {  	v2 =	vadd.s32 v3, v2  }
0x13b: {  	v2 =	vadd.s32 v60, v2  }
0x13c: {  	v2 =	vadd.s32 v61, v2  }
0x13d: {  	v2 =	vadd.s32 v62, v2  }
0x13e: {  	s25 =	sadd.s32 $0x10, s13;
	v2 =	vadd.s32 v63, v2  }
0x13f: {  	s31 =	simm.s32 $0x0;
	[tilespmem:s25+$0x0] =	vst v2  }
0x140: {  	v2 =	vld [tilespmem:s31+$0xDF00];
	_ =	sdelay $0x4  }
0x141: {  	(xrf0) =	vadd.scan.msk.s32 $0xffff, v2;
	_ =	sdelay $0x5  }
0x142: {  	v3, _, _ =	vpop (xrf0)  }
0x143: {  	v3 =	vadd.s32 s12, v3  }
0x144: {  	(v2sf) =	vpush v3, $0xF  }
0x145: {  	[tilespmem:s31+$0xE000] =	vst v3;
	v2 =	vsub.s32 v3, v2  }
0x146: {  	s1 =	simm.s32 $0x80;
	s0 =	simm.s32 $0x40;
	[tilespmem:s31+$0xE100] =	vst v2  }
.LBB2_8:
0x147: {  	p1 =	sne.s32 s1, $0x3C0;
	s11 =	sshra.s32 s0, $0x2;
	s0 =	smov.u32 s1  }
0x148: {  	v2 =	vld [tilespmem:s11+$0xDF00];
	_ =	sdelay $0x4  }
0x149: {  	(xrf0) =	vadd.scan.msk.s32 $0xffff, v2;
	_ =	sdelay $0x5  }
.Ltmp5:
0x14a: {  	v3, _, _ =	vpop (xrf0);
	s12 =	spop (v2sf);
	(pc) =	sbr.rel @p1 .LBB2_8-.Ltmp5, $4  }
0x14b: {  	v3 =	vadd.s32 s12, v3  }
0x14c: {  	[tilespmem:s11+$0xE000] =	vst v3;
	v2 =	vsub.s32 v3, v2;
	(v2sf) =	vpush v3, $0xF  }
0x14d: {  	[tilespmem:s11+$0xE100] =	vst v2  }
0x14e: {  	s1 =	sadd.s32 $0x40, s1  }
0x14f: {  	s0 =	sshra.s32 s0, $0x2  }
0x150: {  	v2 =	vld [tilespmem:s0+$0xDF00];
	_ =	sdelay $0x4  }
0x151: {  	(xrf0) =	vadd.scan.msk.s32 $0xffff, v2;
	_ =	sdelay $0x5  }
0x152: {  	v3, _, _ =	vpop (xrf0);
	s1 =	spop (v2sf)  }
0x153: {  	v3 =	vadd.s32 s1, v3  }
0x154: {  	(v2sf) =	vpush v3, $0xF;
	_ =	sdelay $0xa  }
.Ltmp6:
0x155: {  	_ = 	snop;
	(pc) =	sbr.rel .LBB2_10-.Ltmp6, $3  }
0x156: {  	_ =	sdelay $0x1  }
0x157: {  	s11 =	simm.s32 $0x0;
	[tilespmem:s0+$0xE000] =	vst v3;
	v2 =	vsub.s32 v3, v2  }
0x158: {  	s1 =	simm.s32 $0x0;
	[tilespmem:s0+$0xE100] =	vst v2;
	s0 =	simm.s32 $0x0;
	s31 =	spop (v2sf)  }
.LBB2_13:
0x159: {  	v2 =	vadd.s32 v2, v3  }
.LBB2_14:
0x15a: {  	s11 =	sadd.s32 $0x1, s11  }
0x15b: {  	p1 =	sne.s32 s11, $0x10  }
.Ltmp7:
0x15c: {  	_ = 	snop;
	(pc) =	sbr.rel @!p1 .LBB2_15-.Ltmp7, $2  }
0x15d: {  	_ =	sdelay $0x2  }
0x15e: {  	[tilespmem:s12+$0xE100] =	vst v2;
	s1 =	sadd.s32 $0x10, s1;
	s0 =	sadd.s32 $0x1, s0  }
.LBB2_10:
.Ltmp8:
0x15f: {  	(pc) =	sbr.rel @p0 .LBB2_14-.Ltmp8, $3  }
0x160: {  	_ =	sdelay $0x1  }
0x161: {  	s12 =	sshll.u32 s11, $0x4  }
0x162: {  	v2 =	vld [tilespmem:s12+$0xE100]  }
0x163: {  	s13 =	sshll.u32 s1, $0x2;
	s14 =	sand.u32 $0x7, s0  }
0x164: {  	s13 =	sand.u32 $0xFFFFFE00, s13;
	s14 =	sshll.u32 s14, $0x6  }
0x165: {  	s13 =	sor.u32 s14, s13  }
0x166: {  	s13 =	sshrl.u32 s13, $0x2  }
0x167: {  	p1 =	sne.s32 s7, $0x1;
	s13 =	sadd.s32 $0xCF00, s13  }
.Ltmp9:
0x168: {  	v3 =	vld [tilespmem:s13+$0x0];
	(pc) =	sbr.rel @!p1 .LBB2_13-.Ltmp9, $2  }
0x169: {  	_ =	sdelay $0x2  }
0x16a: {  	s14 =	sadd.s32 $0xFFFFFFFF, s7  }
.LBB2_12:
0x16b: {  	p1 =	sne.s32 s14, $0x1  }
.Ltmp10:
0x16c: {  	_ = 	snop;
	(pc) =	sbr.rel @p1 .LBB2_12-.Ltmp10, $3  }
0x16d: {  	_ =	sdelay $0x1  }
0x16e: {  	s14 =	sadd.s32 $0xFFFFFFFF, s14;
	v2 =	vadd.s32 v2, v3;
	s13 =	sadd.s32 $0x100, s13  }
0x16f: {  	v3 =	vld [tilespmem:s13+$0x0]  }
.Ltmp11:
0x170: {  	_ = 	snop;
	(pc) =	sbr.rel .LBB2_13-.Ltmp11, $1  }
0x171: {  	_ =	sdelay $0x3  }
.LBB2_15:
0x172: {  	s0 =	simm.s32 $0x0  }
0x173: {  	v2 =	vor.u32 s0, v1  }
0x174: {  	v3 =	vmov s0;
	v2 =	vand.u32 $0x1F, v2  }
0x175: {  	v3 =	vand.u32 $0xE0, v3;
	v2 =	vmin.u32 v2, $0xF  }
0x176: {  	v2 =	vor.u32 v3, v2  }
0x177: {  	v2 =	vadd.s32 $0x4, v2  }
0x178: {  	s31 =	simm.s32 $0x10  }
0x179: {  	v3 =	vor.u32 s31, v1  }
0x17a: {  	v4 =	vmov s31;
	v3 =	vand.u32 $0x1F, v3  }
0x17b: {  	v4 =	vand.u32 $0xE0, v4;
	v3 =	vmin.u32 v3, $0xF  }
0x17c: {  	v4 =	vor.u32 v4, v3;
	v3 =	vld.idx.msk [tilespmem:v2+s28+$0x0], $0xffff  }
0x17d: {  	v2 =	vadd.s32 $0x4, v4;
	_ =	sdelay $0x1  }
0x17e: {  	s1 =	simm.s32 $0x20  }
0x17f: {  	s11 =	simm.s32 $0x30;
	s0 =	simm.s32 $0xE200;
	v4 =	vor.u32 s1, v1  }
.LBB2_16:
0x180: {  	p1 =	sne.s32 s11, $0xF0;
	v5 =	vmov s1;
	v4 =	vand.u32 $0x1F, v4;
	[tilespmem:s0+$0x0] =	vst v3;
	s1 =	smov.u32 s11  }
0x181: {  	v4 =	vmin.u32 v4, $0xF;
	v5 =	vand.u32 $0xE0, v5;
	v3 =	vld.idx.msk [tilespmem:v2+s28+$0x0], $0xffff  }
.Ltmp12:
0x182: {  	v2 =	vor.u32 v5, v4;
	(pc) =	sbr.rel @p1 .LBB2_16-.Ltmp12, $2  }
0x183: {  	v2 =	vadd.s32 $0x4, v2;
	_ =	sdelay $0x2  }
0x184: {  	s11 =	sadd.s32 $0x10, s11;
	s0 =	sadd.s32 $0x10, s0;
	v4 =	vor.u32 s1, v1  }
0x185: {  	_ =	sdelay $0x1  }
0x186: {  	v5 =	vmov s1;
	v4 =	vand.u32 $0x1F, v4  }
0x187: {  	[tilespmem:s0+$0x0] =	vst v3;
	v3 =	vmin.u32 v4, $0xF;
	v4 =	vand.u32 $0xE0, v5  }
0x188: {  	v2 =	vld.idx.msk [tilespmem:v2+s28+$0x0], $0xffff;
	v3 =	vor.u32 v4, v3  }
0x189: {  	v3 =	vadd.s32 $0x4, v3;
	_ =	sdelay $0x2  }
0x18a: {  	s24 =	sadd.s32 $0x10, s0  }
0x18b: {  	[tilespmem:s24+$0x0] =	vst v2  }
0x18c: {  	v2 =	vld.idx.msk [tilespmem:v3+s28+$0x0], $0xffff;
	_ =	sdelay $0x3  }
0x18d: {  	s0 =	sadd.s32 $0x10, s24  }
0x18e: {  	[tilespmem:s0+$0x0] =	vst v2  }
0x18f: {  	v2 =	vld [tilespmem:$0xC900];
	_ =	sdelay $0x5  }
0x190: {  	v3 =	vld [tilespmem:$0xC910]  }
0x191: {  	v4 =	vld [tilespmem:$0xCB80]  }
0x192: {  	v2 =	vld.idx.msk [tilespmem:v2+s29+$0x0], $0xffff;
	_ =	sdelay $0x4  }
0x193: {  	v2 =	vadd.s32 v2, v4  }
0x194: {  	[tilespmem:$0xE300] =	vst v2  }
0x195: {  	v2 =	vld.idx.msk [tilespmem:v3+s29+$0x0], $0xffff  }
0x196: {  	v3 =	vld [tilespmem:$0xC920]  }
0x197: {  	v4 =	vld [tilespmem:$0xCB90];
	_ =	sdelay $0x4  }
0x198: {  	v2 =	vadd.s32 v2, v4  }
0x199: {  	[tilespmem:$0xE310] =	vst v2  }
0x19a: {  	v2 =	vld.idx.msk [tilespmem:v3+s29+$0x0], $0xffff  }
0x19b: {  	v3 =	vld [tilespmem:$0xC930]  }
0x19c: {  	v4 =	vld [tilespmem:$0xCBA0];
	_ =	sdelay $0x4  }
0x19d: {  	v2 =	vadd.s32 v2, v4  }
0x19e: {  	[tilespmem:$0xE320] =	vst v2  }
0x19f: {  	v2 =	vld.idx.msk [tilespmem:v3+s29+$0x0], $0xffff  }
0x1a0: {  	v3 =	vld [tilespmem:$0xC940]  }
0x1a1: {  	v4 =	vld [tilespmem:$0xCBB0];
	_ =	sdelay $0x4  }
0x1a2: {  	v2 =	vadd.s32 v2, v4  }
0x1a3: {  	[tilespmem:$0xE330] =	vst v2  }
0x1a4: {  	v2 =	vld.idx.msk [tilespmem:v3+s29+$0x0], $0xffff  }
0x1a5: {  	v3 =	vld [tilespmem:$0xC950]  }
0x1a6: {  	v4 =	vld [tilespmem:$0xCBC0];
	_ =	sdelay $0x4  }
0x1a7: {  	v2 =	vadd.s32 v2, v4  }
0x1a8: {  	[tilespmem:$0xE340] =	vst v2  }
0x1a9: {  	v2 =	vld.idx.msk [tilespmem:v3+s29+$0x0], $0xffff  }
0x1aa: {  	v3 =	vld [tilespmem:$0xC960]  }
0x1ab: {  	v4 =	vld [tilespmem:$0xCBD0];
	_ =	sdelay $0x4  }
0x1ac: {  	v2 =	vadd.s32 v2, v4  }
0x1ad: {  	[tilespmem:$0xE350] =	vst v2  }
0x1ae: {  	v2 =	vld.idx.msk [tilespmem:v3+s29+$0x0], $0xffff  }
0x1af: {  	v3 =	vld [tilespmem:$0xC970]  }
0x1b0: {  	v4 =	vld [tilespmem:$0xCBE0];
	_ =	sdelay $0x4  }
0x1b1: {  	v2 =	vadd.s32 v2, v4  }
0x1b2: {  	[tilespmem:$0xE360] =	vst v2  }
0x1b3: {  	v2 =	vld.idx.msk [tilespmem:v3+s29+$0x0], $0xffff  }
0x1b4: {  	v3 =	vld [tilespmem:$0xC980]  }
0x1b5: {  	v4 =	vld [tilespmem:$0xCBF0];
	_ =	sdelay $0x4  }
0x1b6: {  	v2 =	vadd.s32 v2, v4  }
0x1b7: {  	[tilespmem:$0xE370] =	vst v2  }
0x1b8: {  	v2 =	vld.idx.msk [tilespmem:v3+s29+$0x0], $0xffff  }
0x1b9: {  	v3 =	vld [tilespmem:$0xC990]  }
0x1ba: {  	v4 =	vld [tilespmem:$0xCC00];
	_ =	sdelay $0x4  }
0x1bb: {  	v2 =	vadd.s32 v2, v4  }
0x1bc: {  	[tilespmem:$0xE380] =	vst v2  }
0x1bd: {  	v2 =	vld.idx.msk [tilespmem:v3+s29+$0x0], $0xffff  }
0x1be: {  	v3 =	vld [tilespmem:$0xC9A0]  }
0x1bf: {  	v4 =	vld [tilespmem:$0xCC10];
	_ =	sdelay $0x4  }
0x1c0: {  	v2 =	vadd.s32 v2, v4  }
0x1c1: {  	[tilespmem:$0xE390] =	vst v2  }
0x1c2: {  	v2 =	vld.idx.msk [tilespmem:v3+s29+$0x0], $0xffff  }
0x1c3: {  	v3 =	vld [tilespmem:$0xC9B0]  }
0x1c4: {  	v4 =	vld [tilespmem:$0xCC20];
	_ =	sdelay $0x4  }
0x1c5: {  	v2 =	vadd.s32 v2, v4  }
0x1c6: {  	[tilespmem:$0xE3A0] =	vst v2  }
0x1c7: {  	v2 =	vld.idx.msk [tilespmem:v3+s29+$0x0], $0xffff  }
0x1c8: {  	v3 =	vld [tilespmem:$0xC9C0]  }
0x1c9: {  	v4 =	vld [tilespmem:$0xCC30];
	_ =	sdelay $0x4  }
0x1ca: {  	v2 =	vadd.s32 v2, v4  }
0x1cb: {  	[tilespmem:$0xE3B0] =	vst v2  }
0x1cc: {  	v2 =	vld.idx.msk [tilespmem:v3+s29+$0x0], $0xffff  }
0x1cd: {  	v3 =	vld [tilespmem:$0xC9D0]  }
0x1ce: {  	v4 =	vld [tilespmem:$0xCC40];
	_ =	sdelay $0x4  }
0x1cf: {  	v2 =	vadd.s32 v2, v4  }
0x1d0: {  	[tilespmem:$0xE3C0] =	vst v2  }
0x1d1: {  	v2 =	vld.idx.msk [tilespmem:v3+s29+$0x0], $0xffff  }
0x1d2: {  	v3 =	vld [tilespmem:$0xC9E0]  }
0x1d3: {  	v4 =	vld [tilespmem:$0xCC50];
	_ =	sdelay $0x4  }
0x1d4: {  	v2 =	vadd.s32 v2, v4  }
0x1d5: {  	[tilespmem:$0xE3D0] =	vst v2  }
0x1d6: {  	v2 =	vld.idx.msk [tilespmem:v3+s29+$0x0], $0xffff  }
0x1d7: {  	v3 =	vld [tilespmem:$0xC9F0]  }
0x1d8: {  	v4 =	vld [tilespmem:$0xCC60];
	_ =	sdelay $0x4  }
0x1d9: {  	v2 =	vadd.s32 v2, v4  }
0x1da: {  	[tilespmem:$0xE3E0] =	vst v2  }
0x1db: {  	v2 =	vld.idx.msk [tilespmem:v3+s29+$0x0], $0xffff  }
0x1dc: {  	v3 =	vld [tilespmem:$0xCA00]  }
0x1dd: {  	v4 =	vld [tilespmem:$0xCC70];
	_ =	sdelay $0x4  }
0x1de: {  	v2 =	vadd.s32 v2, v4  }
0x1df: {  	[tilespmem:$0xE3F0] =	vst v2  }
0x1e0: {  	v2 =	vld.idx.msk [tilespmem:v3+s29+$0x0], $0xffff  }
0x1e1: {  	v3 =	vld [tilespmem:$0xCA10]  }
0x1e2: {  	v4 =	vld [tilespmem:$0xCC80];
	_ =	sdelay $0x4  }
0x1e3: {  	v2 =	vadd.s32 v2, v4  }
0x1e4: {  	[tilespmem:$0xE400] =	vst v2  }
0x1e5: {  	v2 =	vld.idx.msk [tilespmem:v3+s29+$0x0], $0xffff  }
0x1e6: {  	v3 =	vld [tilespmem:$0xCA20]  }
0x1e7: {  	v4 =	vld [tilespmem:$0xCC90];
	_ =	sdelay $0x4  }
0x1e8: {  	v2 =	vadd.s32 v2, v4  }
0x1e9: {  	[tilespmem:$0xE410] =	vst v2  }
0x1ea: {  	v2 =	vld.idx.msk [tilespmem:v3+s29+$0x0], $0xffff  }
0x1eb: {  	v3 =	vld [tilespmem:$0xCA30]  }
0x1ec: {  	v4 =	vld [tilespmem:$0xCCA0];
	_ =	sdelay $0x4  }
0x1ed: {  	v2 =	vadd.s32 v2, v4  }
0x1ee: {  	[tilespmem:$0xE420] =	vst v2  }
0x1ef: {  	v2 =	vld.idx.msk [tilespmem:v3+s29+$0x0], $0xffff  }
0x1f0: {  	v3 =	vld [tilespmem:$0xCA40]  }
0x1f1: {  	v4 =	vld [tilespmem:$0xCCB0];
	_ =	sdelay $0x4  }
0x1f2: {  	v2 =	vadd.s32 v2, v4  }
0x1f3: {  	[tilespmem:$0xE430] =	vst v2  }
0x1f4: {  	v2 =	vld.idx.msk [tilespmem:v3+s29+$0x0], $0xffff  }
0x1f5: {  	v3 =	vld [tilespmem:$0xCA50]  }
0x1f6: {  	v4 =	vld [tilespmem:$0xCCC0];
	_ =	sdelay $0x4  }
0x1f7: {  	v2 =	vadd.s32 v2, v4  }
0x1f8: {  	[tilespmem:$0xE440] =	vst v2  }
0x1f9: {  	v2 =	vld.idx.msk [tilespmem:v3+s29+$0x0], $0xffff  }
0x1fa: {  	v3 =	vld [tilespmem:$0xCA60]  }
0x1fb: {  	v4 =	vld [tilespmem:$0xCCD0];
	_ =	sdelay $0x4  }
0x1fc: {  	v2 =	vadd.s32 v2, v4  }
0x1fd: {  	[tilespmem:$0xE450] =	vst v2  }
0x1fe: {  	v2 =	vld.idx.msk [tilespmem:v3+s29+$0x0], $0xffff  }
0x1ff: {  	v3 =	vld [tilespmem:$0xCA70]  }
0x200: {  	v4 =	vld [tilespmem:$0xCCE0];
	_ =	sdelay $0x4  }
0x201: {  	v2 =	vadd.s32 v2, v4  }
0x202: {  	[tilespmem:$0xE460] =	vst v2  }
0x203: {  	v2 =	vld.idx.msk [tilespmem:v3+s29+$0x0], $0xffff  }
0x204: {  	v3 =	vld [tilespmem:$0xCA80]  }
0x205: {  	v4 =	vld [tilespmem:$0xCCF0];
	_ =	sdelay $0x4  }
0x206: {  	v2 =	vadd.s32 v2, v4  }
0x207: {  	[tilespmem:$0xE470] =	vst v2  }
0x208: {  	v2 =	vld.idx.msk [tilespmem:v3+s29+$0x0], $0xffff  }
0x209: {  	v3 =	vld [tilespmem:$0xCA90]  }
0x20a: {  	v4 =	vld [tilespmem:$0xCD00];
	_ =	sdelay $0x4  }
0x20b: {  	v2 =	vadd.s32 v2, v4  }
0x20c: {  	[tilespmem:$0xE480] =	vst v2  }
0x20d: {  	v2 =	vld.idx.msk [tilespmem:v3+s29+$0x0], $0xffff  }
0x20e: {  	v3 =	vld [tilespmem:$0xCAA0]  }
0x20f: {  	v4 =	vld [tilespmem:$0xCD10];
	_ =	sdelay $0x4  }
0x210: {  	v2 =	vadd.s32 v2, v4  }
0x211: {  	[tilespmem:$0xE490] =	vst v2  }
0x212: {  	v2 =	vld.idx.msk [tilespmem:v3+s29+$0x0], $0xffff  }
0x213: {  	v3 =	vld [tilespmem:$0xCAB0]  }
0x214: {  	v4 =	vld [tilespmem:$0xCD20];
	_ =	sdelay $0x4  }
0x215: {  	v2 =	vadd.s32 v2, v4  }
0x216: {  	[tilespmem:$0xE4A0] =	vst v2  }
0x217: {  	v2 =	vld.idx.msk [tilespmem:v3+s29+$0x0], $0xffff  }
0x218: {  	v3 =	vld [tilespmem:$0xCAC0]  }
0x219: {  	v4 =	vld [tilespmem:$0xCD30];
	_ =	sdelay $0x4  }
0x21a: {  	v2 =	vadd.s32 v2, v4  }
0x21b: {  	[tilespmem:$0xE4B0] =	vst v2  }
0x21c: {  	v2 =	vld.idx.msk [tilespmem:v3+s29+$0x0], $0xffff  }
0x21d: {  	v3 =	vld [tilespmem:$0xCAD0]  }
0x21e: {  	v4 =	vld [tilespmem:$0xCD40];
	_ =	sdelay $0x4  }
0x21f: {  	v2 =	vadd.s32 v2, v4  }
0x220: {  	[tilespmem:$0xE4C0] =	vst v2  }
0x221: {  	v2 =	vld.idx.msk [tilespmem:v3+s29+$0x0], $0xffff  }
0x222: {  	v3 =	vld [tilespmem:$0xCAE0]  }
0x223: {  	v4 =	vld [tilespmem:$0xCD50];
	_ =	sdelay $0x4  }
0x224: {  	v2 =	vadd.s32 v2, v4  }
0x225: {  	[tilespmem:$0xE4D0] =	vst v2  }
0x226: {  	v2 =	vld.idx.msk [tilespmem:v3+s29+$0x0], $0xffff  }
0x227: {  	v3 =	vld [tilespmem:$0xCAF0]  }
0x228: {  	v4 =	vld [tilespmem:$0xCD60];
	_ =	sdelay $0x4  }
0x229: {  	v2 =	vadd.s32 v2, v4  }
0x22a: {  	[tilespmem:$0xE4E0] =	vst v2  }
0x22b: {  	v2 =	vld.idx.msk [tilespmem:v3+s29+$0x0], $0xffff  }
0x22c: {  	v3 =	vld [tilespmem:$0xCB00]  }
0x22d: {  	v4 =	vld [tilespmem:$0xCD70];
	_ =	sdelay $0x4  }
0x22e: {  	v2 =	vadd.s32 v2, v4  }
0x22f: {  	[tilespmem:$0xE4F0] =	vst v2  }
0x230: {  	v2 =	vld.idx.msk [tilespmem:v3+s29+$0x0], $0xffff  }
0x231: {  	v3 =	vld [tilespmem:$0xCB10]  }
0x232: {  	v4 =	vld [tilespmem:$0xCD80];
	_ =	sdelay $0x4  }
0x233: {  	v2 =	vadd.s32 v2, v4  }
0x234: {  	[tilespmem:$0xE500] =	vst v2  }
0x235: {  	v2 =	vld.idx.msk [tilespmem:v3+s29+$0x0], $0xffff  }
0x236: {  	v3 =	vld [tilespmem:$0xCB20]  }
0x237: {  	v4 =	vld [tilespmem:$0xCD90];
	_ =	sdelay $0x4  }
0x238: {  	v2 =	vadd.s32 v2, v4  }
0x239: {  	[tilespmem:$0xE510] =	vst v2  }
0x23a: {  	v2 =	vld.idx.msk [tilespmem:v3+s29+$0x0], $0xffff  }
0x23b: {  	v3 =	vld [tilespmem:$0xCB30]  }
0x23c: {  	v4 =	vld [tilespmem:$0xCDA0];
	_ =	sdelay $0x4  }
0x23d: {  	v2 =	vadd.s32 v2, v4  }
0x23e: {  	[tilespmem:$0xE520] =	vst v2  }
0x23f: {  	v2 =	vld.idx.msk [tilespmem:v3+s29+$0x0], $0xffff  }
0x240: {  	v3 =	vld [tilespmem:$0xCB40]  }
0x241: {  	v4 =	vld [tilespmem:$0xCDB0];
	_ =	sdelay $0x4  }
0x242: {  	v2 =	vadd.s32 v2, v4  }
0x243: {  	[tilespmem:$0xE530] =	vst v2  }
0x244: {  	v2 =	vld.idx.msk [tilespmem:v3+s29+$0x0], $0xffff  }
0x245: {  	v3 =	vld [tilespmem:$0xCB50]  }
0x246: {  	v4 =	vld [tilespmem:$0xCDC0];
	_ =	sdelay $0x4  }
0x247: {  	v2 =	vadd.s32 v2, v4  }
0x248: {  	[tilespmem:$0xE540] =	vst v2  }
0x249: {  	v2 =	vld.idx.msk [tilespmem:v3+s29+$0x0], $0xffff  }
0x24a: {  	v3 =	vld [tilespmem:$0xCB60]  }
0x24b: {  	v4 =	vld [tilespmem:$0xCDD0];
	_ =	sdelay $0x4  }
0x24c: {  	v2 =	vadd.s32 v2, v4  }
0x24d: {  	[tilespmem:$0xE550] =	vst v2  }
0x24e: {  	v2 =	vld.idx.msk [tilespmem:v3+s29+$0x0], $0xffff  }
0x24f: {  	v3 =	vld [tilespmem:$0xCB70]  }
0x250: {  	v4 =	vld [tilespmem:$0xCDE0];
	_ =	sdelay $0x4  }
0x251: {  	v2 =	vadd.s32 v2, v4  }
0x252: {  	[tilespmem:$0xE560] =	vst v2  }
0x253: {  	v2 =	vld.idx.msk [tilespmem:v3+s29+$0x0], $0xffff  }
0x254: {  	v3 =	vld [tilespmem:$0xCDF0];
	_ =	sdelay $0x4  }
0x255: {  	v2 =	vadd.s32 v2, v3  }
0x256: {  	s12 =	simm.s32 $0xE300;
	s0 =	rddreg [dreg:$0x2];
	[tilespmem:$0xE570] =	vst v2  }
0x257: {  	[spmem:s0] =	stream.indirect.scatter [tilespmem:s9], [sflag:$0x1], $0x1, s12, s30, $0xb8;
	[tilespmem:$0xF380] =	vst v63  }
0x258: {  	s1 =	rddreg [dreg:$0x3]  }
0x259: {  	[spmem:s1] =	stream.indirect.scatter [tilespmem:s18], [sflag:$0x1], $0x1, s12, s30, $0xb8;
	[tilespmem:$0xF380] =	vst v63  }
0x25a: {  	s11 =	rddreg [dreg:$0x4]  }
0x25b: {  	[spmem:s11] =	stream.indirect.scatter [tilespmem:s19], [sflag:$0x1], $0x1, s12, s30, $0xb8;
	[tilespmem:$0xF380] =	vst v63  }
0x25c: {  	_ = 	snop  }
0x25d: {  	[spmem:s5] =	stream.indirect.scatter [tilespmem:s20], [sflag:$0x1], $0x1, s12, s30, $0xb8;
	[tilespmem:$0xF380] =	vst v63  }
0x25e: {  	s13 =	simm.s32 $0xC900  }
0x25f: {  	[spmem:s6] =	stream.indirect.scatter [tilespmem:s13], [sflag:$0x1], $0x1, s12, s30, $0xb8;
	[tilespmem:$0xF380] =	vst v63  }
0x260: {  	s25 =	rddreg [dreg:$0xf];
	s31 =	simm.s32 $0xE380  }
0x261: {  	[spmem:s0] =	stream.indirect.scatter [tilespmem:s25], [sflag:$0x1], $0x1, s31, s30, $0xb8;
	[tilespmem:$0xF380] =	vst v63  }
0x262: {  	s14 =	rddreg [dreg:$0x14]  }
0x263: {  	[spmem:s1] =	stream.indirect.scatter [tilespmem:s14], [sflag:$0x1], $0x1, s31, s30, $0xb8;
	[tilespmem:$0xF380] =	vst v63  }
0x264: {  	s15 =	rddreg [dreg:$0x15]  }
0x265: {  	[spmem:s11] =	stream.indirect.scatter [tilespmem:s15], [sflag:$0x1], $0x1, s31, s30, $0xb8;
	[tilespmem:$0xF380] =	vst v63  }
0x266: {  	s2 =	smov.u32 s18;
	s18 =	rddreg [dreg:$0x16]  }
0x267: {  	[spmem:s5] =	stream.indirect.scatter [tilespmem:s18], [sflag:$0x1], $0x1, s31, s30, $0xb8;
	[tilespmem:$0xF380] =	vst v63  }
0x268: {  	s3 =	smov.u32 s19;
	s19 =	simm.s32 $0xC980  }
0x269: {  	[spmem:s6] =	stream.indirect.scatter [tilespmem:s19], [sflag:$0x1], $0x1, s31, s30, $0xb8;
	[tilespmem:$0xF380] =	vst v63  }
0x26a: {  	s4 =	smov.u32 s20;
	s21 =	simm.s32 $0xE400;
	s20 =	rddreg [dreg:$0x17]  }
0x26b: {  	[spmem:s0] =	stream.indirect.scatter [tilespmem:s20], [sflag:$0x1], $0x1, s21, s30, $0xb8;
	[tilespmem:$0xF380] =	vst v63  }
0x26c: {  	s24 =	rddreg [dreg:$0x18]  }
0x26d: {  	[spmem:s1] =	stream.indirect.scatter [tilespmem:s24], [sflag:$0x1], $0x1, s21, s30, $0xb8;
	[tilespmem:$0xF380] =	vst v63  }
0x26e: {  	s25 =	rddreg [dreg:$0x19]  }
0x26f: {  	[spmem:s11] =	stream.indirect.scatter [tilespmem:s25], [sflag:$0x1], $0x1, s21, s30, $0xb8;
	[tilespmem:$0xF380] =	vst v63  }
0x270: {  	s31 =	rddreg [dreg:$0x1a]  }
0x271: {  	[spmem:s5] =	stream.indirect.scatter [tilespmem:s31], [sflag:$0x1], $0x1, s21, s30, $0xb8;
	[tilespmem:$0xF380] =	vst v63  }
0x272: {  	s14 =	simm.s32 $0xCA00  }
0x273: {  	[spmem:s6] =	stream.indirect.scatter [tilespmem:s14], [sflag:$0x1], $0x1, s21, s30, $0xb8;
	[tilespmem:$0xF380] =	vst v63  }
0x274: {  	s15 =	rddreg [dreg:$0x1b];
	s18 =	simm.s32 $0xE480  }
0x275: {  	[spmem:s0] =	stream.indirect.scatter [tilespmem:s15], [sflag:$0x1], $0x1, s18, s30, $0xb8;
	[tilespmem:$0xF380] =	vst v63  }
0x276: {  	s19 =	rddreg [dreg:$0x1c]  }
0x277: {  	[spmem:s1] =	stream.indirect.scatter [tilespmem:s19], [sflag:$0x1], $0x1, s18, s30, $0xb8;
	[tilespmem:$0xF380] =	vst v63  }
0x278: {  	s20 =	rddreg [dreg:$0x1d]  }
0x279: {  	[spmem:s11] =	stream.indirect.scatter [tilespmem:s20], [sflag:$0x1], $0x1, s18, s30, $0xb8;
	[tilespmem:$0xF380] =	vst v63  }
0x27a: {  	s21 =	rddreg [dreg:$0x1e]  }
0x27b: {  	[spmem:s5] =	stream.indirect.scatter [tilespmem:s21], [sflag:$0x1], $0x1, s18, s30, $0xb8;
	[tilespmem:$0xF380] =	vst v63  }
0x27c: {  	s24 =	simm.s32 $0xCA80;
	s25 =	rddreg [dreg:$0x1f]  }
0x27d: {  	[spmem:s6] =	stream.indirect.scatter [tilespmem:s24], [sflag:$0x1], $0x1, s18, s30, $0xb8;
	[tilespmem:$0xF380] =	vst v63  }
0x27e: {  	s31 =	simm.s32 $0xE500;
	s14 =	sld [smem:$0x7FB]  }
0x27f: {  	[spmem:s0] =	stream.indirect.scatter [tilespmem:s25], [sflag:$0x1], $0x1, s31, s30, $0xb8;
	[tilespmem:$0xF380] =	vst v63  }
0x280: {  	s15 =	sld [smem:$0x7FC]  }
0x281: {  	[spmem:s1] =	stream.indirect.scatter [tilespmem:s14], [sflag:$0x1], $0x1, s31, s30, $0xb8;
	[tilespmem:$0xF380] =	vst v63  }
0x282: {  	s18 =	sld [smem:$0x7FD]  }
0x283: {  	[spmem:s11] =	stream.indirect.scatter [tilespmem:s15], [sflag:$0x1], $0x1, s31, s30, $0xb8;
	[tilespmem:$0xF380] =	vst v63  }
0x284: {  	_ = 	snop  }
0x285: {  	[spmem:s5] =	stream.indirect.scatter [tilespmem:s18], [sflag:$0x1], $0x1, s31, s30, $0xb8;
	[tilespmem:$0xF380] =	vst v63  }
0x286: {  	s19 =	simm.s32 $0xCB00  }
0x287: {  	[spmem:s6] =	stream.indirect.scatter [tilespmem:s19], [sflag:$0x1], $0x1, s31, s30, $0xb8;
	[tilespmem:$0xF380] =	vst v63  }
0x288: {  	_ =	swait.ge [sflag:s23], $0x80  }
0x289: {  	[sflag:s23] =	ssyncset.done $0x0  }
0x28a: {  	[sflag:s23] =	ssyncadd.s32 $0xFFFFFF80  }
0x28b: {  	_ =	swait.ge [sflag:s23], $0x80  }
0x28c: {  	[sflag:s23] =	ssyncset.done $0x0  }
0x28d: {  	[sflag:s23] =	ssyncadd.s32 $0xFFFFFF80  }
0x28e: {  	_ =	swait.ge [sflag:s23], $0x80  }
0x28f: {  	[sflag:s23] =	ssyncset.done $0x0  }
0x290: {  	[sflag:s23] =	ssyncadd.s32 $0xFFFFFF80  }
0x291: {  	_ =	swait.ge [sflag:s23], $0x80  }
0x292: {  	[sflag:s23] =	ssyncset.done $0x0  }
0x293: {  	[sflag:s23] =	ssyncadd.s32 $0xFFFFFF80  }
0x294: {  	_ =	swait.ge [sflag:s23], $0x80  }
0x295: {  	[sflag:s23] =	ssyncset.done $0x0  }
0x296: {  	[sflag:s23] =	ssyncadd.s32 $0xFFFFFF80  }
0x297: {  	_ =	swait.ge [sflag:s23], $0x80  }
0x298: {  	[sflag:s23] =	ssyncset.done $0x0  }
0x299: {  	[sflag:s23] =	ssyncadd.s32 $0xFFFFFF80  }
0x29a: {  	_ =	swait.ge [sflag:s23], $0x80  }
0x29b: {  	[sflag:s23] =	ssyncset.done $0x0  }
0x29c: {  	[sflag:s23] =	ssyncadd.s32 $0xFFFFFF80  }
0x29d: {  	_ =	swait.ge [sflag:s23], $0x80  }
0x29e: {  	[sflag:s23] =	ssyncset.done $0x0  }
0x29f: {  	[sflag:s23] =	ssyncadd.s32 $0xFFFFFF80  }
0x2a0: {  	_ =	swait.ge [sflag:s23], $0x80  }
0x2a1: {  	[sflag:s23] =	ssyncset.done $0x0  }
0x2a2: {  	[sflag:s23] =	ssyncadd.s32 $0xFFFFFF80  }
0x2a3: {  	_ =	swait.ge [sflag:s23], $0x80  }
0x2a4: {  	[sflag:s23] =	ssyncset.done $0x0  }
0x2a5: {  	[sflag:s23] =	ssyncadd.s32 $0xFFFFFF80  }
0x2a6: {  	_ =	swait.ge [sflag:s23], $0x80  }
0x2a7: {  	[sflag:s23] =	ssyncset.done $0x0  }
0x2a8: {  	[sflag:s23] =	ssyncadd.s32 $0xFFFFFF80  }
0x2a9: {  	_ =	swait.ge [sflag:s23], $0x80  }
0x2aa: {  	[sflag:s23] =	ssyncset.done $0x0  }
0x2ab: {  	[sflag:s23] =	ssyncadd.s32 $0xFFFFFF80  }
0x2ac: {  	_ =	swait.ge [sflag:s23], $0x80  }
0x2ad: {  	[sflag:s23] =	ssyncset.done $0x0  }
0x2ae: {  	[sflag:s23] =	ssyncadd.s32 $0xFFFFFF80  }
0x2af: {  	_ =	swait.ge [sflag:s23], $0x80  }
0x2b0: {  	[sflag:s23] =	ssyncset.done $0x0  }
0x2b1: {  	[sflag:s23] =	ssyncadd.s32 $0xFFFFFF80  }
0x2b2: {  	_ =	swait.ge [sflag:s23], $0x80  }
0x2b3: {  	[sflag:s23] =	ssyncset.done $0x0  }
0x2b4: {  	[sflag:s23] =	ssyncadd.s32 $0xFFFFFF80  }
0x2b5: {  	_ =	swait.ge [sflag:s23], $0x80  }
0x2b6: {  	[sflag:s23] =	ssyncset.done $0x0  }
0x2b7: {  	[sflag:s23] =	ssyncadd.s32 $0xFFFFFF80  }
0x2b8: {  	_ =	swait.ge [sflag:s23], $0x80  }
0x2b9: {  	[sflag:s23] =	ssyncset.done $0x0  }
0x2ba: {  	[sflag:s23] =	ssyncadd.s32 $0xFFFFFF80  }
0x2bb: {  	_ =	swait.ge [sflag:s23], $0x80  }
0x2bc: {  	[sflag:s23] =	ssyncset.done $0x0  }
0x2bd: {  	[sflag:s23] =	ssyncadd.s32 $0xFFFFFF80  }
0x2be: {  	_ =	swait.ge [sflag:s23], $0x80  }
0x2bf: {  	[sflag:s23] =	ssyncset.done $0x0  }
0x2c0: {  	[sflag:s23] =	ssyncadd.s32 $0xFFFFFF80  }
0x2c1: {  	_ =	swait.ge [sflag:s23], $0x80  }
0x2c2: {  	[sflag:s23] =	ssyncset.done $0x0  }
0x2c3: {  	[sflag:s23] =	ssyncadd.s32 $0xFFFFFF80  }
0x2c4: {  	_ =	swait.ge [sflag:s23], $0x80  }
0x2c5: {  	[sflag:s23] =	ssyncset.done $0x0  }
0x2c6: {  	[sflag:s23] =	ssyncadd.s32 $0xFFFFFF80  }
0x2c7: {  	_ =	swait.ge [sflag:s23], $0x80  }
0x2c8: {  	[sflag:s23] =	ssyncset.done $0x0  }
0x2c9: {  	[sflag:s23] =	ssyncadd.s32 $0xFFFFFF80  }
0x2ca: {  	_ =	swait.ge [sflag:s23], $0x80  }
0x2cb: {  	[sflag:s23] =	ssyncset.done $0x0  }
0x2cc: {  	[sflag:s23] =	ssyncadd.s32 $0xFFFFFF80  }
0x2cd: {  	_ =	swait.ge [sflag:s23], $0x80  }
0x2ce: {  	[sflag:s23] =	ssyncset.done $0x0  }
0x2cf: {  	[sflag:s23] =	ssyncadd.s32 $0xFFFFFF80  }
0x2d0: {  	_ =	swait.ge [sflag:s23], $0x80  }
0x2d1: {  	[sflag:s23] =	ssyncset.done $0x0  }
0x2d2: {  	[sflag:s23] =	ssyncadd.s32 $0xFFFFFF80  }
0x2d3: {  	s24 =	simm.s32 $0x0;
	[bflag:$0x0] =	sbarrier.arrive $0xFFFF  }
0x2d4: {  	[tilespmem:s24], [sflag:$0x1] =	stream.linear.gather [spmem:s0], $0x2800, $0x38;
	[tilespmem:$0xF380] =	vst v63  }
0x2d5: {  	s20 =	simm.s32 $0x2800  }
0x2d6: {  	[tilespmem:s20], [sflag:$0x1] =	stream.linear.gather [spmem:s1], $0x2800, $0x38;
	[tilespmem:$0xF380] =	vst v63  }
0x2d7: {  	s21 =	simm.s32 $0x5000  }
0x2d8: {  	[tilespmem:s21], [sflag:$0x1] =	stream.linear.gather [spmem:s11], $0x2800, $0x38;
	[tilespmem:$0xF380] =	vst v63  }
0x2d9: {  	s25 =	simm.s32 $0x7800  }
0x2da: {  	[tilespmem:s25], [sflag:$0x1] =	stream.linear.gather [spmem:s5], $0x2800, $0x38;
	[tilespmem:$0xF380] =	vst v63  }
0x2db: {  	s31 =	simm.s32 $0xA080  }
0x2dc: {  	[tilespmem:s31], [sflag:$0x1] =	stream.linear.gather [spmem:s6], $0x2800, $0x38;
	[tilespmem:$0xF380] =	vst v63  }
0x2dd: {  	_ =	swait.ge [sflag:s23], $0x2800  }
0x2de: {  	[sflag:s23] =	ssyncset.done $0x0  }
0x2df: {  	[sflag:s23] =	ssyncadd.s32 $0xFFFFD800  }
0x2e0: {  	_ =	swait.ge [sflag:s23], $0x2800  }
0x2e1: {  	[sflag:s23] =	ssyncset.done $0x0  }
0x2e2: {  	[sflag:s23] =	ssyncadd.s32 $0xFFFFD800  }
0x2e3: {  	_ =	swait.ge [sflag:s23], $0x2800  }
0x2e4: {  	[sflag:s23] =	ssyncset.done $0x0  }
0x2e5: {  	[sflag:s23] =	ssyncadd.s32 $0xFFFFD800  }
0x2e6: {  	_ =	swait.ge [sflag:s23], $0x2800  }
.Ltmp13:
0x2e7: {  	[sflag:s23] =	ssyncset.done $0x0;
	(pc) =	sbr.rel .LBB2_18-.Ltmp13, $4  }
0x2e8: {  	[sflag:s23] =	ssyncadd.s32 $0xFFFFD800  }
0x2e9: {  	_ =	swait.ge [sflag:s23], $0x2800  }
0x2ea: {  	[sflag:s23] =	ssyncset.done $0x0;
	s25 =	rddreg [dreg:$0x13]  }
0x2eb: {  	v7 =	vimm.f32 $0.0e+00;
	s18 =	rddreg [dreg:$0x12];
	[sflag:s23] =	ssyncadd.s32 $0xFFFFD800  }
.LBB2_22:
0x2ec: {  	s0 =	sand.u32 $0xFFFFFFF0, s21  }
0x2ed: {  	v8 =	vld [tilespmem:s0+$0x0]  }
0x2ee: {  	v9 =	vld [tilespmem:s0+$0x2800];
	_ =	sdelay $0x1  }
0x2ef: {  	v10 =	vld [tilespmem:s0+$0x5000];
	_ =	sdelay $0x2  }
0x2f0: {  	v2 =	vsub.f32 v8, v2;
	v3 =	vsub.f32 v9, v3;
	v8 =	vld [tilespmem:s0+$0x7800];
	_ =	sdelay $0x1  }
0x2f1: {  	v4 =	vsub.f32 v10, v4;
	v2 =	vmul.f32 v2, v2;
	v3 =	vmul.f32 v3, v3;
	_ =	sdelay $0x1  }
0x2f2: {  	v2 =	vadd.f32 v3, v2;
	v3 =	vmul.f32 v4, v4  }
0x2f3: {  	p1 =	sgt.s32 s20, s19;
	vm1 =	vmxor vm1, vm1;
	s24 =	sadd.s32 $0x1, s24;
	v4 =	vsub.f32 v8, v5  }
0x2f4: {  	vm1 =	vmneg @p1 vm1;
	p1 =	sne.s32 s24, $0x140;
	v2 =	vadd.f32 v3, v2  }
.Ltmp14:
0x2f5: {  	v3 =	vor.u32 s0, v1;
	v4 =	vmul.f32 v4, v4;
	(pc) =	sbr.rel @!p1 .LBB2_23-.Ltmp14, $4  }
0x2f6: {  	vm15 =	vlt.s32 v3, v6;
	vm0 =	vle.f32 v2, $3.999999910e-02  }
0x2f7: {  	vm0 =	vmand vm15, vm0;
	v2 =	vadd.f32 v4, v7  }
0x2f8: {  	vm0 =	vmand vm1, vm0  }
0x2f9: {  	s18 =	sadd.s32 $0x20, s18;
	s25 =	sadd.s32 $0x20, s25;
	v7 =	vsel vm0, v2, v7  }
.LBB2_18:
0x2fa: {  	s0 =	sshll.u32 s24, $0x5  }
0x2fb: {  	s1 =	sor.u32 s10, s0  }
0x2fc: {  	v2 =	vld.msk [tilespmem:s1+$0xA080 ss:$0x0], $0xffff;
	_ =	sdelay $0x7  }
0x2fd: {  	v6 =	vld.idx.msk [tilespmem:v2+s16+$0x0], $0xffff;
	_ =	sdelay $0x4  }
0x2fe: {  	(v2sf) =	vpush v6, $0x0;
	_ =	sdelay $0x5  }
0x2ff: {  	s0 =	sand.u32 $0x3FFF, s1;
	s11 =	sadd.s32 $0x1, s1;
	s12 =	sadd.s32 $0x2801, s1  }
0x300: {  	v3 =	vld.msk [tilespmem:s0+$0x2800 ss:$0x0], $0xffff;
	s13 =	sand.u32 $0x7FF0, s11;
	s12 =	sand.u32 $0x7F80, s12;
	s14 =	sand.u32 $0x70, s11  }
0x301: {  	v8 =	vld [tilespmem:s13+$0x0];
	s12 =	sor.u32 s14, s12  }
0x302: {  	s19 =	sadd.s32 $0x5001, s1;
	v9 =	vld [tilespmem:s12+$0x0]  }
0x303: {  	s21 =	sand.u32 $0xFF80, s19;
	v2 =	vld.msk [tilespmem:s1+$0x0 ss:$0x0], $0xffff  }
0x304: {  	v4 =	vld.msk [tilespmem:s0+$0x5000 ss:$0x0], $0xffff;
	s12 =	sor.u32 s14, s21  }
0x305: {  	s31 =	sadd.s32 $0x7801, s1;
	v10 =	vld [tilespmem:s12+$0x0]  }
0x306: {  	s12 =	sand.u32 $0xFF80, s31  }
0x307: {  	v5 =	vld.msk [tilespmem:s0+$0x7800 ss:$0x0], $0xffff;
	s14 =	sor.u32 s14, s12  }
0x308: {  	s19 =	sshrl.u32 s11, $0x4;
	v11 =	vld [tilespmem:s14+$0x0];
	v9 =	vsub.f32 v9, v3;
	v8 =	vsub.f32 v8, v2;
	s21 =	spop (v2sf)  }
0x309: {  	s0 =	sadd.s32 $0x1, s19;
	s20 =	sshra.s32 s21, $0x4  }
0x30a: {  	v10 =	vsub.f32 v10, v4;
	v9 =	vmul.f32 v9, v9;
	v8 =	vmul.f32 v8, v8;
	s12 =	ssub.s32 s20, s0  }
0x30b: {  	s15 =	sshrl.u32 s12, $0x1E  }
0x30c: {  	v61 =	vmul.f32 v10, v10;
	v8 =	vadd.f32 v9, v8;
	s31 =	sadd.s32 s15, s12  }
0x30d: {  	v63 =	vor.u32 s13, v1;
	v62 =	vsub.f32 v11, v5;
	s13 =	sand.u32 $0xFFFFFFFC, s31  }
0x30e: {  	v8 =	vadd.f32 v61, v8;
	p1 =	slt.s32 s13, $0x1  }
.Ltmp15:
0x30f: {  	v6 =	vbroadcast v6, $0x0;
	v10 =	vmul.f32 v62, v62;
	(pc) =	sbr.rel @p1 .LBB2_19-.Ltmp15, $4  }
0x310: {  	vm15 =	vgt.u32 v63, s1;
	vm0 =	vle.f32 v8, $3.999999910e-02  }
0x311: {  	v8 =	vadd.f32 v10, v7;
	vm0 =	vmand vm15, vm0;
	vm15 =	vlt.s32 v63, v6  }
0x312: {  	vm0 =	vmand vm15, vm0  }
0x313: {  	v7 =	vsel vm0, v8, v7;
	s14 =	sadd.s32 s0, s13  }
0x314: {  	v8 =	vld [tilespmem:s25+$0xFFFF87D0]  }
0x315: {  	v9 =	vld [tilespmem:s25+$0x0]  }
0x316: {  	v10 =	vld [tilespmem:s25+$0xFFFFD800]  }
0x317: {  	v11 =	vld [tilespmem:s25+$0xFFFFB000]  }
0x318: {  	v12 =	vld [tilespmem:s25+$0xFFFF8800]  }
0x319: {  	v13 =	vld [tilespmem:s25+$0xFFFFFFF0]  }
0x31a: {  	v16 =	vld [tilespmem:s25+$0xFFFF87F0]  }
0x31b: {  	v21 =	vld [tilespmem:s25+$0xFFFFAFF0]  }
0x31c: {  	v14 =	vld [tilespmem:s25+$0xFFFFFFE0]  }
0x31d: {  	v15 =	vld [tilespmem:s25+$0xFFFFD7F0];
	s1 =	sand.u32 $0xFFFFFFF0, s18;
	v8 =	vsub.f32 v8, v2  }
0x31e: {  	s0 =	sadd.s32 $0x4, s0;
	v24 =	vld [tilespmem:s1+$0x5000];
	v12 =	vsub.f32 v12, v2;
	v18 =	vsub.f32 v9, v5  }
0x31f: {  	p2 =	slt.s32 s0, s14;
	v11 =	vsub.f32 v11, v3;
	v10 =	vsub.f32 v10, v4  }
.Ltmp16:
0x320: {  	v17 =	vld [tilespmem:s25+$0xFFFFAFE0];
	v22 =	vsub.f32 v16, v2;
	v26 =	vsub.f32 v21, v3;
	v9 =	vmul.f32 v8, v8;
	(pc) =	sbr.rel @!p2 .LBB2_26-.Ltmp16, $4  }
0x321: {  	v19 =	vld [tilespmem:s25+$0xFFFF87E0];
	v8 =	vsub.f32 v13, v5;
	v12 =	vmul.f32 v12, v12;
	v11 =	vmul.f32 v11, v11  }
0x322: {  	v23 =	vld [tilespmem:s25+$0xFFFFD7E0];
	v13 =	vsub.f32 v14, v5;
	v14 =	vsub.f32 v15, v4;
	v10 =	vmul.f32 v10, v10  }
0x323: {  	v20 =	vld [tilespmem:s1+$0x7800];
	v25 =	vsub.f32 v24, v4;
	v22 =	vmul.f32 v22, v22;
	v24 =	vmul.f32 v26, v26  }
0x324: {  	s11 =	sadd.s32 $0x40, s25;
	p1 =	por $0x0, $0x0;
	v21 =	vld [tilespmem:s1+$0x2800];
	s1 =	sadd.s32 $0x40, s18;
	v15 =	vmul.f32 v13, v13;
	v16 =	vmul.f32 v14, v14;
	v13 =	vadd.f32 v11, v12  }
0x325: {  	_ = 	snop  }
0x326: {  	v12 =	vld [tilespmem:s11+$0xFFFF87D0]  }
0x327: {  	v11 =	vsub.f32 v17, v3;
	v17 =	vadd.f32 v24, v22;
	v22 =	vld [tilespmem:s11+$0xFFFFD800]  }
0x328: {  	v24 =	vmul.f32 v25, v25;
	v25 =	vld [tilespmem:s11+$0xFFFFB000];
	v19 =	vsub.f32 v19, v2  }
0x329: {  	v14 =	vsub.f32 v20, v5;
	v20 =	vld [tilespmem:s11+$0x0];
	v21 =	vsub.f32 v21, v3  }
0x32a: {  	v27 =	vld [tilespmem:s11+$0xFFFFFFF0];
	v13 =	vadd.f32 v10, v13;
	v26 =	vmul.f32 v11, v11;
	v19 =	vmul.f32 v19, v19  }
0x32b: {  	s15 =	sand.u32 $0xFFFFFFF0, s1;
	v23 =	vsub.f32 v23, v4;
	v11 =	vadd.f32 v16, v17;
	v16 =	vld [tilespmem:s11+$0xFFFF8800];
	v17 =	vmul.f32 v21, v21  }
0x32c: {  	v28 =	vmul.f32 v8, v8;
	v29 =	vld [tilespmem:s15+$0x5000];
	v19 =	vadd.f32 v26, v19;
	v22 =	vsub.f32 v22, v4  }
0x32d: {  	v10 =	vmul.f32 v23, v23;
	v26 =	vld [tilespmem:s11+$0xFFFF87F0];
	v21 =	vsub.f32 v12, v2;
	v17 =	vadd.f32 v17, v9  }
0x32e: {  	v14 =	vmul.f32 v14, v14;
	v25 =	vsub.f32 v25, v3;
	v12 =	vsub.f32 v20, v5;
	v20 =	vld [tilespmem:s11+$0xFFFFFFE0]  }
0x32f: {  	v8 =	vsub.f32 v27, v5;
	v9 =	vmul.f32 v21, v21;
	v21 =	vld [tilespmem:s11+$0xFFFFD7F0];
	v17 =	vadd.f32 v24, v17  }
0x330: {  	v23 =	vadd.f32 v14, v7;
	v16 =	vsub.f32 v16, v2;
	v14 =	vmul.f32 v18, v18;
	v24 =	vld [tilespmem:s11+$0xFFFFAFF0]  }
0x331: {  	s31 =	sadd.s32 $0x4, s0;
	v18 =	vadd.f32 v10, v19;
	v25 =	vmul.f32 v25, v25;
	v19 =	vld [tilespmem:s11+$0xFFFF87E0];
	vm0 =	vle.f32 v17, $3.999999910e-02  }
0x332: {  	p2 =	slt.s32 s31, s14;
	v10 =	vmul.f32 v22, v22;
	v22 =	vsub.f32 v26, v2;
	v17 =	vld [tilespmem:s11+$0xFFFFAFE0];
	v23 =	vsel vm0, v23, v7  }
.Ltmp17:
0x333: {  	v27 =	vmul.f32 v16, v16;
	v16 =	vsub.f32 v20, v5;
	v20 =	vld [tilespmem:s15+$0x7800];
	v26 =	vadd.f32 v15, v23;
	(pc) =	sbr.rel @!p2 .LBB2_28-.Ltmp17, $4  }
0x334: {  	vm15 =	vle.f32 v18, $3.999999910e-02;
	v22 =	vmul.f32 v22, v22;
	v18 =	vsub.f32 v21, v4;
	v21 =	vld [tilespmem:s15+$0x2800]  }
0x335: {  	vm0 =	vle.f32 v13, $3.999999910e-02;
	v24 =	vsub.f32 v24, v3;
	v26 =	vsel vm15, v26, v23;
	v23 =	vld [tilespmem:s11+$0xFFFFD7E0]  }
0x336: {  	v13 =	vadd.f32 v25, v27;
	v25 =	vsub.f32 v29, v4;
	v15 =	vmul.f32 v16, v16  }
0x337: {  	s0 =	sadd.s32 $0x40, s1;
	s1 =	sadd.s32 $0x40, s11;
	p1 =	por $0x1, $0x1;
	v16 =	vmul.f32 v18, v18;
	v24 =	vmul.f32 v24, v24;
	v27 =	vadd.f32 v28, v26  }
.LBB2_29:
0x338: {  	v18 =	vld [tilespmem:s1+$0xFFFF87D0];
	s11 =	sand.u32 $0xFFFFFFF0, s0;
	s31 =	sadd.s32 $0x4, s31;
	v20 =	vsub.f32 v20, v5;
	v17 =	vsub.f32 v17, v3;
	vm15 =	vle.f32 v11, $3.999999910e-02  }
0x339: {  	v11 =	vsub.f32 v19, v2;
	v28 =	vld [tilespmem:s1+$0x0];
	p2 =	slt.s32 s31, s14;
	v25 =	vmul.f32 v25, v25;
	v19 =	vadd.f32 v24, v22  }
0x33a: {  	v21 =	vsub.f32 v21, v3;
	v22 =	vld [tilespmem:s1+$0xFFFFD800];
	v23 =	vsub.f32 v23, v4;
	v17 =	vmul.f32 v17, v17  }
0x33b: {  	v29 =	vmul.f32 v11, v11;
	v24 =	vld [tilespmem:s1+$0xFFFFB000];
	v11 =	vadd.f32 v16, v19;
	v16 =	vsel vm15, v27, v26  }
0x33c: {  	v20 =	vmul.f32 v20, v20;
	v21 =	vmul.f32 v21, v21;
	v19 =	vld [tilespmem:s1+$0xFFFF8800];
	v14 =	vadd.f32 v14, v16  }
0x33d: {  	v13 =	vadd.f32 v10, v13;
	v23 =	vmul.f32 v23, v23;
	v18 =	vsub.f32 v18, v2;
	v26 =	vld [tilespmem:s1+$0xFFFFFFF0]  }
0x33e: {  	v21 =	vadd.f32 v21, v9;
	v10 =	vld [tilespmem:s1+$0xFFFFFFE0];
	v27 =	vsub.f32 v28, v5;
	v16 =	vsel vm0, v14, v16  }
0x33f: {  	v14 =	vadd.f32 v17, v29;
	v28 =	vld [tilespmem:s11+$0x5000];
	v9 =	vmul.f32 v18, v18;
	v18 =	vadd.f32 v20, v16  }
0x340: {  	v30 =	vmul.f32 v8, v8;
	v22 =	vsub.f32 v22, v4;
	v20 =	vadd.f32 v25, v21;
	v29 =	vld [tilespmem:s1+$0xFFFFD7F0]  }
0x341: {  	v21 =	vsub.f32 v24, v3;
	v25 =	vld [tilespmem:s1+$0xFFFF87F0];
	v19 =	vsub.f32 v19, v2  }
0x342: {  	v23 =	vadd.f32 v23, v14;
	v14 =	vmul.f32 v12, v12;
	v12 =	vmovc v27;
	v24 =	vld [tilespmem:s1+$0xFFFFAFF0];
	v8 =	vsub.f32 v26, v5  }
0x343: {  	vm0 =	vle.f32 v20, $3.999999910e-02;
	v27 =	vmul.f32 v21, v21;
	v17 =	vld [tilespmem:s1+$0xFFFFAFE0];
	v26 =	vmul.f32 v19, v19  }
0x344: {  	vm15 =	vle.f32 v23, $3.999999910e-02;
	v31 =	vsub.f32 v10, v5;
	v10 =	vmul.f32 v22, v22;
	v20 =	vld [tilespmem:s11+$0x7800]  }
.Ltmp18:
0x345: {  	v18 =	vsel vm0, v18, v16;
	vm0 =	vle.f32 v13, $3.999999910e-02;
	v19 =	vld [tilespmem:s1+$0xFFFF87E0];
	v22 =	vsub.f32 v29, v4;
	(pc) =	sbr.rel @p2 .LBB2_29-.Ltmp18, $4  }
0x346: {  	v29 =	vadd.f32 v15, v18;
	v15 =	vmul.f32 v31, v31;
	v21 =	vld [tilespmem:s11+$0x2800];
	v25 =	vsub.f32 v25, v2  }
0x347: {  	v13 =	vadd.f32 v27, v26;
	v23 =	vld [tilespmem:s1+$0xFFFFD7E0];
	v24 =	vsub.f32 v24, v3;
	v16 =	vmul.f32 v22, v22  }
0x348: {  	v26 =	vsel vm15, v29, v18;
	v22 =	vmul.f32 v25, v25  }
0x349: {  	s0 =	sadd.s32 $0x40, s0;
	s1 =	sadd.s32 $0x40, s1;
	v25 =	vsub.f32 v28, v4;
	v27 =	vadd.f32 v30, v26;
	v24 =	vmul.f32 v24, v24  }
0x34a: {  	v18 =	vmov v12  }
.LBB2_31:
0x34b: {  	v12 =	vsub.f32 v21, v3  }
0x34c: {  	v20 =	vsub.f32 v20, v5;
	vm15 =	vle.f32 @p1 v11, $3.999999910e-02  }
0x34d: {  	v52 =	vsub.f32 v17, v3;
	v17 =	vsel @p1 vm15, v27, v26;
	v12 =	vmul.f32 v12, v12  }
0x34e: {  	v53 =	vmul.f32 v25, v25;
	v19 =	vsub.f32 v19, v2;
	v14 =	vadd.f32 @p1 v14, v17  }
0x34f: {  	v23 =	vsub.f32 v23, v4;
	v11 =	vmul.f32 v52, v52;
	v9 =	vadd.f32 v12, v9  }
0x350: {  	v54 =	vmul.f32 v19, v19;
	v55 =	vmul.f32 v20, v20;
	v14 =	vsel @p1 vm0, v14, v17  }
0x351: {  	v7 =	vpsel p1, v14, v7;
	v9 =	vadd.f32 v53, v9  }
0x352: {  	v56 =	vmul.f32 v23, v23;
	v11 =	vadd.f32 v11, v54;
	v57 =	vadd.f32 v55, v7  }
0x353: {  	vm0 =	vle.f32 v9, $3.999999910e-02  }
0x354: {  	v58 =	vadd.f32 v56, v11;
	v7 =	vsel vm0, v57, v7  }
0x355: {  	v59 =	vadd.f32 v24, v22;
	v60 =	vadd.f32 v15, v7  }
0x356: {  	v8 =	vmul.f32 v8, v8;
	vm0 =	vle.f32 v58, $3.999999910e-02  }
0x357: {  	v61 =	vadd.f32 v16, v59;
	v7 =	vsel vm0, v60, v7  }
0x358: {  	v8 =	vadd.f32 v8, v7  }
0x359: {  	v62 =	vmul.f32 v18, v18;
	vm0 =	vle.f32 v61, $3.999999910e-02  }
0x35a: {  	v63 =	vadd.f32 v10, v13;
	v7 =	vsel vm0, v8, v7  }
0x35b: {  	v8 =	vadd.f32 v62, v7  }
0x35c: {  	vm0 =	vle.f32 v63, $3.999999910e-02  }
0x35d: {  	v7 =	vsel vm0, v8, v7  }
.LBB2_19:
0x35e: {  	p1 =	sge.s32 s14, s20  }
.Ltmp19:
0x35f: {  	_ = 	snop;
	(pc) =	sbr.rel @p1 .LBB2_22-.Ltmp19, $1  }
0x360: {  	_ =	sdelay $0x3  }
0x361: {  	s0 =	ssub.s32 s12, s13  }
0x362: {  	s1 =	sshll.u32 s20, $0x6;
	s11 =	sshll.u32 s0, $0x6  }
0x363: {  	s31 =	sshll.u32 s20, $0x4;
	s13 =	sshll.u32 s0, $0x4;
	s11 =	ssub.s32 s1, s11  }
0x364: {  	s1 =	ssub.s32 s31, s13;
	s11 =	sshra.s32 s11, $0x2  }
.LBB2_21:
0x365: {  	v8 =	vld [tilespmem:s11+$0x0];
	s12 =	sand.u32 $0xFFFFFFF0, s1  }
0x366: {  	v9 =	vld [tilespmem:s12+$0x2800];
	_ =	sdelay $0x1  }
0x367: {  	v10 =	vld [tilespmem:s12+$0x5000]  }
0x368: {  	v11 =	vld [tilespmem:s12+$0x7800];
	_ =	sdelay $0x1  }
0x369: {  	v8 =	vsub.f32 v8, v2;
	v9 =	vsub.f32 v9, v3;
	_ =	sdelay $0x1  }
0x36a: {  	v10 =	vsub.f32 v10, v4;
	v8 =	vmul.f32 v8, v8;
	v9 =	vmul.f32 v9, v9  }
0x36b: {  	v11 =	vsub.f32 v11, v5  }
0x36c: {  	p1 =	sne.s32 s0, $0x1;
	v61 =	vmul.f32 v10, v10;
	v8 =	vadd.f32 v9, v8  }
.Ltmp20:
0x36d: {  	v62 =	vmul.f32 v11, v11;
	(pc) =	sbr.rel @p1 .LBB2_21-.Ltmp20, $4  }
0x36e: {  	v8 =	vadd.f32 v61, v8  }
0x36f: {  	v63 =	vadd.f32 v62, v7  }
0x370: {  	vm0 =	vle.f32 v8, $3.999999910e-02  }
0x371: {  	s1 =	sadd.s32 $0x10, s1;
	s11 =	sadd.s32 $0x10, s11;
	s0 =	sadd.s32 $0xFFFFFFFF, s0;
	v7 =	vsel vm0, v63, v7  }
.Ltmp21:
0x372: {  	_ = 	snop;
	(pc) =	sbr.rel .LBB2_22-.Ltmp21, $1  }
0x373: {  	_ =	sdelay $0x3  }
.LBB2_26:
.Ltmp22:
0x374: {  	(pc) =	sbr.rel .LBB2_31-.Ltmp22, $2  }
0x375: {  	_ =	sdelay $0x2  }
0x376: {  	_ = 	snop  }
.LBB2_28:
.Ltmp23:
0x377: {  	(pc) =	sbr.rel .LBB2_31-.Ltmp23, $2  }
0x378: {  	_ =	sdelay $0x2  }
0x379: {  	v18 =	vmov v12  }
.LBB2_24:
0x37a: {  	_ =	sfence.sel $0x180000  }
0x37b: {  	[bflag:$0x0] =	sbarrier.arrive $0xFFFF  }
0x37c: {  	_ =	strace $0x90000047  }
0x37d: {  	[bflag:$0x2] =	sbarrier.arrive $0xFFFF  }
0x37e: {  	p0 =	sne.s32 s7, $0x0;
	s0 =	rddreg [dreg:$0x7]  }
0x37f: {  	s0 =	sadd.s32 @!p0 $0x100000, s0  }
0x380: {  	[sflag:s0] =	ssyncadd.tile.s32 @!p0 $0x1;
	_ =	shalt  }
.Lfunc_end2:
_tile_overlayer_lowered:
.L_overlay_start_2:
0x381: {  	(tag) =	ssettag $0x2  }
0x382: {  	s0 =	rddreg [dreg:$0x0];
	s2 =	stileid.u32  }
0x383: {  	s1 =	rddreg [dreg:$0x1];
	p0 =	sne.s32 s2, $0x0  }
0x384: {  	s3 =	rddreg [dreg:$0x2];
	[bflag:$0x3] =	sbarrier.arrive $0xFFFF;
	s2 =	simm.s32 @!p0 $0x1C02  }
0x385: {  	[timem:s3], [sflag:s2] =	dma.local @!p0 [hbm:s0], s1  }
0x386: {  	s0 =	simm.s32 @!p0 $0x2  }
0x387: {  	_ =	swait.ge @!p0 [sflag:s0], s1  }
0x388: {  	s1 =	ssub.s32 @!p0 $0x0, s1;
	[sflag:s0] =	ssyncset.done @!p0 $0x0  }
0x389: {  	[sflag:s0] =	ssyncadd.s32 @!p0 s1  }
0x38a: {  	[bflag:$0x3] =	sbarrier.arrive $0xFFFF  }
0x38b: {  	_ =	shalt  }

</sc_bundles>
